<compile_context>
chip_gen: v7x
topology: tpu7x:2x2x1
jax: 0.10.2.dev20260603
libtpu: 0.0.44.dev20260713+nightly
codegen_flags: <defaults>
</compile_context>

<pallas_src>
import jax
import jax.numpy as jnp
from jax.experimental import pallas as pl
from jax.experimental.pallas import tpu as pltpu

E = 8
K = 2
CIN = 96
INIT = 48
RED = 12
EPS = 1e-5
H = 224
W = 224

R = 28
T = H // R
P = 6
NC = (R + 2) // P
KP = 9 * 128

RT = 32
TR = H // RT


def _routing_kernel(x_ref, w1_ref, s1_ref, b1_ref, w2_ref, s2_ref, b2_ref,
                    idx_ref, val_ref, acc_ref):
    t = pl.program_id(0)
    part = jnp.sum(x_ref[...], axis=(2, 3))

    @pl.when(t == 0)
    def _():
        acc_ref[...] = part

    @pl.when(t != 0)
    def _():
        acc_ref[...] = acc_ref[...] + part

    @pl.when(t == TR - 1)
    def _():
        pooled = acc_ref[...] * (1.0 / (H * W))
        h = jnp.dot(pooled, w1_ref[...], preferred_element_type=jnp.float32)
        h = h * s1_ref[...] + b1_ref[...]
        h = h * jax.nn.sigmoid(h)
        lg = jnp.dot(h, w2_ref[...], preferred_element_type=jnp.float32)
        lg = lg * s2_ref[...] + b2_ref[...]
        m = jnp.max(lg, axis=1, keepdims=True)
        ex = jnp.exp(lg - m)
        p = ex / jnp.sum(ex, axis=1, keepdims=True)
        iota = jax.lax.broadcasted_iota(jnp.int32, (2, E), 1)
        v0 = jnp.max(p, axis=1, keepdims=True)
        i0 = jnp.min(jnp.where(p == v0, iota, E), axis=1, keepdims=True)
        p2 = jnp.where(iota == i0, -1.0, p)
        v1 = jnp.max(p2, axis=1, keepdims=True)
        i1 = jnp.min(jnp.where(p2 == v1, iota, E), axis=1, keepdims=True)
        ssum = v0 + v1 + 1e-6
        idx_ref[...] = jnp.concatenate([i0, i1], axis=1)
        val_ref[...] = jnp.concatenate([v0 / ssum, v1 / ssum], axis=1)


def _conv_kernel(idx_ref, val_ref, xa_ref, xb_ref, w8_ref, bp_ref, wd_ref,
                 bc_ref, out_ref, xs_ref, x1_ref, pt_ref):
    b = pl.program_id(0)
    t = pl.program_id(1)
    e0 = idx_ref[b, 0]
    e1 = idx_ref[b, 1]
    v0 = val_ref[b, 0]
    v1 = val_ref[b, 1]

    xs_ref[0:R] = xa_ref[0]
    xs_ref[R:R + 4] = xb_ref[0]

    wsel = jnp.concatenate([w8_ref[e0], w8_ref[e1]], axis=1)
    sh1 = jnp.concatenate([bp_ref[e0], bp_ref[e1]], axis=1)

    zpad = jnp.zeros((P * W, 128 - CIN), jnp.float32)
    for tap in range(9):
        pt_ref[:, tap * 128 + CIN:(tap + 1) * 128] = zpad

    for c in range(NC):
        for p_ in range(P):
            s1 = c * P + p_
            for dy in range(3):
                for dx in range(3):
                    tap = dy * 3 + dx
                    pt_ref[p_ * W:(p_ + 1) * W, tap * 128:tap * 128 + CIN] = (
                        xs_ref[s1 + dy, dx:dx + W, :])
        raw = jnp.dot(pt_ref[...], wsel, preferred_element_type=jnp.float32)
        y = raw + sh1
        y = y * jax.nn.sigmoid(y)
        y3 = y.reshape(P, W, 2 * INIT)
        jrow = (t * R - 1 + c * P
                + jax.lax.broadcasted_iota(jnp.int32, (P, 1, 1), 0))
        y3 = jnp.where((jrow >= 0) & (jrow < H), y3, 0.0)
        x1_ref[c * P:(c + 1) * P, 1:1 + W, :] = y3
    zc = jnp.zeros((R + 2, 2 * INIT), jnp.float32)
    x1_ref[:, 0, :] = zc
    x1_ref[:, 1 + W, :] = zc

    wd = jnp.concatenate([wd_ref[e0], wd_ref[e1]], axis=1)
    sh2 = jnp.concatenate([bc_ref[e0], bc_ref[e1]], axis=1)
    acc = None
    for dy in range(3):
        for dx in range(3):
            tap = dy * 3 + dx
            term = x1_ref[dy:dy + R, dx:dx + W, :] * wd[tap][None, None, :]
            acc = term if acc is None else acc + term
    y2 = acc + sh2[0][None, None, :]
    y2 = y2 * jax.nn.sigmoid(y2)

    x1c = x1_ref[1:R + 1, 1:1 + W, :]
    top = v0 * x1c[:, :, 0:INIT] + v1 * x1c[:, :, INIT:2 * INIT]
    bot = v0 * y2[:, :, 0:INIT] + v1 * y2[:, :, INIT:2 * INIT]
    out_ref[0] = jnp.concatenate([top, bot], axis=2)


def kernel(x, Wr1, g1, b1, Wr2, g2, b2, Wp, gp, bp, Wc, gc, bc):
    B = x.shape[0]
    inv = 1.0 / jnp.sqrt(1.0 + EPS)

    idx, vals = pl.pallas_call(
        _routing_kernel,
        grid=(TR,),
        in_specs=[
            pl.BlockSpec((B, CIN, RT, W), lambda t: (0, 0, t, 0)),
            pl.BlockSpec((CIN, RED), lambda t: (0, 0)),
            pl.BlockSpec((1, RED), lambda t: (0, 0)),
            pl.BlockSpec((1, RED), lambda t: (0, 0)),
            pl.BlockSpec((RED, E), lambda t: (0, 0)),
            pl.BlockSpec((1, E), lambda t: (0, 0)),
            pl.BlockSpec((1, E), lambda t: (0, 0)),
        ],
        out_specs=[
            pl.BlockSpec((B, K), lambda t: (0, 0)),
            pl.BlockSpec((B, K), lambda t: (0, 0)),
        ],
        out_shape=[
            jax.ShapeDtypeStruct((B, K), jnp.int32),
            jax.ShapeDtypeStruct((B, K), jnp.float32),
        ],
        scratch_shapes=[pltpu.VMEM((B, CIN), jnp.float32)],
    )(x, Wr1.T, (g1 * inv)[None, :], b1[None, :],
      Wr2.T, (g2 * inv)[None, :], b2[None, :])

    sp = gp * inv
    w8 = (Wp * sp[:, :, None, None, None]).transpose(0, 3, 4, 2, 1)
    w8 = jnp.pad(w8, ((0, 0), (0, 0), (0, 0), (0, 128 - CIN), (0, 0)))
    w8 = w8.reshape(E, KP, INIT)
    sc = gc * inv
    wd8 = (Wc[:, :, 0] * sc[:, :, None, None]).transpose(0, 2, 3, 1)
    wd8 = wd8.reshape(E, 9, INIT)
    bp3 = bp[:, None, :]
    bc3 = bc[:, None, :]

    xp = jnp.pad(x.transpose(0, 2, 3, 1), ((0, 0), (2, 6), (1, 1), (0, 0)))

    out_nhwc = pl.pallas_call(
        _conv_kernel,
        grid=(B, T),
        in_specs=[
            pl.BlockSpec(memory_space=pltpu.SMEM),
            pl.BlockSpec(memory_space=pltpu.SMEM),
            pl.BlockSpec((1, R, W + 2, CIN), lambda b, t: (b, t, 0, 0)),
            pl.BlockSpec((1, 4, W + 2, CIN), lambda b, t: (b, 7 * (t + 1), 0, 0)),
            pl.BlockSpec((E, KP, INIT), lambda b, t: (0, 0, 0)),
            pl.BlockSpec((E, 1, INIT), lambda b, t: (0, 0, 0)),
            pl.BlockSpec((E, 9, INIT), lambda b, t: (0, 0, 0)),
            pl.BlockSpec((E, 1, INIT), lambda b, t: (0, 0, 0)),
        ],
        out_specs=pl.BlockSpec((1, R, W, 2 * INIT), lambda b, t: (b, t, 0, 0)),
        out_shape=jax.ShapeDtypeStruct((B, H, W, 2 * INIT), jnp.float32),
        scratch_shapes=[
            pltpu.VMEM((R + 4, W + 2, CIN), jnp.float32),
            pltpu.VMEM((R + 2, W + 2, 2 * INIT), jnp.float32),
            pltpu.VMEM((P * W, KP), jnp.float32),
        ],
    )(idx, vals, xp, xp, w8, bp3, wd8, bc3)

    return out_nhwc.transpose(0, 3, 1, 2)

# --- scband reference (transcript-rebuilt; emitter-appended) ---
"""Pipeline reference for scband-optimized-moeimproved-11390253269276 (READ-ONLY COPY).

The authoritative reference and input builder live on the scoring server;
editing this copy changes nothing except your own understanding.
"""

import jax, jax.numpy as jnp
import numpy as np

E = 8
K = 2
CIN = 96
COUT = 96
INIT = 48  # ceil(out_channels / ratio), ratio=2
RED = 12   # max(in_channels // reduction, 8)
EPS = 1e-5


def silu(x):
    return x * jax.nn.sigmoid(x)


def bn2d(x, g, b):
    # eval-mode BatchNorm2d with running_mean=0, running_var=1
    scale = (g / jnp.sqrt(1.0 + EPS))[None, :, None, None]
    shift = b[None, :, None, None]
    return x * scale + shift


def bn1d(x, g, b):
    return x * (g / jnp.sqrt(1.0 + EPS))[None, :] + b[None, :]


def conv2d(x, w, groups=1):
    return jax.lax.conv_general_dilated(
        x, w, window_strides=(1, 1), padding='SAME',
        dimension_numbers=('NCHW', 'OIHW', 'NCHW'),
        feature_group_count=groups)


def setup_inputs(seed: int = 0) -> dict:
    key = jax.random.key(seed)
    ks = jax.random.split(key, 14)
    x = jax.random.normal(ks[0], (2, CIN, 224, 224), dtype=jnp.float32)
    # AdaptiveRoutingLayer params (1x1 convs on pooled features == linear)
    Wr1 = jax.random.normal(ks[1], (RED, CIN), dtype=jnp.float32) * 0.1
    g1 = 1.0 + 0.1 * jax.random.normal(ks[2], (RED,), dtype=jnp.float32)
    b1 = 0.01 * jax.random.normal(ks[3], (RED,), dtype=jnp.float32)
    Wr2 = jax.random.normal(ks[4], (E, RED), dtype=jnp.float32) * 0.1
    g2 = 1.0 + 0.1 * jax.random.normal(ks[5], (E,), dtype=jnp.float32)
    b2 = 0.01 * jax.random.normal(ks[6], (E,), dtype=jnp.float32)
    # GhostExpert params, stacked over experts
    Wp = jax.random.normal(ks[7], (E, INIT, CIN, 3, 3), dtype=jnp.float32) * 0.05
    gp = 1.0 + 0.1 * jax.random.normal(ks[8], (E, INIT), dtype=jnp.float32)
    bp = 0.01 * jax.random.normal(ks[9], (E, INIT), dtype=jnp.float32)
    Wc = jax.random.normal(ks[10], (E, INIT, 1, 3, 3), dtype=jnp.float32) * 0.1
    gc = 1.0 + 0.1 * jax.random.normal(ks[11], (E, INIT), dtype=jnp.float32)
    bc = 0.01 * jax.random.normal(ks[12], (E, INIT), dtype=jnp.float32)
    return {'x': x, 'Wr1': Wr1, 'g1': g1, 'b1': b1, 'Wr2': Wr2, 'g2': g2,
            'b2': b2, 'Wp': Wp, 'gp': gp, 'bp': bp, 'Wc': Wc, 'gc': gc, 'bc': bc}


def reference(x, Wr1, g1, b1, Wr2, g2, b2, Wp, gp, bp, Wc, gc, bc):
    # --- AdaptiveRoutingLayer (eval mode: no noise) ---
    pooled = jnp.mean(x, axis=(2, 3))          # [B, CIN]  (AdaptiveAvgPool2d(1))
    h = pooled @ Wr1.T                          # 1x1 conv == linear
    h = silu(bn1d(h, g1, b1))
    logits = bn1d(h @ Wr2.T, g2, b2)            # [B, E]
    probs = jax.nn.softmax(logits, axis=1)
    topk_vals, topk_idx = jax.lax.top_k(probs, K)
    topk_vals = topk_vals / (jnp.sum(topk_vals, axis=1, keepdims=True) + 1e-6)
    # --- GhostExpert forward for every expert ---
    outs = []
    for e in range(E):
        x1 = silu(bn2d(conv2d(x, Wp[e]), gp[e], bp[e]))                  # primary
        x2 = silu(bn2d(conv2d(x1, Wc[e], groups=INIT), gc[e], bc[e]))    # cheap dw
        outs.append(jnp.concatenate([x1, x2], axis=1)[:, :COUT])
    outs = jnp.stack(outs, axis=1)              # [B, E, COUT, H, W]
    sel = jnp.take_along_axis(outs, topk_idx[:, :, None, None, None], axis=1)
    out = jnp.sum(topk_vals[:, :, None, None, None] * sel, axis=1)
    return out

if __name__ == "__main__":
    import jax
    _d = setup_inputs()
    print(jax.jit(kernel)(*tuple(_d.values())))

</pallas_src>

<mosaic_0001>
module attributes {stable_mosaic.version = 14 : i64} {
  func.func @_routing_kernel(%arg0: i32, %arg1: memref<2x96x32x224xf32, #tpu.memory_space<vmem>>, %arg2: memref<96x12xf32, #tpu.memory_space<vmem>>, %arg3: memref<1x12xf32, #tpu.memory_space<vmem>>, %arg4: memref<1x12xf32, #tpu.memory_space<vmem>>, %arg5: memref<12x8xf32, #tpu.memory_space<vmem>>, %arg6: memref<1x8xf32, #tpu.memory_space<vmem>>, %arg7: memref<1x8xf32, #tpu.memory_space<vmem>>, %arg8: memref<2x2xi32, #tpu.memory_space<vmem>>, %arg9: memref<2x2xf32, #tpu.memory_space<vmem>>, %arg10: memref<2x96xf32, #tpu.memory_space<vmem>>) attributes {dimension_semantics = [#tpu.dimension_semantics<arbitrary>], iteration_bounds = array<i64: 7>, scalar_prefetch = 0 : i64, scratch_operands = 1 : i64, tpu.core_type = #tpu.core_type<tc>, window_params = [{transform_indices = @transform_0, window_bounds = array<i64: 2, 96, 32, 224>}, {pipeline_mode = #tpu.pipeline_mode<synchronous>, transform_indices = @transform_1, window_bounds = array<i64: 96, 12>}, {pipeline_mode = #tpu.pipeline_mode<synchronous>, transform_indices = @transform_2, window_bounds = array<i64: 1, 12>}, {pipeline_mode = #tpu.pipeline_mode<synchronous>, transform_indices = @transform_3, window_bounds = array<i64: 1, 12>}, {pipeline_mode = #tpu.pipeline_mode<synchronous>, transform_indices = @transform_4, window_bounds = array<i64: 12, 8>}, {pipeline_mode = #tpu.pipeline_mode<synchronous>, transform_indices = @transform_5, window_bounds = array<i64: 1, 8>}, {pipeline_mode = #tpu.pipeline_mode<synchronous>, transform_indices = @transform_6, window_bounds = array<i64: 1, 8>}, {pipeline_mode = #tpu.pipeline_mode<synchronous>, transform_indices = @transform_7, window_bounds = array<i64: 2, 2>}, {pipeline_mode = #tpu.pipeline_mode<synchronous>, transform_indices = @transform_8, window_bounds = array<i64: 2, 2>}]} {
    %get3A = arith.constant 0 : index
    %get3A_0 = arith.constant 0 : index
    %get3A_1 = arith.constant 0 : index
    %get3A_2 = arith.constant 0 : index
    %get3A_3 = vector.load %arg1[%get3A, %get3A_0, %get3A_1, %get3A_2] : memref<2x96x32x224xf32, #tpu.memory_space<vmem>>, vector<2x96x32x224xf32>
    %reduce_sum3A = arith.constant dense<0.000000e+00> : vector<2x96xf32>
    %reduce_sum3A_4 = vector.multi_reduction <add>, %get3A_3, %reduce_sum3A [2, 3] : vector<2x96x32x224xf32> to vector<2x96xf32>
    %eq3A = arith.constant 0 : i32
    %eq3A_5 = arith.cmpi eq, %arg0, %eq3A : i32
    %convert_element_type3A = arith.extui %eq3A_5 : i1 to i32
    %cond3A = arith.constant 0 : i32
    %cond3A_6 = arith.cmpi ne, %convert_element_type3A, %cond3A : i32
    scf.if %cond3A_6 {
      %swap3A = arith.constant 0 : index
      %swap3A_16 = arith.constant 0 : index
      %swap3A_17 = vector.load %arg10[%swap3A, %swap3A_16] : memref<2x96xf32, #tpu.memory_space<vmem>>, vector<2x96xf32>
      tpu.vector_store %arg10[%swap3A, %swap3A_16], %reduce_sum3A_4 {strides = array<i32>} : memref<2x96xf32, #tpu.memory_space<vmem>>, vector<2x96xf32>,
    } else {
    }
    %ne3A = arith.constant 0 : i32
    %ne3A_7 = arith.cmpi ne, %arg0, %ne3A : i32
    %convert_element_type3A_8 = arith.extui %ne3A_7 : i1 to i32
    %cond3A_9 = arith.constant 0 : i32
    %cond3A_10 = arith.cmpi ne, %convert_element_type3A_8, %cond3A_9 : i32
    scf.if %cond3A_10 {
      %get3A_16 = arith.constant 0 : index
      %get3A_17 = arith.constant 0 : index
      %get3A_18 = vector.load %arg10[%get3A_16, %get3A_17] : memref<2x96xf32, #tpu.memory_space<vmem>>, vector<2x96xf32>
      %add3A = arith.addf %get3A_18, %reduce_sum3A_4 : vector<2x96xf32>
      %swap3A = arith.constant 0 : index
      %swap3A_19 = arith.constant 0 : index
      %swap3A_20 = vector.load %arg10[%swap3A, %swap3A_19] : memref<2x96xf32, #tpu.memory_space<vmem>>, vector<2x96xf32>
      tpu.vector_store %arg10[%swap3A, %swap3A_19], %add3A {strides = array<i32>} : memref<2x96xf32, #tpu.memory_space<vmem>>, vector<2x96xf32>,
    } else {
    }
    %eq3A_11 = arith.constant 6 : i32
    %eq3A_12 = arith.cmpi eq, %arg0, %eq3A_11 : i32
    %convert_element_type3A_13 = arith.extui %eq3A_12 : i1 to i32
    %cond3A_14 = arith.constant 0 : i32
    %cond3A_15 = arith.cmpi ne, %convert_element_type3A_13, %cond3A_14 : i32
    scf.if %cond3A_15 {
      %get3A_16 = arith.constant 0 : index
      %get3A_17 = arith.constant 0 : index
      %get3A_18 = vector.load %arg10[%get3A_16, %get3A_17] : memref<2x96xf32, #tpu.memory_space<vmem>>, vector<2x96xf32>
      %mul3A = arith.constant 1.99298465E-5 : f32
      %mul3A_19 = vector.broadcast %mul3A : f32 to vector<2x96xf32>
      %mul3A_20 = arith.mulf %get3A_18, %mul3A_19 : vector<2x96xf32>
      %get3A_21 = arith.constant 0 : index
      %get3A_22 = arith.constant 0 : index
      %get3A_23 = vector.load %arg2[%get3A_21, %get3A_22] : memref<96x12xf32, #tpu.memory_space<vmem>>, vector<96x12xf32>
      %dot_general3A = arith.constant dense<0.000000e+00> : vector<2x12xf32>
      %dot_general3A_24 = tpu.matmul %mul3A_20, %get3A_23, %dot_general3A {dimension_numbers = #tpu.dot_dimension_numbers<[1], [0], [0], [1], [0, 0, 1, 1], [], []>, transpose_lhs_hint = false} : vector<2x96xf32>, vector<96x12xf32>, vector<2x12xf32> -> vector<2x12xf32>
      %get3A_25 = arith.constant 0 : index
      %get3A_26 = arith.constant 0 : index
      %get3A_27 = vector.load %arg3[%get3A_25, %get3A_26] : memref<1x12xf32, #tpu.memory_space<vmem>>, vector<1x12xf32>
      %mul3A_28 = vector.broadcast %get3A_27 : vector<1x12xf32> to vector<2x12xf32>
      %mul3A_29 = arith.mulf %dot_general3A_24, %mul3A_28 : vector<2x12xf32>
      %get3A_30 = arith.constant 0 : index
      %get3A_31 = arith.constant 0 : index
      %get3A_32 = vector.load %arg4[%get3A_30, %get3A_31] : memref<1x12xf32, #tpu.memory_space<vmem>>, vector<1x12xf32>
      %add3A = vector.broadcast %get3A_32 : vector<1x12xf32> to vector<2x12xf32>
      %add3A_33 = arith.addf %mul3A_29, %add3A : vector<2x12xf32>
      %logistic3A = arith.negf %add3A_33 : vector<2x12xf32>
      %logistic3A_34 = math.exp %logistic3A : vector<2x12xf32>
      %logistic3A_35 = arith.constant 1.000000e+00 : f32
      %logistic3A_36 = vector.broadcast %logistic3A_35 : f32 to vector<2x12xf32>
      %logistic3A_37 = arith.addf %logistic3A_36, %logistic3A_34 : vector<2x12xf32>
      %logistic3A_38 = arith.divf %logistic3A_36, %logistic3A_37 : vector<2x12xf32>
      %mul3A_39 = arith.mulf %add3A_33, %logistic3A_38 : vector<2x12xf32>
      %get3A_40 = arith.constant 0 : index
      %get3A_41 = arith.constant 0 : index
      %get3A_42 = vector.load %arg5[%get3A_40, %get3A_41] : memref<12x8xf32, #tpu.memory_space<vmem>>, vector<12x8xf32>
      %dot_general3A_43 = arith.constant dense<0.000000e+00> : vector<2x8xf32>
      %dot_general3A_44 = tpu.matmul %mul3A_39, %get3A_42, %dot_general3A_43 {dimension_numbers = #tpu.dot_dimension_numbers<[1], [0], [0], [1], [0, 0, 1, 1], [], []>, transpose_lhs_hint = false} : vector<2x12xf32>, vector<12x8xf32>, vector<2x8xf32> -> vector<2x8xf32>
      %get3A_45 = arith.constant 0 : index
      %get3A_46 = arith.constant 0 : index
      %get3A_47 = vector.load %arg6[%get3A_45, %get3A_46] : memref<1x8xf32, #tpu.memory_space<vmem>>, vector<1x8xf32>
      %mul3A_48 = vector.broadcast %get3A_47 : vector<1x8xf32> to vector<2x8xf32>
      %mul3A_49 = arith.mulf %dot_general3A_44, %mul3A_48 : vector<2x8xf32>
      %get3A_50 = arith.constant 0 : index
      %get3A_51 = arith.constant 0 : index
      %get3A_52 = vector.load %arg7[%get3A_50, %get3A_51] : memref<1x8xf32, #tpu.memory_space<vmem>>, vector<1x8xf32>
      %add3A_53 = vector.broadcast %get3A_52 : vector<1x8xf32> to vector<2x8xf32>
      %add3A_54 = arith.addf %mul3A_49, %add3A_53 : vector<2x8xf32>
      %reduce_max3A = arith.constant dense<0xFF800000> : vector<2xf32>
      %reduce_max3A_55 = vector.multi_reduction <maximumf>, %add3A_54, %reduce_max3A [1] : vector<2x8xf32> to vector<2xf32>
      %broadcast_in_dim3A = vector.shape_cast %reduce_max3A_55 : vector<2xf32> to vector<2x1xf32>
      %sub3A = vector.broadcast %broadcast_in_dim3A : vector<2x1xf32> to vector<2x8xf32>
      %sub3A_56 = arith.subf %add3A_54, %sub3A : vector<2x8xf32>
      %exp3A = math.exp %sub3A_56 : vector<2x8xf32>
      %reduce_sum3A_57 = arith.constant dense<0.000000e+00> : vector<2xf32>
      %reduce_sum3A_58 = vector.multi_reduction <add>, %exp3A, %reduce_sum3A_57 [1] : vector<2x8xf32> to vector<2xf32>
      %broadcast_in_dim3A_59 = vector.shape_cast %reduce_sum3A_58 : vector<2xf32> to vector<2x1xf32>
      %div3A = vector.broadcast %broadcast_in_dim3A_59 : vector<2x1xf32> to vector<2x8xf32>
      %div3A_60 = arith.divf %exp3A, %div3A : vector<2x8xf32>
      %iota3A = tpu.iota {dimensions = array<i32: 1>} : vector<2x8xi32>
      %reduce_max3A_61 = arith.constant dense<0xFF800000> : vector<2xf32>
      %reduce_max3A_62 = vector.multi_reduction <maximumf>, %div3A_60, %reduce_max3A_61 [1] : vector<2x8xf32> to vector<2xf32>
      %broadcast_in_dim3A_63 = vector.shape_cast %reduce_max3A_62 : vector<2xf32> to vector<2x1xf32>
      %eq3A_64 = vector.broadcast %broadcast_in_dim3A_63 : vector<2x1xf32> to vector<2x8xf32>
      %eq3A_65 = arith.cmpf oeq, %div3A_60, %eq3A_64 : vector<2x8xf32>
      %jit3A = arith.constant 8 : i32
      %broadcast_in_dim3A_66 = vector.broadcast %jit3A : i32 to vector<2x8xi32>
      %select_n3A = arith.select %eq3A_65, %iota3A, %broadcast_in_dim3A_66 : vector<2x8xi1>, vector<2x8xi32>
      %reduce_min3A = arith.constant dense<2147483647> : vector<2xi32>
      %reduce_min3A_67 = vector.multi_reduction <minsi>, %select_n3A, %reduce_min3A [1] : vector<2x8xi32> to vector<2xi32>
      %broadcast_in_dim3A_68 = vector.shape_cast %reduce_min3A_67 : vector<2xi32> to vector<2x1xi32>
      %eq3A_69 = vector.broadcast %broadcast_in_dim3A_68 : vector<2x1xi32> to vector<2x8xi32>
      %eq3A_70 = arith.cmpi eq, %iota3A, %eq3A_69 : vector<2x8xi32>
      %jit3A_71 = arith.constant -1.000000e+00 : f32
      %broadcast_in_dim3A_72 = vector.broadcast %jit3A_71 : f32 to vector<2x8xf32>
      %select_n3A_73 = arith.select %eq3A_70, %broadcast_in_dim3A_72, %div3A_60 : vector<2x8xi1>, vector<2x8xf32>
      %reduce_max3A_74 = arith.constant dense<0xFF800000> : vector<2xf32>
      %reduce_max3A_75 = vector.multi_reduction <maximumf>, %select_n3A_73, %reduce_max3A_74 [1] : vector<2x8xf32> to vector<2xf32>
      %broadcast_in_dim3A_76 = vector.shape_cast %reduce_max3A_75 : vector<2xf32> to vector<2x1xf32>
      %eq3A_77 = vector.broadcast %broadcast_in_dim3A_76 : vector<2x1xf32> to vector<2x8xf32>
      %eq3A_78 = arith.cmpf oeq, %select_n3A_73, %eq3A_77 : vector<2x8xf32>
      %jit3A_79 = arith.constant 8 : i32
      %broadcast_in_dim3A_80 = vector.broadcast %jit3A_79 : i32 to vector<2x8xi32>
      %select_n3A_81 = arith.select %eq3A_78, %iota3A, %broadcast_in_dim3A_80 : vector<2x8xi1>, vector<2x8xi32>
      %reduce_min3A_82 = arith.constant dense<2147483647> : vector<2xi32>
      %reduce_min3A_83 = vector.multi_reduction <minsi>, %select_n3A_81, %reduce_min3A_82 [1] : vector<2x8xi32> to vector<2xi32>
      %broadcast_in_dim3A_84 = vector.shape_cast %reduce_min3A_83 : vector<2xi32> to vector<2x1xi32>
      %add3A_85 = arith.addf %broadcast_in_dim3A_63, %broadcast_in_dim3A_76 : vector<2x1xf32>
      %add3A_86 = arith.constant 9.99999997E-7 : f32
      %add3A_87 = vector.broadcast %add3A_86 : f32 to vector<2x1xf32>
      %add3A_88 = arith.addf %add3A_85, %add3A_87 : vector<2x1xf32>
      %concatenate3A = tpu.concatenate %broadcast_in_dim3A_68, %broadcast_in_dim3A_84 in 1 : vector<2x1xi32>, vector<2x1xi32> -> vector<2x2xi32>
      %swap3A = arith.constant 0 : index
      %swap3A_89 = arith.constant 0 : index
      %swap3A_90 = vector.load %arg8[%swap3A, %swap3A_89] : memref<2x2xi32, #tpu.memory_space<vmem>>, vector<2x2xi32>
      tpu.vector_store %arg8[%swap3A, %swap3A_89], %concatenate3A {strides = array<i32>} : memref<2x2xi32, #tpu.memory_space<vmem>>, vector<2x2xi32>,
      %div3A_91 = arith.divf %broadcast_in_dim3A_63, %add3A_88 : vector<2x1xf32>
      %div3A_92 = arith.divf %broadcast_in_dim3A_76, %add3A_88 : vector<2x1xf32>
      %concatenate3A_93 = tpu.concatenate %div3A_91, %div3A_92 in 1 : vector<2x1xf32>, vector<2x1xf32> -> vector<2x2xf32>
      %swap3A_94 = arith.constant 0 : index
      %swap3A_95 = arith.constant 0 : index
      %swap3A_96 = vector.load %arg9[%swap3A_94, %swap3A_95] : memref<2x2xf32, #tpu.memory_space<vmem>>, vector<2x2xf32>
      tpu.vector_store %arg9[%swap3A_94, %swap3A_95], %concatenate3A_93 {strides = array<i32>} : memref<2x2xf32, #tpu.memory_space<vmem>>, vector<2x2xf32>,
    } else {
    }
    return
  }
  func.func @transform_0(%arg0: i32) -> (i32, i32, i32, i32) {
    %c0_i32 = arith.constant 0 : i32
    %c0_i32_0 = arith.constant 0 : i32
    %c0_i32_1 = arith.constant 0 : i32
    %c0_i32_2 = arith.constant 0 : i32
    return %c0_i32, %c0_i32_0, %arg0, %c0_i32_1 : i32, i32, i32, i32
  }
  func.func @transform_1(%arg0: i32) -> (i32, i32) {
    %c0_i32 = arith.constant 0 : i32
    %c0_i32_0 = arith.constant 0 : i32
    %c0_i32_1 = arith.constant 0 : i32
    return %c0_i32, %c0_i32_0 : i32, i32
  }
  func.func @transform_2(%arg0: i32) -> (i32, i32) {
    %c0_i32 = arith.constant 0 : i32
    %c0_i32_0 = arith.constant 0 : i32
    %c0_i32_1 = arith.constant 0 : i32
    return %c0_i32, %c0_i32_0 : i32, i32
  }
  func.func @transform_3(%arg0: i32) -> (i32, i32) {
    %c0_i32 = arith.constant 0 : i32
    %c0_i32_0 = arith.constant 0 : i32
    %c0_i32_1 = arith.constant 0 : i32
    return %c0_i32, %c0_i32_0 : i32, i32
  }
  func.func @transform_4(%arg0: i32) -> (i32, i32) {
    %c0_i32 = arith.constant 0 : i32
    %c0_i32_0 = arith.constant 0 : i32
    %c0_i32_1 = arith.constant 0 : i32
    return %c0_i32, %c0_i32_0 : i32, i32
  }
  func.func @transform_5(%arg0: i32) -> (i32, i32) {
    %c0_i32 = arith.constant 0 : i32
    %c0_i32_0 = arith.constant 0 : i32
    %c0_i32_1 = arith.constant 0 : i32
    return %c0_i32, %c0_i32_0 : i32, i32
  }
  func.func @transform_6(%arg0: i32) -> (i32, i32) {
    %c0_i32 = arith.constant 0 : i32
    %c0_i32_0 = arith.constant 0 : i32
    %c0_i32_1 = arith.constant 0 : i32
    return %c0_i32, %c0_i32_0 : i32, i32
  }
  func.func @transform_7(%arg0: i32) -> (i32, i32) {
    %c0_i32 = arith.constant 0 : i32
    %c0_i32_0 = arith.constant 0 : i32
    %c0_i32_1 = arith.constant 0 : i32
    return %c0_i32, %c0_i32_0 : i32, i32
  }
  func.func @transform_8(%arg0: i32) -> (i32, i32) {
    %c0_i32 = arith.constant 0 : i32
    %c0_i32_0 = arith.constant 0 : i32
    %c0_i32_1 = arith.constant 0 : i32
    return %c0_i32, %c0_i32_0 : i32, i32
  }
}

module attributes {stable_mosaic.version = 14 : i64} {
  func.func @_conv_kernel(%arg0: i32, %arg1: i32, %arg2: memref<2x2xi32, #tpu.memory_space<smem>>, %arg3: memref<2x2xf32, #tpu.memory_space<smem>>, %arg4: memref<1x28x226x96xf32, #tpu.memory_space<vmem>>, %arg5: memref<1x4x226x96xf32, #tpu.memory_space<vmem>>, %arg6: memref<8x1152x48xf32, #tpu.memory_space<vmem>>, %arg7: memref<8x1x48xf32, #tpu.memory_space<vmem>>, %arg8: memref<8x9x48xf32, #tpu.memory_space<vmem>>, %arg9: memref<8x1x48xf32, #tpu.memory_space<vmem>>, %arg10: memref<1x28x224x96xf32, #tpu.memory_space<vmem>>, %arg11: memref<32x226x96xf32, #tpu.memory_space<vmem>>, %arg12: memref<30x226x96xf32, #tpu.memory_space<vmem>>, %arg13: memref<1344x1152xf32, #tpu.memory_space<vmem>>) attributes {dimension_semantics = [#tpu.dimension_semantics<arbitrary>, #tpu.dimension_semantics<arbitrary>], iteration_bounds = array<i64: 2, 8>, scalar_prefetch = 0 : i64, scratch_operands = 3 : i64, tpu.core_type = #tpu.core_type<tc>, window_params = [{transform_indices = @transform_0, window_bounds = array<i64: 2, 2>}, {transform_indices = @transform_1, window_bounds = array<i64: 2, 2>}, {transform_indices = @transform_2, window_bounds = array<i64: 1, 28, 226, 96>}, {transform_indices = @transform_3, window_bounds = array<i64: 1, 4, 226, 96>}, {pipeline_mode = #tpu.pipeline_mode<synchronous>, transform_indices = @transform_4, window_bounds = array<i64: 8, 1152, 48>}, {pipeline_mode = #tpu.pipeline_mode<synchronous>, transform_indices = @transform_5, window_bounds = array<i64: 8, 1, 48>}, {pipeline_mode = #tpu.pipeline_mode<synchronous>, transform_indices = @transform_6, window_bounds = array<i64: 8, 9, 48>}, {pipeline_mode = #tpu.pipeline_mode<synchronous>, transform_indices = @transform_7, window_bounds = array<i64: 8, 1, 48>}, {transform_indices = @transform_8, window_bounds = array<i64: 1, 28, 224, 96>}]} {
    %get3A = arith.index_cast %arg0 : i32 to index
    %get3A_0 = arith.constant 0 : index
    %get3A_1 = memref.load %arg2[%get3A, %get3A_0] : memref<2x2xi32, #tpu.memory_space<smem>>
    %get3A_2 = arith.index_cast %arg0 : i32 to index
    %get3A_3 = arith.constant 1 : index
    %get3A_4 = memref.load %arg2[%get3A_2, %get3A_3] : memref<2x2xi32, #tpu.memory_space<smem>>
    %get3A_5 = arith.index_cast %arg0 : i32 to index
    %get3A_6 = arith.constant 0 : index
    %get3A_7 = memref.load %arg3[%get3A_5, %get3A_6] : memref<2x2xf32, #tpu.memory_space<smem>>
    %get3A_8 = arith.index_cast %arg0 : i32 to index
    %get3A_9 = arith.constant 1 : index
    %get3A_10 = memref.load %arg3[%get3A_8, %get3A_9] : memref<2x2xf32, #tpu.memory_space<smem>>
    %get3A_11 = arith.constant 0 : index
    %get3A_12 = arith.constant 0 : index
    %get3A_13 = arith.constant 0 : index
    %get3A_14 = arith.constant 0 : index
    %get3A_15 = vector.load %arg4[%get3A_11, %get3A_12, %get3A_13, %get3A_14] : memref<1x28x226x96xf32, #tpu.memory_space<vmem>>, vector<1x28x226x96xf32>
    %get3A_16 = vector.shape_cast %get3A_15 : vector<1x28x226x96xf32> to vector<28x226x96xf32>
    %swap3A = arith.constant 0 : index
    %swap3A_17 = arith.constant 0 : index
    %swap3A_18 = arith.constant 0 : index
    %swap3A_19 = vector.load %arg11[%swap3A, %swap3A_17, %swap3A_18] : memref<32x226x96xf32, #tpu.memory_space<vmem>>, vector<28x226x96xf32>
    tpu.vector_store %arg11[%swap3A, %swap3A_17, %swap3A_18], %get3A_16 {strides = array<i32>} : memref<32x226x96xf32, #tpu.memory_space<vmem>>, vector<28x226x96xf32>,
    %get3A_20 = arith.constant 0 : index
    %get3A_21 = arith.constant 0 : index
    %get3A_22 = arith.constant 0 : index
    %get3A_23 = arith.constant 0 : index
    %get3A_24 = vector.load %arg5[%get3A_20, %get3A_21, %get3A_22, %get3A_23] : memref<1x4x226x96xf32, #tpu.memory_space<vmem>>, vector<1x4x226x96xf32>
    %get3A_25 = vector.shape_cast %get3A_24 : vector<1x4x226x96xf32> to vector<4x226x96xf32>
    %swap3A_26 = arith.constant 28 : index
    %swap3A_27 = arith.constant 0 : index
    %swap3A_28 = arith.constant 0 : index
    %swap3A_29 = vector.load %arg11[%swap3A_26, %swap3A_27, %swap3A_28] : memref<32x226x96xf32, #tpu.memory_space<vmem>>, vector<4x226x96xf32>
    tpu.vector_store %arg11[%swap3A_26, %swap3A_27, %swap3A_28], %get3A_25 {strides = array<i32>} : memref<32x226x96xf32, #tpu.memory_space<vmem>>, vector<4x226x96xf32>,
    %get3A_30 = arith.index_cast %get3A_1 : i32 to index
    %get3A_31 = arith.constant 0 : index
    %get3A_32 = arith.constant 0 : index
    %get3A_33 = vector.load %arg6[%get3A_30, %get3A_31, %get3A_32] : memref<8x1152x48xf32, #tpu.memory_space<vmem>>, vector<1x1152x48xf32>
    %get3A_34 = vector.shape_cast %get3A_33 : vector<1x1152x48xf32> to vector<1152x48xf32>
    %get3A_35 = arith.index_cast %get3A_4 : i32 to index
    %get3A_36 = arith.constant 0 : index
    %get3A_37 = arith.constant 0 : index
    %get3A_38 = vector.load %arg6[%get3A_35, %get3A_36, %get3A_37] : memref<8x1152x48xf32, #tpu.memory_space<vmem>>, vector<1x1152x48xf32>
    %get3A_39 = vector.shape_cast %get3A_38 : vector<1x1152x48xf32> to vector<1152x48xf32>
    %concatenate3A = tpu.concatenate %get3A_34, %get3A_39 in 1 : vector<1152x48xf32>, vector<1152x48xf32> -> vector<1152x96xf32>
    %get3A_40 = arith.index_cast %get3A_1 : i32 to index
    %get3A_41 = arith.constant 0 : index
    %get3A_42 = arith.constant 0 : index
    %get3A_43 = vector.load %arg7[%get3A_40, %get3A_41, %get3A_42] : memref<8x1x48xf32, #tpu.memory_space<vmem>>, vector<1x1x48xf32>
    %get3A_44 = vector.shape_cast %get3A_43 : vector<1x1x48xf32> to vector<1x48xf32>
    %get3A_45 = arith.index_cast %get3A_4 : i32 to index
    %get3A_46 = arith.constant 0 : index
    %get3A_47 = arith.constant 0 : index
    %get3A_48 = vector.load %arg7[%get3A_45, %get3A_46, %get3A_47] : memref<8x1x48xf32, #tpu.memory_space<vmem>>, vector<1x1x48xf32>
    %get3A_49 = vector.shape_cast %get3A_48 : vector<1x1x48xf32> to vector<1x48xf32>
    %concatenate3A_50 = tpu.concatenate %get3A_44, %get3A_49 in 1 : vector<1x48xf32>, vector<1x48xf32> -> vector<1x96xf32>
    %broadcast_in_dim3A = arith.constant 0.000000e+00 : f32
    %broadcast_in_dim3A_51 = vector.broadcast %broadcast_in_dim3A : f32 to vector<1344x32xf32>
    %swap3A_52 = arith.constant 0 : index
    %swap3A_53 = arith.constant 96 : index
    %swap3A_54 = vector.load %arg13[%swap3A_52, %swap3A_53] : memref<1344x1152xf32, #tpu.memory_space<vmem>>, vector<1344x32xf32>
    tpu.vector_store %arg13[%swap3A_52, %swap3A_53], %broadcast_in_dim3A_51 {strides = array<i32>} : memref<1344x1152xf32, #tpu.memory_space<vmem>>, vector<1344x32xf32>,
    %swap3A_55 = arith.constant 0 : index
    %swap3A_56 = arith.constant 224 : index
    %swap3A_57 = vector.load %arg13[%swap3A_55, %swap3A_56] : memref<1344x1152xf32, #tpu.memory_space<vmem>>, vector<1344x32xf32>
    tpu.vector_store %arg13[%swap3A_55, %swap3A_56], %broadcast_in_dim3A_51 {strides = array<i32>} : memref<1344x1152xf32, #tpu.memory_space<vmem>>, vector<1344x32xf32>,
    %swap3A_58 = arith.constant 0 : index
    %swap3A_59 = arith.constant 352 : index
    %swap3A_60 = vector.load %arg13[%swap3A_58, %swap3A_59] : memref<1344x1152xf32, #tpu.memory_space<vmem>>, vector<1344x32xf32>
    tpu.vector_store %arg13[%swap3A_58, %swap3A_59], %broadcast_in_dim3A_51 {strides = array<i32>} : memref<1344x1152xf32, #tpu.memory_space<vmem>>, vector<1344x32xf32>,
    %swap3A_61 = arith.constant 0 : index
    %swap3A_62 = arith.constant 480 : index
    %swap3A_63 = vector.load %arg13[%swap3A_61, %swap3A_62] : memref<1344x1152xf32, #tpu.memory_space<vmem>>, vector<1344x32xf32>
    tpu.vector_store %arg13[%swap3A_61, %swap3A_62], %broadcast_in_dim3A_51 {strides = array<i32>} : memref<1344x1152xf32, #tpu.memory_space<vmem>>, vector<1344x32xf32>,
    %swap3A_64 = arith.constant 0 : index
    %swap3A_65 = arith.constant 608 : index
    %swap3A_66 = vector.load %arg13[%swap3A_64, %swap3A_65] : memref<1344x1152xf32, #tpu.memory_space<vmem>>, vector<1344x32xf32>
    tpu.vector_store %arg13[%swap3A_64, %swap3A_65], %broadcast_in_dim3A_51 {strides = array<i32>} : memref<1344x1152xf32, #tpu.memory_space<vmem>>, vector<1344x32xf32>,
    %swap3A_67 = arith.constant 0 : index
    %swap3A_68 = arith.constant 736 : index
    %swap3A_69 = vector.load %arg13[%swap3A_67, %swap3A_68] : memref<1344x1152xf32, #tpu.memory_space<vmem>>, vector<1344x32xf32>
    tpu.vector_store %arg13[%swap3A_67, %swap3A_68], %broadcast_in_dim3A_51 {strides = array<i32>} : memref<1344x1152xf32, #tpu.memory_space<vmem>>, vector<1344x32xf32>,
    %swap3A_70 = arith.constant 0 : index
    %swap3A_71 = arith.constant 864 : index
    %swap3A_72 = vector.load %arg13[%swap3A_70, %swap3A_71] : memref<1344x1152xf32, #tpu.memory_space<vmem>>, vector<1344x32xf32>
    tpu.vector_store %arg13[%swap3A_70, %swap3A_71], %broadcast_in_dim3A_51 {strides = array<i32>} : memref<1344x1152xf32, #tpu.memory_space<vmem>>, vector<1344x32xf32>,
    %swap3A_73 = arith.constant 0 : index
    %swap3A_74 = arith.constant 992 : index
    %swap3A_75 = vector.load %arg13[%swap3A_73, %swap3A_74] : memref<1344x1152xf32, #tpu.memory_space<vmem>>, vector<1344x32xf32>
    tpu.vector_store %arg13[%swap3A_73, %swap3A_74], %broadcast_in_dim3A_51 {strides = array<i32>} : memref<1344x1152xf32, #tpu.memory_space<vmem>>, vector<1344x32xf32>,
    %swap3A_76 = arith.constant 0 : index
    %swap3A_77 = arith.constant 1120 : index
    %swap3A_78 = vector.load %arg13[%swap3A_76, %swap3A_77] : memref<1344x1152xf32, #tpu.memory_space<vmem>>, vector<1344x32xf32>
    tpu.vector_store %arg13[%swap3A_76, %swap3A_77], %broadcast_in_dim3A_51 {strides = array<i32>} : memref<1344x1152xf32, #tpu.memory_space<vmem>>, vector<1344x32xf32>,
    %get3A_79 = arith.constant 0 : index
    %get3A_80 = arith.constant 0 : index
    %get3A_81 = arith.constant 0 : index
    %get3A_82 = vector.load %arg11[%get3A_79, %get3A_80, %get3A_81] : memref<32x226x96xf32, #tpu.memory_space<vmem>>, vector<1x224x96xf32>
    %get3A_83 = vector.shape_cast %get3A_82 : vector<1x224x96xf32> to vector<224x96xf32>
    %swap3A_84 = arith.constant 0 : index
    %swap3A_85 = arith.constant 0 : index
    %swap3A_86 = vector.load %arg13[%swap3A_84, %swap3A_85] : memref<1344x1152xf32, #tpu.memory_space<vmem>>, vector<224x96xf32>
    tpu.vector_store %arg13[%swap3A_84, %swap3A_85], %get3A_83 {strides = array<i32>} : memref<1344x1152xf32, #tpu.memory_space<vmem>>, vector<224x96xf32>,
    %get3A_87 = arith.constant 0 : index
    %get3A_88 = arith.constant 1 : index
    %get3A_89 = arith.constant 0 : index
    %get3A_90 = vector.load %arg11[%get3A_87, %get3A_88, %get3A_89] : memref<32x226x96xf32, #tpu.memory_space<vmem>>, vector<1x224x96xf32>
    %get3A_91 = vector.shape_cast %get3A_90 : vector<1x224x96xf32> to vector<224x96xf32>
    %swap3A_92 = arith.constant 0 : index
    %swap3A_93 = arith.constant 128 : index
    %swap3A_94 = vector.load %arg13[%swap3A_92, %swap3A_93] : memref<1344x1152xf32, #tpu.memory_space<vmem>>, vector<224x96xf32>
    tpu.vector_store %arg13[%swap3A_92, %swap3A_93], %get3A_91 {strides = array<i32>} : memref<1344x1152xf32, #tpu.memory_space<vmem>>, vector<224x96xf32>,
    %get3A_95 = arith.constant 0 : index
    %get3A_96 = arith.constant 2 : index
    %get3A_97 = arith.constant 0 : index
    %get3A_98 = vector.load %arg11[%get3A_95, %get3A_96, %get3A_97] : memref<32x226x96xf32, #tpu.memory_space<vmem>>, vector<1x224x96xf32>
    %get3A_99 = vector.shape_cast %get3A_98 : vector<1x224x96xf32> to vector<224x96xf32>
    %swap3A_100 = arith.constant 0 : index
    %swap3A_101 = arith.constant 256 : index
    %swap3A_102 = vector.load %arg13[%swap3A_100, %swap3A_101] : memref<1344x1152xf32, #tpu.memory_space<vmem>>, vector<224x96xf32>
    tpu.vector_store %arg13[%swap3A_100, %swap3A_101], %get3A_99 {strides = array<i32>} : memref<1344x1152xf32, #tpu.memory_space<vmem>>, vector<224x96xf32>,
    %get3A_103 = arith.constant 1 : index
    %get3A_104 = arith.constant 0 : index
    %get3A_105 = arith.constant 0 : index
    %get3A_106 = vector.load %arg11[%get3A_103, %get3A_104, %get3A_105] : memref<32x226x96xf32, #tpu.memory_space<vmem>>, vector<1x224x96xf32>
    %get3A_107 = vector.shape_cast %get3A_106 : vector<1x224x96xf32> to vector<224x96xf32>
    %swap3A_108 = arith.constant 0 : index
    %swap3A_109 = arith.constant 384 : index
    %swap3A_110 = vector.load %arg13[%swap3A_108, %swap3A_109] : memref<1344x1152xf32, #tpu.memory_space<vmem>>, vector<224x96xf32>
    tpu.vector_store %arg13[%swap3A_108, %swap3A_109], %get3A_107 {strides = array<i32>} : memref<1344x1152xf32, #tpu.memory_space<vmem>>, vector<224x96xf32>,
    %get3A_111 = arith.constant 1 : index
    %get3A_112 = arith.constant 1 : index
    %get3A_113 = arith.constant 0 : index
    %get3A_114 = vector.load %arg11[%get3A_111, %get3A_112, %get3A_113] : memref<32x226x96xf32, #tpu.memory_space<vmem>>, vector<1x224x96xf32>
    %get3A_115 = vector.shape_cast %get3A_114 : vector<1x224x96xf32> to vector<224x96xf32>
    %swap3A_116 = arith.constant 0 : index
    %swap3A_117 = arith.constant 512 : index
    %swap3A_118 = vector.load %arg13[%swap3A_116, %swap3A_117] : memref<1344x1152xf32, #tpu.memory_space<vmem>>, vector<224x96xf32>
    tpu.vector_store %arg13[%swap3A_116, %swap3A_117], %get3A_115 {strides = array<i32>} : memref<1344x1152xf32, #tpu.memory_space<vmem>>, vector<224x96xf32>,
    %get3A_119 = arith.constant 1 : index
    %get3A_120 = arith.constant 2 : index
    %get3A_121 = arith.constant 0 : index
    %get3A_122 = vector.load %arg11[%get3A_119, %get3A_120, %get3A_121] : memref<32x226x96xf32, #tpu.memory_space<vmem>>, vector<1x224x96xf32>
    %get3A_123 = vector.shape_cast %get3A_122 : vector<1x224x96xf32> to vector<224x96xf32>
    %swap3A_124 = arith.constant 0 : index
    %swap3A_125 = arith.constant 640 : index
    %swap3A_126 = vector.load %arg13[%swap3A_124, %swap3A_125] : memref<1344x1152xf32, #tpu.memory_space<vmem>>, vector<224x96xf32>
    tpu.vector_store %arg13[%swap3A_124, %swap3A_125], %get3A_123 {strides = array<i32>} : memref<1344x1152xf32, #tpu.memory_space<vmem>>, vector<224x96xf32>,
    %get3A_127 = arith.constant 2 : index
    %get3A_128 = arith.constant 0 : index
    %get3A_129 = arith.constant 0 : index
    %get3A_130 = vector.load %arg11[%get3A_127, %get3A_128, %get3A_129] : memref<32x226x96xf32, #tpu.memory_space<vmem>>, vector<1x224x96xf32>
    %get3A_131 = vector.shape_cast %get3A_130 : vector<1x224x96xf32> to vector<224x96xf32>
    %swap3A_132 = arith.constant 0 : index
    %swap3A_133 = arith.constant 768 : index
    %swap3A_134 = vector.load %arg13[%swap3A_132, %swap3A_133] : memref<1344x1152xf32, #tpu.memory_space<vmem>>, vector<224x96xf32>
    tpu.vector_store %arg13[%swap3A_132, %swap3A_133], %get3A_131 {strides = array<i32>} : memref<1344x1152xf32, #tpu.memory_space<vmem>>, vector<224x96xf32>,
    %get3A_135 = arith.constant 2 : index
    %get3A_136 = arith.constant 1 : index
    %get3A_137 = arith.constant 0 : index
    %get3A_138 = vector.load %arg11[%get3A_135, %get3A_136, %get3A_137] : memref<32x226x96xf32, #tpu.memory_space<vmem>>, vector<1x224x96xf32>
    %get3A_139 = vector.shape_cast %get3A_138 : vector<1x224x96xf32> to vector<224x96xf32>
    %swap3A_140 = arith.constant 0 : index
    %swap3A_141 = arith.constant 896 : index
    %swap3A_142 = vector.load %arg13[%swap3A_140, %swap3A_141] : memref<1344x1152xf32, #tpu.memory_space<vmem>>, vector<224x96xf32>
    tpu.vector_store %arg13[%swap3A_140, %swap3A_141], %get3A_139 {strides = array<i32>} : memref<1344x1152xf32, #tpu.memory_space<vmem>>, vector<224x96xf32>,
    %get3A_143 = arith.constant 2 : index
    %get3A_144 = arith.constant 2 : index
    %get3A_145 = arith.constant 0 : index
    %get3A_146 = vector.load %arg11[%get3A_143, %get3A_144, %get3A_145] : memref<32x226x96xf32, #tpu.memory_space<vmem>>, vector<1x224x96xf32>
    %get3A_147 = vector.shape_cast %get3A_146 : vector<1x224x96xf32> to vector<224x96xf32>
    %swap3A_148 = arith.constant 0 : index
    %swap3A_149 = arith.constant 1024 : index
    %swap3A_150 = vector.load %arg13[%swap3A_148, %swap3A_149] : memref<1344x1152xf32, #tpu.memory_space<vmem>>, vector<224x96xf32>
    tpu.vector_store %arg13[%swap3A_148, %swap3A_149], %get3A_147 {strides = array<i32>} : memref<1344x1152xf32, #tpu.memory_space<vmem>>, vector<224x96xf32>,
    %get3A_151 = arith.constant 1 : index
    %get3A_152 = arith.constant 0 : index
    %get3A_153 = arith.constant 0 : index
    %get3A_154 = vector.load %arg11[%get3A_151, %get3A_152, %get3A_153] : memref<32x226x96xf32, #tpu.memory_space<vmem>>, vector<1x224x96xf32>
    %get3A_155 = vector.shape_cast %get3A_154 : vector<1x224x96xf32> to vector<224x96xf32>
    %swap3A_156 = arith.constant 224 : index
    %swap3A_157 = arith.constant 0 : index
    %swap3A_158 = vector.load %arg13[%swap3A_156, %swap3A_157] : memref<1344x1152xf32, #tpu.memory_space<vmem>>, vector<224x96xf32>
    tpu.vector_store %arg13[%swap3A_156, %swap3A_157], %get3A_155 {strides = array<i32>} : memref<1344x1152xf32, #tpu.memory_space<vmem>>, vector<224x96xf32>,
    %get3A_159 = arith.constant 1 : index
    %get3A_160 = arith.constant 1 : index
    %get3A_161 = arith.constant 0 : index
    %get3A_162 = vector.load %arg11[%get3A_159, %get3A_160, %get3A_161] : memref<32x226x96xf32, #tpu.memory_space<vmem>>, vector<1x224x96xf32>
    %get3A_163 = vector.shape_cast %get3A_162 : vector<1x224x96xf32> to vector<224x96xf32>
    %swap3A_164 = arith.constant 224 : index
    %swap3A_165 = arith.constant 128 : index
    %swap3A_166 = vector.load %arg13[%swap3A_164, %swap3A_165] : memref<1344x1152xf32, #tpu.memory_space<vmem>>, vector<224x96xf32>
    tpu.vector_store %arg13[%swap3A_164, %swap3A_165], %get3A_163 {strides = array<i32>} : memref<1344x1152xf32, #tpu.memory_space<vmem>>, vector<224x96xf32>,
    %get3A_167 = arith.constant 1 : index
    %get3A_168 = arith.constant 2 : index
    %get3A_169 = arith.constant 0 : index
    %get3A_170 = vector.load %arg11[%get3A_167, %get3A_168, %get3A_169] : memref<32x226x96xf32, #tpu.memory_space<vmem>>, vector<1x224x96xf32>
    %get3A_171 = vector.shape_cast %get3A_170 : vector<1x224x96xf32> to vector<224x96xf32>
    %swap3A_172 = arith.constant 224 : index
    %swap3A_173 = arith.constant 256 : index
    %swap3A_174 = vector.load %arg13[%swap3A_172, %swap3A_173] : memref<1344x1152xf32, #tpu.memory_space<vmem>>, vector<224x96xf32>
    tpu.vector_store %arg13[%swap3A_172, %swap3A_173], %get3A_171 {strides = array<i32>} : memref<1344x1152xf32, #tpu.memory_space<vmem>>, vector<224x96xf32>,
    %get3A_175 = arith.constant 2 : index
    %get3A_176 = arith.constant 0 : index
    %get3A_177 = arith.constant 0 : index
    %get3A_178 = vector.load %arg11[%get3A_175, %get3A_176, %get3A_177] : memref<32x226x96xf32, #tpu.memory_space<vmem>>, vector<1x224x96xf32>
    %get3A_179 = vector.shape_cast %get3A_178 : vector<1x224x96xf32> to vector<224x96xf32>
    %swap3A_180 = arith.constant 224 : index
    %swap3A_181 = arith.constant 384 : index
    %swap3A_182 = vector.load %arg13[%swap3A_180, %swap3A_181] : memref<1344x1152xf32, #tpu.memory_space<vmem>>, vector<224x96xf32>
    tpu.vector_store %arg13[%swap3A_180, %swap3A_181], %get3A_179 {strides = array<i32>} : memref<1344x1152xf32, #tpu.memory_space<vmem>>, vector<224x96xf32>,
    %get3A_183 = arith.constant 2 : index
    %get3A_184 = arith.constant 1 : index
    %get3A_185 = arith.constant 0 : index
    %get3A_186 = vector.load %arg11[%get3A_183, %get3A_184, %get3A_185] : memref<32x226x96xf32, #tpu.memory_space<vmem>>, vector<1x224x96xf32>
    %get3A_187 = vector.shape_cast %get3A_186 : vector<1x224x96xf32> to vector<224x96xf32>
    %swap3A_188 = arith.constant 224 : index
    %swap3A_189 = arith.constant 512 : index
    %swap3A_190 = vector.load %arg13[%swap3A_188, %swap3A_189] : memref<1344x1152xf32, #tpu.memory_space<vmem>>, vector<224x96xf32>
    tpu.vector_store %arg13[%swap3A_188, %swap3A_189], %get3A_187 {strides = array<i32>} : memref<1344x1152xf32, #tpu.memory_space<vmem>>, vector<224x96xf32>,
    %get3A_191 = arith.constant 2 : index
    %get3A_192 = arith.constant 2 : index
    %get3A_193 = arith.constant 0 : index
    %get3A_194 = vector.load %arg11[%get3A_191, %get3A_192, %get3A_193] : memref<32x226x96xf32, #tpu.memory_space<vmem>>, vector<1x224x96xf32>
    %get3A_195 = vector.shape_cast %get3A_194 : vector<1x224x96xf32> to vector<224x96xf32>
    %swap3A_196 = arith.constant 224 : index
    %swap3A_197 = arith.constant 640 : index
    %swap3A_198 = vector.load %arg13[%swap3A_196, %swap3A_197] : memref<1344x1152xf32, #tpu.memory_space<vmem>>, vector<224x96xf32>
    tpu.vector_store %arg13[%swap3A_196, %swap3A_197], %get3A_195 {strides = array<i32>} : memref<1344x1152xf32, #tpu.memory_space<vmem>>, vector<224x96xf32>,
    %get3A_199 = arith.constant 3 : index
    %get3A_200 = arith.constant 0 : index
    %get3A_201 = arith.constant 0 : index
    %get3A_202 = vector.load %arg11[%get3A_199, %get3A_200, %get3A_201] : memref<32x226x96xf32, #tpu.memory_space<vmem>>, vector<1x224x96xf32>
    %get3A_203 = vector.shape_cast %get3A_202 : vector<1x224x96xf32> to vector<224x96xf32>
    %swap3A_204 = arith.constant 224 : index
    %swap3A_205 = arith.constant 768 : index
    %swap3A_206 = vector.load %arg13[%swap3A_204, %swap3A_205] : memref<1344x1152xf32, #tpu.memory_space<vmem>>, vector<224x96xf32>
    tpu.vector_store %arg13[%swap3A_204, %swap3A_205], %get3A_203 {strides = array<i32>} : memref<1344x1152xf32, #tpu.memory_space<vmem>>, vector<224x96xf32>,
    %get3A_207 = arith.constant 3 : index
    %get3A_208 = arith.constant 1 : index
    %get3A_209 = arith.constant 0 : index
    %get3A_210 = vector.load %arg11[%get3A_207, %get3A_208, %get3A_209] : memref<32x226x96xf32, #tpu.memory_space<vmem>>, vector<1x224x96xf32>
    %get3A_211 = vector.shape_cast %get3A_210 : vector<1x224x96xf32> to vector<224x96xf32>
    %swap3A_212 = arith.constant 224 : index
    %swap3A_213 = arith.constant 896 : index
    %swap3A_214 = vector.load %arg13[%swap3A_212, %swap3A_213] : memref<1344x1152xf32, #tpu.memory_space<vmem>>, vector<224x96xf32>
    tpu.vector_store %arg13[%swap3A_212, %swap3A_213], %get3A_211 {strides = array<i32>} : memref<1344x1152xf32, #tpu.memory_space<vmem>>, vector<224x96xf32>,
    %get3A_215 = arith.constant 3 : index
    %get3A_216 = arith.constant 2 : index
    %get3A_217 = arith.constant 0 : index
    %get3A_218 = vector.load %arg11[%get3A_215, %get3A_216, %get3A_217] : memref<32x226x96xf32, #tpu.memory_space<vmem>>, vector<1x224x96xf32>
    %get3A_219 = vector.shape_cast %get3A_218 : vector<1x224x96xf32> to vector<224x96xf32>
    %swap3A_220 = arith.constant 224 : index
    %swap3A_221 = arith.constant 1024 : index
    %swap3A_222 = vector.load %arg13[%swap3A_220, %swap3A_221] : memref<1344x1152xf32, #tpu.memory_space<vmem>>, vector<224x96xf32>
    tpu.vector_store %arg13[%swap3A_220, %swap3A_221], %get3A_219 {strides = array<i32>} : memref<1344x1152xf32, #tpu.memory_space<vmem>>, vector<224x96xf32>,
    %get3A_223 = arith.constant 2 : index
    %get3A_224 = arith.constant 0 : index
    %get3A_225 = arith.constant 0 : index
    %get3A_226 = vector.load %arg11[%get3A_223, %get3A_224, %get3A_225] : memref<32x226x96xf32, #tpu.memory_space<vmem>>, vector<1x224x96xf32>
    %get3A_227 = vector.shape_cast %get3A_226 : vector<1x224x96xf32> to vector<224x96xf32>
    %swap3A_228 = arith.constant 448 : index
    %swap3A_229 = arith.constant 0 : index
    %swap3A_230 = vector.load %arg13[%swap3A_228, %swap3A_229] : memref<1344x1152xf32, #tpu.memory_space<vmem>>, vector<224x96xf32>
    tpu.vector_store %arg13[%swap3A_228, %swap3A_229], %get3A_227 {strides = array<i32>} : memref<1344x1152xf32, #tpu.memory_space<vmem>>, vector<224x96xf32>,
    %get3A_231 = arith.constant 2 : index
    %get3A_232 = arith.constant 1 : index
    %get3A_233 = arith.constant 0 : index
    %get3A_234 = vector.load %arg11[%get3A_231, %get3A_232, %get3A_233] : memref<32x226x96xf32, #tpu.memory_space<vmem>>, vector<1x224x96xf32>
    %get3A_235 = vector.shape_cast %get3A_234 : vector<1x224x96xf32> to vector<224x96xf32>
    %swap3A_236 = arith.constant 448 : index
    %swap3A_237 = arith.constant 128 : index
    %swap3A_238 = vector.load %arg13[%swap3A_236, %swap3A_237] : memref<1344x1152xf32, #tpu.memory_space<vmem>>, vector<224x96xf32>
    tpu.vector_store %arg13[%swap3A_236, %swap3A_237], %get3A_235 {strides = array<i32>} : memref<1344x1152xf32, #tpu.memory_space<vmem>>, vector<224x96xf32>,
    %get3A_239 = arith.constant 2 : index
    %get3A_240 = arith.constant 2 : index
    %get3A_241 = arith.constant 0 : index
    %get3A_242 = vector.load %arg11[%get3A_239, %get3A_240, %get3A_241] : memref<32x226x96xf32, #tpu.memory_space<vmem>>, vector<1x224x96xf32>
    %get3A_243 = vector.shape_cast %get3A_242 : vector<1x224x96xf32> to vector<224x96xf32>
    %swap3A_244 = arith.constant 448 : index
    %swap3A_245 = arith.constant 256 : index
    %swap3A_246 = vector.load %arg13[%swap3A_244, %swap3A_245] : memref<1344x1152xf32, #tpu.memory_space<vmem>>, vector<224x96xf32>
    tpu.vector_store %arg13[%swap3A_244, %swap3A_245], %get3A_243 {strides = array<i32>} : memref<1344x1152xf32, #tpu.memory_space<vmem>>, vector<224x96xf32>,
    %get3A_247 = arith.constant 3 : index
    %get3A_248 = arith.constant 0 : index
    %get3A_249 = arith.constant 0 : index
    %get3A_250 = vector.load %arg11[%get3A_247, %get3A_248, %get3A_249] : memref<32x226x96xf32, #tpu.memory_space<vmem>>, vector<1x224x96xf32>
    %get3A_251 = vector.shape_cast %get3A_250 : vector<1x224x96xf32> to vector<224x96xf32>
    %swap3A_252 = arith.constant 448 : index
    %swap3A_253 = arith.constant 384 : index
    %swap3A_254 = vector.load %arg13[%swap3A_252, %swap3A_253] : memref<1344x1152xf32, #tpu.memory_space<vmem>>, vector<224x96xf32>
    tpu.vector_store %arg13[%swap3A_252, %swap3A_253], %get3A_251 {strides = array<i32>} : memref<1344x1152xf32, #tpu.memory_space<vmem>>, vector<224x96xf32>,
    %get3A_255 = arith.constant 3 : index
    %get3A_256 = arith.constant 1 : index
    %get3A_257 = arith.constant 0 : index
    %get3A_258 = vector.load %arg11[%get3A_255, %get3A_256, %get3A_257] : memref<32x226x96xf32, #tpu.memory_space<vmem>>, vector<1x224x96xf32>
    %get3A_259 = vector.shape_cast %get3A_258 : vector<1x224x96xf32> to vector<224x96xf32>
    %swap3A_260 = arith.constant 448 : index
    %swap3A_261 = arith.constant 512 : index
    %swap3A_262 = vector.load %arg13[%swap3A_260, %swap3A_261] : memref<1344x1152xf32, #tpu.memory_space<vmem>>, vector<224x96xf32>
    tpu.vector_store %arg13[%swap3A_260, %swap3A_261], %get3A_259 {strides = array<i32>} : memref<1344x1152xf32, #tpu.memory_space<vmem>>, vector<224x96xf32>,
    %get3A_263 = arith.constant 3 : index
    %get3A_264 = arith.constant 2 : index
    %get3A_265 = arith.constant 0 : index
    %get3A_266 = vector.load %arg11[%get3A_263, %get3A_264, %get3A_265] : memref<32x226x96xf32, #tpu.memory_space<vmem>>, vector<1x224x96xf32>
    %get3A_267 = vector.shape_cast %get3A_266 : vector<1x224x96xf32> to vector<224x96xf32>
    %swap3A_268 = arith.constant 448 : index
    %swap3A_269 = arith.constant 640 : index
    %swap3A_270 = vector.load %arg13[%swap3A_268, %swap3A_269] : memref<1344x1152xf32, #tpu.memory_space<vmem>>, vector<224x96xf32>
    tpu.vector_store %arg13[%swap3A_268, %swap3A_269], %get3A_267 {strides = array<i32>} : memref<1344x1152xf32, #tpu.memory_space<vmem>>, vector<224x96xf32>,
    %get3A_271 = arith.constant 4 : index
    %get3A_272 = arith.constant 0 : index
    %get3A_273 = arith.constant 0 : index
    %get3A_274 = vector.load %arg11[%get3A_271, %get3A_272, %get3A_273] : memref<32x226x96xf32, #tpu.memory_space<vmem>>, vector<1x224x96xf32>
    %get3A_275 = vector.shape_cast %get3A_274 : vector<1x224x96xf32> to vector<224x96xf32>
    %swap3A_276 = arith.constant 448 : index
    %swap3A_277 = arith.constant 768 : index
    %swap3A_278 = vector.load %arg13[%swap3A_276, %swap3A_277] : memref<1344x1152xf32, #tpu.memory_space<vmem>>, vector<224x96xf32>
    tpu.vector_store %arg13[%swap3A_276, %swap3A_277], %get3A_275 {strides = array<i32>} : memref<1344x1152xf32, #tpu.memory_space<vmem>>, vector<224x96xf32>,
    %get3A_279 = arith.constant 4 : index
    %get3A_280 = arith.constant 1 : index
    %get3A_281 = arith.constant 0 : index
    %get3A_282 = vector.load %arg11[%get3A_279, %get3A_280, %get3A_281] : memref<32x226x96xf32, #tpu.memory_space<vmem>>, vector<1x224x96xf32>
    %get3A_283 = vector.shape_cast %get3A_282 : vector<1x224x96xf32> to vector<224x96xf32>
    %swap3A_284 = arith.constant 448 : index
    %swap3A_285 = arith.constant 896 : index
    %swap3A_286 = vector.load %arg13[%swap3A_284, %swap3A_285] : memref<1344x1152xf32, #tpu.memory_space<vmem>>, vector<224x96xf32>
    tpu.vector_store %arg13[%swap3A_284, %swap3A_285], %get3A_283 {strides = array<i32>} : memref<1344x1152xf32, #tpu.memory_space<vmem>>, vector<224x96xf32>,
    %get3A_287 = arith.constant 4 : index
    %get3A_288 = arith.constant 2 : index
    %get3A_289 = arith.constant 0 : index
    %get3A_290 = vector.load %arg11[%get3A_287, %get3A_288, %get3A_289] : memref<32x226x96xf32, #tpu.memory_space<vmem>>, vector<1x224x96xf32>
    %get3A_291 = vector.shape_cast %get3A_290 : vector<1x224x96xf32> to vector<224x96xf32>
    %swap3A_292 = arith.constant 448 : index
    %swap3A_293 = arith.constant 1024 : index
    %swap3A_294 = vector.load %arg13[%swap3A_292, %swap3A_293] : memref<1344x1152xf32, #tpu.memory_space<vmem>>, vector<224x96xf32>
    tpu.vector_store %arg13[%swap3A_292, %swap3A_293], %get3A_291 {strides = array<i32>} : memref<1344x1152xf32, #tpu.memory_space<vmem>>, vector<224x96xf32>,
    %get3A_295 = arith.constant 3 : index
    %get3A_296 = arith.constant 0 : index
    %get3A_297 = arith.constant 0 : index
    %get3A_298 = vector.load %arg11[%get3A_295, %get3A_296, %get3A_297] : memref<32x226x96xf32, #tpu.memory_space<vmem>>, vector<1x224x96xf32>
    %get3A_299 = vector.shape_cast %get3A_298 : vector<1x224x96xf32> to vector<224x96xf32>
    %swap3A_300 = arith.constant 672 : index
    %swap3A_301 = arith.constant 0 : index
    %swap3A_302 = vector.load %arg13[%swap3A_300, %swap3A_301] : memref<1344x1152xf32, #tpu.memory_space<vmem>>, vector<224x96xf32>
    tpu.vector_store %arg13[%swap3A_300, %swap3A_301], %get3A_299 {strides = array<i32>} : memref<1344x1152xf32, #tpu.memory_space<vmem>>, vector<224x96xf32>,
    %get3A_303 = arith.constant 3 : index
    %get3A_304 = arith.constant 1 : index
    %get3A_305 = arith.constant 0 : index
    %get3A_306 = vector.load %arg11[%get3A_303, %get3A_304, %get3A_305] : memref<32x226x96xf32, #tpu.memory_space<vmem>>, vector<1x224x96xf32>
    %get3A_307 = vector.shape_cast %get3A_306 : vector<1x224x96xf32> to vector<224x96xf32>
    %swap3A_308 = arith.constant 672 : index
    %swap3A_309 = arith.constant 128 : index
    %swap3A_310 = vector.load %arg13[%swap3A_308, %swap3A_309] : memref<1344x1152xf32, #tpu.memory_space<vmem>>, vector<224x96xf32>
    tpu.vector_store %arg13[%swap3A_308, %swap3A_309], %get3A_307 {strides = array<i32>} : memref<1344x1152xf32, #tpu.memory_space<vmem>>, vector<224x96xf32>,
    %get3A_311 = arith.constant 3 : index
    %get3A_312 = arith.constant 2 : index
    %get3A_313 = arith.constant 0 : index
    %get3A_314 = vector.load %arg11[%get3A_311, %get3A_312, %get3A_313] : memref<32x226x96xf32, #tpu.memory_space<vmem>>, vector<1x224x96xf32>
    %get3A_315 = vector.shape_cast %get3A_314 : vector<1x224x96xf32> to vector<224x96xf32>
    %swap3A_316 = arith.constant 672 : index
    %swap3A_317 = arith.constant 256 : index
    %swap3A_318 = vector.load %arg13[%swap3A_316, %swap3A_317] : memref<1344x1152xf32, #tpu.memory_space<vmem>>, vector<224x96xf32>
    tpu.vector_store %arg13[%swap3A_316, %swap3A_317], %get3A_315 {strides = array<i32>} : memref<1344x1152xf32, #tpu.memory_space<vmem>>, vector<224x96xf32>,
    %get3A_319 = arith.constant 4 : index
    %get3A_320 = arith.constant 0 : index
    %get3A_321 = arith.constant 0 : index
    %get3A_322 = vector.load %arg11[%get3A_319, %get3A_320, %get3A_321] : memref<32x226x96xf32, #tpu.memory_space<vmem>>, vector<1x224x96xf32>
    %get3A_323 = vector.shape_cast %get3A_322 : vector<1x224x96xf32> to vector<224x96xf32>
    %swap3A_324 = arith.constant 672 : index
    %swap3A_325 = arith.constant 384 : index
    %swap3A_326 = vector.load %arg13[%swap3A_324, %swap3A_325] : memref<1344x1152xf32, #tpu.memory_space<vmem>>, vector<224x96xf32>
    tpu.vector_store %arg13[%swap3A_324, %swap3A_325], %get3A_323 {strides = array<i32>} : memref<1344x1152xf32, #tpu.memory_space<vmem>>, vector<224x96xf32>,
    %get3A_327 = arith.constant 4 : index
    %get3A_328 = arith.constant 1 : index
    %get3A_329 = arith.constant 0 : index
    %get3A_330 = vector.load %arg11[%get3A_327, %get3A_328, %get3A_329] : memref<32x226x96xf32, #tpu.memory_space<vmem>>, vector<1x224x96xf32>
    %get3A_331 = vector.shape_cast %get3A_330 : vector<1x224x96xf32> to vector<224x96xf32>
    %swap3A_332 = arith.constant 672 : index
    %swap3A_333 = arith.constant 512 : index
    %swap3A_334 = vector.load %arg13[%swap3A_332, %swap3A_333] : memref<1344x1152xf32, #tpu.memory_space<vmem>>, vector<224x96xf32>
    tpu.vector_store %arg13[%swap3A_332, %swap3A_333], %get3A_331 {strides = array<i32>} : memref<1344x1152xf32, #tpu.memory_space<vmem>>, vector<224x96xf32>,
    %get3A_335 = arith.constant 4 : index
    %get3A_336 = arith.constant 2 : index
    %get3A_337 = arith.constant 0 : index
    %get3A_338 = vector.load %arg11[%get3A_335, %get3A_336, %get3A_337] : memref<32x226x96xf32, #tpu.memory_space<vmem>>, vector<1x224x96xf32>
    %get3A_339 = vector.shape_cast %get3A_338 : vector<1x224x96xf32> to vector<224x96xf32>
    %swap3A_340 = arith.constant 672 : index
    %swap3A_341 = arith.constant 640 : index
    %swap3A_342 = vector.load %arg13[%swap3A_340, %swap3A_341] : memref<1344x1152xf32, #tpu.memory_space<vmem>>, vector<224x96xf32>
    tpu.vector_store %arg13[%swap3A_340, %swap3A_341], %get3A_339 {strides = array<i32>} : memref<1344x1152xf32, #tpu.memory_space<vmem>>, vector<224x96xf32>,
    %get3A_343 = arith.constant 5 : index
    %get3A_344 = arith.constant 0 : index
    %get3A_345 = arith.constant 0 : index
    %get3A_346 = vector.load %arg11[%get3A_343, %get3A_344, %get3A_345] : memref<32x226x96xf32, #tpu.memory_space<vmem>>, vector<1x224x96xf32>
    %get3A_347 = vector.shape_cast %get3A_346 : vector<1x224x96xf32> to vector<224x96xf32>
    %swap3A_348 = arith.constant 672 : index
    %swap3A_349 = arith.constant 768 : index
    %swap3A_350 = vector.load %arg13[%swap3A_348, %swap3A_349] : memref<1344x1152xf32, #tpu.memory_space<vmem>>, vector<224x96xf32>
    tpu.vector_store %arg13[%swap3A_348, %swap3A_349], %get3A_347 {strides = array<i32>} : memref<1344x1152xf32, #tpu.memory_space<vmem>>, vector<224x96xf32>,
    %get3A_351 = arith.constant 5 : index
    %get3A_352 = arith.constant 1 : index
    %get3A_353 = arith.constant 0 : index
    %get3A_354 = vector.load %arg11[%get3A_351, %get3A_352, %get3A_353] : memref<32x226x96xf32, #tpu.memory_space<vmem>>, vector<1x224x96xf32>
    %get3A_355 = vector.shape_cast %get3A_354 : vector<1x224x96xf32> to vector<224x96xf32>
    %swap3A_356 = arith.constant 672 : index
    %swap3A_357 = arith.constant 896 : index
    %swap3A_358 = vector.load %arg13[%swap3A_356, %swap3A_357] : memref<1344x1152xf32, #tpu.memory_space<vmem>>, vector<224x96xf32>
    tpu.vector_store %arg13[%swap3A_356, %swap3A_357], %get3A_355 {strides = array<i32>} : memref<1344x1152xf32, #tpu.memory_space<vmem>>, vector<224x96xf32>,
    %get3A_359 = arith.constant 5 : index
    %get3A_360 = arith.constant 2 : index
    %get3A_361 = arith.constant 0 : index
    %get3A_362 = vector.load %arg11[%get3A_359, %get3A_360, %get3A_361] : memref<32x226x96xf32, #tpu.memory_space<vmem>>, vector<1x224x96xf32>
    %get3A_363 = vector.shape_cast %get3A_362 : vector<1x224x96xf32> to vector<224x96xf32>
    %swap3A_364 = arith.constant 672 : index
    %swap3A_365 = arith.constant 1024 : index
    %swap3A_366 = vector.load %arg13[%swap3A_364, %swap3A_365] : memref<1344x1152xf32, #tpu.memory_space<vmem>>, vector<224x96xf32>
    tpu.vector_store %arg13[%swap3A_364, %swap3A_365], %get3A_363 {strides = array<i32>} : memref<1344x1152xf32, #tpu.memory_space<vmem>>, vector<224x96xf32>,
    %get3A_367 = arith.constant 4 : index
    %get3A_368 = arith.constant 0 : index
    %get3A_369 = arith.constant 0 : index
    %get3A_370 = vector.load %arg11[%get3A_367, %get3A_368, %get3A_369] : memref<32x226x96xf32, #tpu.memory_space<vmem>>, vector<1x224x96xf32>
    %get3A_371 = vector.shape_cast %get3A_370 : vector<1x224x96xf32> to vector<224x96xf32>
    %swap3A_372 = arith.constant 896 : index
    %swap3A_373 = arith.constant 0 : index
    %swap3A_374 = vector.load %arg13[%swap3A_372, %swap3A_373] : memref<1344x1152xf32, #tpu.memory_space<vmem>>, vector<224x96xf32>
    tpu.vector_store %arg13[%swap3A_372, %swap3A_373], %get3A_371 {strides = array<i32>} : memref<1344x1152xf32, #tpu.memory_space<vmem>>, vector<224x96xf32>,
    %get3A_375 = arith.constant 4 : index
    %get3A_376 = arith.constant 1 : index
    %get3A_377 = arith.constant 0 : index
    %get3A_378 = vector.load %arg11[%get3A_375, %get3A_376, %get3A_377] : memref<32x226x96xf32, #tpu.memory_space<vmem>>, vector<1x224x96xf32>
    %get3A_379 = vector.shape_cast %get3A_378 : vector<1x224x96xf32> to vector<224x96xf32>
    %swap3A_380 = arith.constant 896 : index
    %swap3A_381 = arith.constant 128 : index
    %swap3A_382 = vector.load %arg13[%swap3A_380, %swap3A_381] : memref<1344x1152xf32, #tpu.memory_space<vmem>>, vector<224x96xf32>
    tpu.vector_store %arg13[%swap3A_380, %swap3A_381], %get3A_379 {strides = array<i32>} : memref<1344x1152xf32, #tpu.memory_space<vmem>>, vector<224x96xf32>,
    %get3A_383 = arith.constant 4 : index
    %get3A_384 = arith.constant 2 : index
    %get3A_385 = arith.constant 0 : index
    %get3A_386 = vector.load %arg11[%get3A_383, %get3A_384, %get3A_385] : memref<32x226x96xf32, #tpu.memory_space<vmem>>, vector<1x224x96xf32>
    %get3A_387 = vector.shape_cast %get3A_386 : vector<1x224x96xf32> to vector<224x96xf32>
    %swap3A_388 = arith.constant 896 : index
    %swap3A_389 = arith.constant 256 : index
    %swap3A_390 = vector.load %arg13[%swap3A_388, %swap3A_389] : memref<1344x1152xf32, #tpu.memory_space<vmem>>, vector<224x96xf32>
    tpu.vector_store %arg13[%swap3A_388, %swap3A_389], %get3A_387 {strides = array<i32>} : memref<1344x1152xf32, #tpu.memory_space<vmem>>, vector<224x96xf32>,
    %get3A_391 = arith.constant 5 : index
    %get3A_392 = arith.constant 0 : index
    %get3A_393 = arith.constant 0 : index
    %get3A_394 = vector.load %arg11[%get3A_391, %get3A_392, %get3A_393] : memref<32x226x96xf32, #tpu.memory_space<vmem>>, vector<1x224x96xf32>
    %get3A_395 = vector.shape_cast %get3A_394 : vector<1x224x96xf32> to vector<224x96xf32>
    %swap3A_396 = arith.constant 896 : index
    %swap3A_397 = arith.constant 384 : index
    %swap3A_398 = vector.load %arg13[%swap3A_396, %swap3A_397] : memref<1344x1152xf32, #tpu.memory_space<vmem>>, vector<224x96xf32>
    tpu.vector_store %arg13[%swap3A_396, %swap3A_397], %get3A_395 {strides = array<i32>} : memref<1344x1152xf32, #tpu.memory_space<vmem>>, vector<224x96xf32>,
    %get3A_399 = arith.constant 5 : index
    %get3A_400 = arith.constant 1 : index
    %get3A_401 = arith.constant 0 : index
    %get3A_402 = vector.load %arg11[%get3A_399, %get3A_400, %get3A_401] : memref<32x226x96xf32, #tpu.memory_space<vmem>>, vector<1x224x96xf32>
    %get3A_403 = vector.shape_cast %get3A_402 : vector<1x224x96xf32> to vector<224x96xf32>
    %swap3A_404 = arith.constant 896 : index
    %swap3A_405 = arith.constant 512 : index
    %swap3A_406 = vector.load %arg13[%swap3A_404, %swap3A_405] : memref<1344x1152xf32, #tpu.memory_space<vmem>>, vector<224x96xf32>
    tpu.vector_store %arg13[%swap3A_404, %swap3A_405], %get3A_403 {strides = array<i32>} : memref<1344x1152xf32, #tpu.memory_space<vmem>>, vector<224x96xf32>,
    %get3A_407 = arith.constant 5 : index
    %get3A_408 = arith.constant 2 : index
    %get3A_409 = arith.constant 0 : index
    %get3A_410 = vector.load %arg11[%get3A_407, %get3A_408, %get3A_409] : memref<32x226x96xf32, #tpu.memory_space<vmem>>, vector<1x224x96xf32>
    %get3A_411 = vector.shape_cast %get3A_410 : vector<1x224x96xf32> to vector<224x96xf32>
    %swap3A_412 = arith.constant 896 : index
    %swap3A_413 = arith.constant 640 : index
    %swap3A_414 = vector.load %arg13[%swap3A_412, %swap3A_413] : memref<1344x1152xf32, #tpu.memory_space<vmem>>, vector<224x96xf32>
    tpu.vector_store %arg13[%swap3A_412, %swap3A_413], %get3A_411 {strides = array<i32>} : memref<1344x1152xf32, #tpu.memory_space<vmem>>, vector<224x96xf32>,
    %get3A_415 = arith.constant 6 : index
    %get3A_416 = arith.constant 0 : index
    %get3A_417 = arith.constant 0 : index
    %get3A_418 = vector.load %arg11[%get3A_415, %get3A_416, %get3A_417] : memref<32x226x96xf32, #tpu.memory_space<vmem>>, vector<1x224x96xf32>
    %get3A_419 = vector.shape_cast %get3A_418 : vector<1x224x96xf32> to vector<224x96xf32>
    %swap3A_420 = arith.constant 896 : index
    %swap3A_421 = arith.constant 768 : index
    %swap3A_422 = vector.load %arg13[%swap3A_420, %swap3A_421] : memref<1344x1152xf32, #tpu.memory_space<vmem>>, vector<224x96xf32>
    tpu.vector_store %arg13[%swap3A_420, %swap3A_421], %get3A_419 {strides = array<i32>} : memref<1344x1152xf32, #tpu.memory_space<vmem>>, vector<224x96xf32>,
    %get3A_423 = arith.constant 6 : index
    %get3A_424 = arith.constant 1 : index
    %get3A_425 = arith.constant 0 : index
    %get3A_426 = vector.load %arg11[%get3A_423, %get3A_424, %get3A_425] : memref<32x226x96xf32, #tpu.memory_space<vmem>>, vector<1x224x96xf32>
    %get3A_427 = vector.shape_cast %get3A_426 : vector<1x224x96xf32> to vector<224x96xf32>
    %swap3A_428 = arith.constant 896 : index
    %swap3A_429 = arith.constant 896 : index
    %swap3A_430 = vector.load %arg13[%swap3A_428, %swap3A_429] : memref<1344x1152xf32, #tpu.memory_space<vmem>>, vector<224x96xf32>
    tpu.vector_store %arg13[%swap3A_428, %swap3A_429], %get3A_427 {strides = array<i32>} : memref<1344x1152xf32, #tpu.memory_space<vmem>>, vector<224x96xf32>,
    %get3A_431 = arith.constant 6 : index
    %get3A_432 = arith.constant 2 : index
    %get3A_433 = arith.constant 0 : index
    %get3A_434 = vector.load %arg11[%get3A_431, %get3A_432, %get3A_433] : memref<32x226x96xf32, #tpu.memory_space<vmem>>, vector<1x224x96xf32>
    %get3A_435 = vector.shape_cast %get3A_434 : vector<1x224x96xf32> to vector<224x96xf32>
    %swap3A_436 = arith.constant 896 : index
    %swap3A_437 = arith.constant 1024 : index
    %swap3A_438 = vector.load %arg13[%swap3A_436, %swap3A_437] : memref<1344x1152xf32, #tpu.memory_space<vmem>>, vector<224x96xf32>
    tpu.vector_store %arg13[%swap3A_436, %swap3A_437], %get3A_435 {strides = array<i32>} : memref<1344x1152xf32, #tpu.memory_space<vmem>>, vector<224x96xf32>,
    %get3A_439 = arith.constant 5 : index
    %get3A_440 = arith.constant 0 : index
    %get3A_441 = arith.constant 0 : index
    %get3A_442 = vector.load %arg11[%get3A_439, %get3A_440, %get3A_441] : memref<32x226x96xf32, #tpu.memory_space<vmem>>, vector<1x224x96xf32>
    %get3A_443 = vector.shape_cast %get3A_442 : vector<1x224x96xf32> to vector<224x96xf32>
    %swap3A_444 = arith.constant 1120 : index
    %swap3A_445 = arith.constant 0 : index
    %swap3A_446 = vector.load %arg13[%swap3A_444, %swap3A_445] : memref<1344x1152xf32, #tpu.memory_space<vmem>>, vector<224x96xf32>
    tpu.vector_store %arg13[%swap3A_444, %swap3A_445], %get3A_443 {strides = array<i32>} : memref<1344x1152xf32, #tpu.memory_space<vmem>>, vector<224x96xf32>,
    %get3A_447 = arith.constant 5 : index
    %get3A_448 = arith.constant 1 : index
    %get3A_449 = arith.constant 0 : index
    %get3A_450 = vector.load %arg11[%get3A_447, %get3A_448, %get3A_449] : memref<32x226x96xf32, #tpu.memory_space<vmem>>, vector<1x224x96xf32>
    %get3A_451 = vector.shape_cast %get3A_450 : vector<1x224x96xf32> to vector<224x96xf32>
    %swap3A_452 = arith.constant 1120 : index
    %swap3A_453 = arith.constant 128 : index
    %swap3A_454 = vector.load %arg13[%swap3A_452, %swap3A_453] : memref<1344x1152xf32, #tpu.memory_space<vmem>>, vector<224x96xf32>
    tpu.vector_store %arg13[%swap3A_452, %swap3A_453], %get3A_451 {strides = array<i32>} : memref<1344x1152xf32, #tpu.memory_space<vmem>>, vector<224x96xf32>,
    %get3A_455 = arith.constant 5 : index
    %get3A_456 = arith.constant 2 : index
    %get3A_457 = arith.constant 0 : index
    %get3A_458 = vector.load %arg11[%get3A_455, %get3A_456, %get3A_457] : memref<32x226x96xf32, #tpu.memory_space<vmem>>, vector<1x224x96xf32>
    %get3A_459 = vector.shape_cast %get3A_458 : vector<1x224x96xf32> to vector<224x96xf32>
    %swap3A_460 = arith.constant 1120 : index
    %swap3A_461 = arith.constant 256 : index
    %swap3A_462 = vector.load %arg13[%swap3A_460, %swap3A_461] : memref<1344x1152xf32, #tpu.memory_space<vmem>>, vector<224x96xf32>
    tpu.vector_store %arg13[%swap3A_460, %swap3A_461], %get3A_459 {strides = array<i32>} : memref<1344x1152xf32, #tpu.memory_space<vmem>>, vector<224x96xf32>,
    %get3A_463 = arith.constant 6 : index
    %get3A_464 = arith.constant 0 : index
    %get3A_465 = arith.constant 0 : index
    %get3A_466 = vector.load %arg11[%get3A_463, %get3A_464, %get3A_465] : memref<32x226x96xf32, #tpu.memory_space<vmem>>, vector<1x224x96xf32>
    %get3A_467 = vector.shape_cast %get3A_466 : vector<1x224x96xf32> to vector<224x96xf32>
    %swap3A_468 = arith.constant 1120 : index
    %swap3A_469 = arith.constant 384 : index
    %swap3A_470 = vector.load %arg13[%swap3A_468, %swap3A_469] : memref<1344x1152xf32, #tpu.memory_space<vmem>>, vector<224x96xf32>
    tpu.vector_store %arg13[%swap3A_468, %swap3A_469], %get3A_467 {strides = array<i32>} : memref<1344x1152xf32, #tpu.memory_space<vmem>>, vector<224x96xf32>,
    %get3A_471 = arith.constant 6 : index
    %get3A_472 = arith.constant 1 : index
    %get3A_473 = arith.constant 0 : index
    %get3A_474 = vector.load %arg11[%get3A_471, %get3A_472, %get3A_473] : memref<32x226x96xf32, #tpu.memory_space<vmem>>, vector<1x224x96xf32>
    %get3A_475 = vector.shape_cast %get3A_474 : vector<1x224x96xf32> to vector<224x96xf32>
    %swap3A_476 = arith.constant 1120 : index
    %swap3A_477 = arith.constant 512 : index
    %swap3A_478 = vector.load %arg13[%swap3A_476, %swap3A_477] : memref<1344x1152xf32, #tpu.memory_space<vmem>>, vector<224x96xf32>
    tpu.vector_store %arg13[%swap3A_476, %swap3A_477], %get3A_475 {strides = array<i32>} : memref<1344x1152xf32, #tpu.memory_space<vmem>>, vector<224x96xf32>,
    %get3A_479 = arith.constant 6 : index
    %get3A_480 = arith.constant 2 : index
    %get3A_481 = arith.constant 0 : index
    %get3A_482 = vector.load %arg11[%get3A_479, %get3A_480, %get3A_481] : memref<32x226x96xf32, #tpu.memory_space<vmem>>, vector<1x224x96xf32>
    %get3A_483 = vector.shape_cast %get3A_482 : vector<1x224x96xf32> to vector<224x96xf32>
    %swap3A_484 = arith.constant 1120 : index
    %swap3A_485 = arith.constant 640 : index
    %swap3A_486 = vector.load %arg13[%swap3A_484, %swap3A_485] : memref<1344x1152xf32, #tpu.memory_space<vmem>>, vector<224x96xf32>
    tpu.vector_store %arg13[%swap3A_484, %swap3A_485], %get3A_483 {strides = array<i32>} : memref<1344x1152xf32, #tpu.memory_space<vmem>>, vector<224x96xf32>,
    %get3A_487 = arith.constant 7 : index
    %get3A_488 = arith.constant 0 : index
    %get3A_489 = arith.constant 0 : index
    %get3A_490 = vector.load %arg11[%get3A_487, %get3A_488, %get3A_489] : memref<32x226x96xf32, #tpu.memory_space<vmem>>, vector<1x224x96xf32>
    %get3A_491 = vector.shape_cast %get3A_490 : vector<1x224x96xf32> to vector<224x96xf32>
    %swap3A_492 = arith.constant 1120 : index
    %swap3A_493 = arith.constant 768 : index
    %swap3A_494 = vector.load %arg13[%swap3A_492, %swap3A_493] : memref<1344x1152xf32, #tpu.memory_space<vmem>>, vector<224x96xf32>
    tpu.vector_store %arg13[%swap3A_492, %swap3A_493], %get3A_491 {strides = array<i32>} : memref<1344x1152xf32, #tpu.memory_space<vmem>>, vector<224x96xf32>,
    %get3A_495 = arith.constant 7 : index
    %get3A_496 = arith.constant 1 : index
    %get3A_497 = arith.constant 0 : index
    %get3A_498 = vector.load %arg11[%get3A_495, %get3A_496, %get3A_497] : memref<32x226x96xf32, #tpu.memory_space<vmem>>, vector<1x224x96xf32>
    %get3A_499 = vector.shape_cast %get3A_498 : vector<1x224x96xf32> to vector<224x96xf32>
    %swap3A_500 = arith.constant 1120 : index
    %swap3A_501 = arith.constant 896 : index
    %swap3A_502 = vector.load %arg13[%swap3A_500, %swap3A_501] : memref<1344x1152xf32, #tpu.memory_space<vmem>>, vector<224x96xf32>
    tpu.vector_store %arg13[%swap3A_500, %swap3A_501], %get3A_499 {strides = array<i32>} : memref<1344x1152xf32, #tpu.memory_space<vmem>>, vector<224x96xf32>,
    %get3A_503 = arith.constant 7 : index
    %get3A_504 = arith.constant 2 : index
    %get3A_505 = arith.constant 0 : index
    %get3A_506 = vector.load %arg11[%get3A_503, %get3A_504, %get3A_505] : memref<32x226x96xf32, #tpu.memory_space<vmem>>, vector<1x224x96xf32>
    %get3A_507 = vector.shape_cast %get3A_506 : vector<1x224x96xf32> to vector<224x96xf32>
    %swap3A_508 = arith.constant 1120 : index
    %swap3A_509 = arith.constant 1024 : index
    %swap3A_510 = vector.load %arg13[%swap3A_508, %swap3A_509] : memref<1344x1152xf32, #tpu.memory_space<vmem>>, vector<224x96xf32>
    tpu.vector_store %arg13[%swap3A_508, %swap3A_509], %get3A_507 {strides = array<i32>} : memref<1344x1152xf32, #tpu.memory_space<vmem>>, vector<224x96xf32>,
    %get3A_511 = arith.constant 0 : index
    %get3A_512 = arith.constant 0 : index
    %get3A_513 = vector.load %arg13[%get3A_511, %get3A_512] : memref<1344x1152xf32, #tpu.memory_space<vmem>>, vector<1344x1152xf32>
    %dot_general3A = arith.constant dense<0.000000e+00> : vector<1344x96xf32>
    %dot_general3A_514 = tpu.matmul %get3A_513, %concatenate3A, %dot_general3A {dimension_numbers = #tpu.dot_dimension_numbers<[1], [0], [0], [1], [0, 0, 1, 1], [], []>, transpose_lhs_hint = false} : vector<1344x1152xf32>, vector<1152x96xf32>, vector<1344x96xf32> -> vector<1344x96xf32>
    %add3A = vector.broadcast %concatenate3A_50 : vector<1x96xf32> to vector<1344x96xf32>
    %add3A_515 = arith.addf %dot_general3A_514, %add3A : vector<1344x96xf32>
    %logistic3A = arith.negf %add3A_515 : vector<1344x96xf32>
    %logistic3A_516 = math.exp %logistic3A : vector<1344x96xf32>
    %logistic3A_517 = arith.constant 1.000000e+00 : f32
    %logistic3A_518 = vector.broadcast %logistic3A_517 : f32 to vector<1344x96xf32>
    %logistic3A_519 = arith.addf %logistic3A_518, %logistic3A_516 : vector<1344x96xf32>
    %logistic3A_520 = arith.divf %logistic3A_518, %logistic3A_519 : vector<1344x96xf32>
    %mul3A = arith.mulf %add3A_515, %logistic3A_520 : vector<1344x96xf32>
    %reshape3A = vector.shape_cast %mul3A : vector<1344x96xf32> to vector<6x224x96xf32>
    %mul3A_521 = arith.constant 28 : i32
    %mul3A_522 = arith.muli %arg1, %mul3A_521 : i32
    %sub3A = arith.constant 1 : i32
    %sub3A_523 = arith.subi %mul3A_522, %sub3A : i32
    %add3A_524 = arith.constant 0 : i32
    %add3A_525 = arith.addi %sub3A_523, %add3A_524 : i32
    %iota3A = tpu.iota {dimensions = array<i32: 0>} : vector<6x1x1xi32>
    %add3A_526 = vector.broadcast %add3A_525 : i32 to vector<6x1x1xi32>
    %add3A_527 = arith.addi %add3A_526, %iota3A : vector<6x1x1xi32>
    %ge3A = arith.constant 0 : i32
    %ge3A_528 = vector.broadcast %ge3A : i32 to vector<6x1x1xi32>
    %ge3A_529 = arith.cmpi sge, %add3A_527, %ge3A_528 : vector<6x1x1xi32>
    %lt3A = arith.constant 224 : i32
    %lt3A_530 = vector.broadcast %lt3A : i32 to vector<6x1x1xi32>
    %lt3A_531 = arith.cmpi slt, %add3A_527, %lt3A_530 : vector<6x1x1xi32>
    %and3A = arith.andi %ge3A_529, %lt3A_531 : vector<6x1x1xi1>
    %jit3A = arith.constant 0.000000e+00 : f32
    %broadcast_in_dim3A_532 = vector.shape_cast %and3A : vector<6x1x1xi1> to vector<6x1x1xi1>
    %broadcast_in_dim3A_533 = vector.broadcast %broadcast_in_dim3A_532 : vector<6x1x1xi1> to vector<6x224x96xi1>
    %broadcast_in_dim3A_534 = vector.broadcast %jit3A : f32 to vector<6x224x96xf32>
    %select_n3A = arith.select %broadcast_in_dim3A_533, %reshape3A, %broadcast_in_dim3A_534 : vector<6x224x96xi1>, vector<6x224x96xf32>
    %swap3A_535 = arith.constant 0 : index
    %swap3A_536 = arith.constant 1 : index
    %swap3A_537 = arith.constant 0 : index
    %swap3A_538 = vector.load %arg12[%swap3A_535, %swap3A_536, %swap3A_537] : memref<30x226x96xf32, #tpu.memory_space<vmem>>, vector<6x224x96xf32>
    tpu.vector_store %arg12[%swap3A_535, %swap3A_536, %swap3A_537], %select_n3A {strides = array<i32>} : memref<30x226x96xf32, #tpu.memory_space<vmem>>, vector<6x224x96xf32>,
    %get3A_539 = arith.constant 6 : index
    %get3A_540 = arith.constant 0 : index
    %get3A_541 = arith.constant 0 : index
    %get3A_542 = vector.load %arg11[%get3A_539, %get3A_540, %get3A_541] : memref<32x226x96xf32, #tpu.memory_space<vmem>>, vector<1x224x96xf32>
    %get3A_543 = vector.shape_cast %get3A_542 : vector<1x224x96xf32> to vector<224x96xf32>
    %swap3A_544 = arith.constant 0 : index
    %swap3A_545 = arith.constant 0 : index
    %swap3A_546 = vector.load %arg13[%swap3A_544, %swap3A_545] : memref<1344x1152xf32, #tpu.memory_space<vmem>>, vector<224x96xf32>
    tpu.vector_store %arg13[%swap3A_544, %swap3A_545], %get3A_543 {strides = array<i32>} : memref<1344x1152xf32, #tpu.memory_space<vmem>>, vector<224x96xf32>,
    %get3A_547 = arith.constant 6 : index
    %get3A_548 = arith.constant 1 : index
    %get3A_549 = arith.constant 0 : index
    %get3A_550 = vector.load %arg11[%get3A_547, %get3A_548, %get3A_549] : memref<32x226x96xf32, #tpu.memory_space<vmem>>, vector<1x224x96xf32>
    %get3A_551 = vector.shape_cast %get3A_550 : vector<1x224x96xf32> to vector<224x96xf32>
    %swap3A_552 = arith.constant 0 : index
    %swap3A_553 = arith.constant 128 : index
    %swap3A_554 = vector.load %arg13[%swap3A_552, %swap3A_553] : memref<1344x1152xf32, #tpu.memory_space<vmem>>, vector<224x96xf32>
    tpu.vector_store %arg13[%swap3A_552, %swap3A_553], %get3A_551 {strides = array<i32>} : memref<1344x1152xf32, #tpu.memory_space<vmem>>, vector<224x96xf32>,
    %get3A_555 = arith.constant 6 : index
    %get3A_556 = arith.constant 2 : index
    %get3A_557 = arith.constant 0 : index
    %get3A_558 = vector.load %arg11[%get3A_555, %get3A_556, %get3A_557] : memref<32x226x96xf32, #tpu.memory_space<vmem>>, vector<1x224x96xf32>
    %get3A_559 = vector.shape_cast %get3A_558 : vector<1x224x96xf32> to vector<224x96xf32>
    %swap3A_560 = arith.constant 0 : index
    %swap3A_561 = arith.constant 256 : index
    %swap3A_562 = vector.load %arg13[%swap3A_560, %swap3A_561] : memref<1344x1152xf32, #tpu.memory_space<vmem>>, vector<224x96xf32>
    tpu.vector_store %arg13[%swap3A_560, %swap3A_561], %get3A_559 {strides = array<i32>} : memref<1344x1152xf32, #tpu.memory_space<vmem>>, vector<224x96xf32>,
    %get3A_563 = arith.constant 7 : index
    %get3A_564 = arith.constant 0 : index
    %get3A_565 = arith.constant 0 : index
    %get3A_566 = vector.load %arg11[%get3A_563, %get3A_564, %get3A_565] : memref<32x226x96xf32, #tpu.memory_space<vmem>>, vector<1x224x96xf32>
    %get3A_567 = vector.shape_cast %get3A_566 : vector<1x224x96xf32> to vector<224x96xf32>
    %swap3A_568 = arith.constant 0 : index
    %swap3A_569 = arith.constant 384 : index
    %swap3A_570 = vector.load %arg13[%swap3A_568, %swap3A_569] : memref<1344x1152xf32, #tpu.memory_space<vmem>>, vector<224x96xf32>
    tpu.vector_store %arg13[%swap3A_568, %swap3A_569], %get3A_567 {strides = array<i32>} : memref<1344x1152xf32, #tpu.memory_space<vmem>>, vector<224x96xf32>,
    %get3A_571 = arith.constant 7 : index
    %get3A_572 = arith.constant 1 : index
    %get3A_573 = arith.constant 0 : index
    %get3A_574 = vector.load %arg11[%get3A_571, %get3A_572, %get3A_573] : memref<32x226x96xf32, #tpu.memory_space<vmem>>, vector<1x224x96xf32>
    %get3A_575 = vector.shape_cast %get3A_574 : vector<1x224x96xf32> to vector<224x96xf32>
    %swap3A_576 = arith.constant 0 : index
    %swap3A_577 = arith.constant 512 : index
    %swap3A_578 = vector.load %arg13[%swap3A_576, %swap3A_577] : memref<1344x1152xf32, #tpu.memory_space<vmem>>, vector<224x96xf32>
    tpu.vector_store %arg13[%swap3A_576, %swap3A_577], %get3A_575 {strides = array<i32>} : memref<1344x1152xf32, #tpu.memory_space<vmem>>, vector<224x96xf32>,
    %get3A_579 = arith.constant 7 : index
    %get3A_580 = arith.constant 2 : index
    %get3A_581 = arith.constant 0 : index
    %get3A_582 = vector.load %arg11[%get3A_579, %get3A_580, %get3A_581] : memref<32x226x96xf32, #tpu.memory_space<vmem>>, vector<1x224x96xf32>
    %get3A_583 = vector.shape_cast %get3A_582 : vector<1x224x96xf32> to vector<224x96xf32>
    %swap3A_584 = arith.constant 0 : index
    %swap3A_585 = arith.constant 640 : index
    %swap3A_586 = vector.load %arg13[%swap3A_584, %swap3A_585] : memref<1344x1152xf32, #tpu.memory_space<vmem>>, vector<224x96xf32>
    tpu.vector_store %arg13[%swap3A_584, %swap3A_585], %get3A_583 {strides = array<i32>} : memref<1344x1152xf32, #tpu.memory_space<vmem>>, vector<224x96xf32>,
    %get3A_587 = arith.constant 8 : index
    %get3A_588 = arith.constant 0 : index
    %get3A_589 = arith.constant 0 : index
    %get3A_590 = vector.load %arg11[%get3A_587, %get3A_588, %get3A_589] : memref<32x226x96xf32, #tpu.memory_space<vmem>>, vector<1x224x96xf32>
    %get3A_591 = vector.shape_cast %get3A_590 : vector<1x224x96xf32> to vector<224x96xf32>
    %swap3A_592 = arith.constant 0 : index
    %swap3A_593 = arith.constant 768 : index
    %swap3A_594 = vector.load %arg13[%swap3A_592, %swap3A_593] : memref<1344x1152xf32, #tpu.memory_space<vmem>>, vector<224x96xf32>
    tpu.vector_store %arg13[%swap3A_592, %swap3A_593], %get3A_591 {strides = array<i32>} : memref<1344x1152xf32, #tpu.memory_space<vmem>>, vector<224x96xf32>,
    %get3A_595 = arith.constant 8 : index
    %get3A_596 = arith.constant 1 : index
    %get3A_597 = arith.constant 0 : index
    %get3A_598 = vector.load %arg11[%get3A_595, %get3A_596, %get3A_597] : memref<32x226x96xf32, #tpu.memory_space<vmem>>, vector<1x224x96xf32>
    %get3A_599 = vector.shape_cast %get3A_598 : vector<1x224x96xf32> to vector<224x96xf32>
    %swap3A_600 = arith.constant 0 : index
    %swap3A_601 = arith.constant 896 : index
    %swap3A_602 = vector.load %arg13[%swap3A_600, %swap3A_601] : memref<1344x1152xf32, #tpu.memory_space<vmem>>, vector<224x96xf32>
    tpu.vector_store %arg13[%swap3A_600, %swap3A_601], %get3A_599 {strides = array<i32>} : memref<1344x1152xf32, #tpu.memory_space<vmem>>, vector<224x96xf32>,
    %get3A_603 = arith.constant 8 : index
    %get3A_604 = arith.constant 2 : index
    %get3A_605 = arith.constant 0 : index
    %get3A_606 = vector.load %arg11[%get3A_603, %get3A_604, %get3A_605] : memref<32x226x96xf32, #tpu.memory_space<vmem>>, vector<1x224x96xf32>
    %get3A_607 = vector.shape_cast %get3A_606 : vector<1x224x96xf32> to vector<224x96xf32>
    %swap3A_608 = arith.constant 0 : index
    %swap3A_609 = arith.constant 1024 : index
    %swap3A_610 = vector.load %arg13[%swap3A_608, %swap3A_609] : memref<1344x1152xf32, #tpu.memory_space<vmem>>, vector<224x96xf32>
    tpu.vector_store %arg13[%swap3A_608, %swap3A_609], %get3A_607 {strides = array<i32>} : memref<1344x1152xf32, #tpu.memory_space<vmem>>, vector<224x96xf32>,
    %get3A_611 = arith.constant 7 : index
    %get3A_612 = arith.constant 0 : index
    %get3A_613 = arith.constant 0 : index
    %get3A_614 = vector.load %arg11[%get3A_611, %get3A_612, %get3A_613] : memref<32x226x96xf32, #tpu.memory_space<vmem>>, vector<1x224x96xf32>
    %get3A_615 = vector.shape_cast %get3A_614 : vector<1x224x96xf32> to vector<224x96xf32>
    %swap3A_616 = arith.constant 224 : index
    %swap3A_617 = arith.constant 0 : index
    %swap3A_618 = vector.load %arg13[%swap3A_616, %swap3A_617] : memref<1344x1152xf32, #tpu.memory_space<vmem>>, vector<224x96xf32>
    tpu.vector_store %arg13[%swap3A_616, %swap3A_617], %get3A_615 {strides = array<i32>} : memref<1344x1152xf32, #tpu.memory_space<vmem>>, vector<224x96xf32>,
    %get3A_619 = arith.constant 7 : index
    %get3A_620 = arith.constant 1 : index
    %get3A_621 = arith.constant 0 : index
    %get3A_622 = vector.load %arg11[%get3A_619, %get3A_620, %get3A_621] : memref<32x226x96xf32, #tpu.memory_space<vmem>>, vector<1x224x96xf32>
    %get3A_623 = vector.shape_cast %get3A_622 : vector<1x224x96xf32> to vector<224x96xf32>
    %swap3A_624 = arith.constant 224 : index
    %swap3A_625 = arith.constant 128 : index
    %swap3A_626 = vector.load %arg13[%swap3A_624, %swap3A_625] : memref<1344x1152xf32, #tpu.memory_space<vmem>>, vector<224x96xf32>
    tpu.vector_store %arg13[%swap3A_624, %swap3A_625], %get3A_623 {strides = array<i32>} : memref<1344x1152xf32, #tpu.memory_space<vmem>>, vector<224x96xf32>,
    %get3A_627 = arith.constant 7 : index
    %get3A_628 = arith.constant 2 : index
    %get3A_629 = arith.constant 0 : index
    %get3A_630 = vector.load %arg11[%get3A_627, %get3A_628, %get3A_629] : memref<32x226x96xf32, #tpu.memory_space<vmem>>, vector<1x224x96xf32>
    %get3A_631 = vector.shape_cast %get3A_630 : vector<1x224x96xf32> to vector<224x96xf32>
    %swap3A_632 = arith.constant 224 : index
    %swap3A_633 = arith.constant 256 : index
    %swap3A_634 = vector.load %arg13[%swap3A_632, %swap3A_633] : memref<1344x1152xf32, #tpu.memory_space<vmem>>, vector<224x96xf32>
    tpu.vector_store %arg13[%swap3A_632, %swap3A_633], %get3A_631 {strides = array<i32>} : memref<1344x1152xf32, #tpu.memory_space<vmem>>, vector<224x96xf32>,
    %get3A_635 = arith.constant 8 : index
    %get3A_636 = arith.constant 0 : index
    %get3A_637 = arith.constant 0 : index
    %get3A_638 = vector.load %arg11[%get3A_635, %get3A_636, %get3A_637] : memref<32x226x96xf32, #tpu.memory_space<vmem>>, vector<1x224x96xf32>
    %get3A_639 = vector.shape_cast %get3A_638 : vector<1x224x96xf32> to vector<224x96xf32>
    %swap3A_640 = arith.constant 224 : index
    %swap3A_641 = arith.constant 384 : index
    %swap3A_642 = vector.load %arg13[%swap3A_640, %swap3A_641] : memref<1344x1152xf32, #tpu.memory_space<vmem>>, vector<224x96xf32>
    tpu.vector_store %arg13[%swap3A_640, %swap3A_641], %get3A_639 {strides = array<i32>} : memref<1344x1152xf32, #tpu.memory_space<vmem>>, vector<224x96xf32>,
    %get3A_643 = arith.constant 8 : index
    %get3A_644 = arith.constant 1 : index
    %get3A_645 = arith.constant 0 : index
    %get3A_646 = vector.load %arg11[%get3A_643, %get3A_644, %get3A_645] : memref<32x226x96xf32, #tpu.memory_space<vmem>>, vector<1x224x96xf32>
    %get3A_647 = vector.shape_cast %get3A_646 : vector<1x224x96xf32> to vector<224x96xf32>
    %swap3A_648 = arith.constant 224 : index
    %swap3A_649 = arith.constant 512 : index
    %swap3A_650 = vector.load %arg13[%swap3A_648, %swap3A_649] : memref<1344x1152xf32, #tpu.memory_space<vmem>>, vector<224x96xf32>
    tpu.vector_store %arg13[%swap3A_648, %swap3A_649], %get3A_647 {strides = array<i32>} : memref<1344x1152xf32, #tpu.memory_space<vmem>>, vector<224x96xf32>,
    %get3A_651 = arith.constant 8 : index
    %get3A_652 = arith.constant 2 : index
    %get3A_653 = arith.constant 0 : index
    %get3A_654 = vector.load %arg11[%get3A_651, %get3A_652, %get3A_653] : memref<32x226x96xf32, #tpu.memory_space<vmem>>, vector<1x224x96xf32>
    %get3A_655 = vector.shape_cast %get3A_654 : vector<1x224x96xf32> to vector<224x96xf32>
    %swap3A_656 = arith.constant 224 : index
    %swap3A_657 = arith.constant 640 : index
    %swap3A_658 = vector.load %arg13[%swap3A_656, %swap3A_657] : memref<1344x1152xf32, #tpu.memory_space<vmem>>, vector<224x96xf32>
    tpu.vector_store %arg13[%swap3A_656, %swap3A_657], %get3A_655 {strides = array<i32>} : memref<1344x1152xf32, #tpu.memory_space<vmem>>, vector<224x96xf32>,
    %get3A_659 = arith.constant 9 : index
    %get3A_660 = arith.constant 0 : index
    %get3A_661 = arith.constant 0 : index
    %get3A_662 = vector.load %arg11[%get3A_659, %get3A_660, %get3A_661] : memref<32x226x96xf32, #tpu.memory_space<vmem>>, vector<1x224x96xf32>
    %get3A_663 = vector.shape_cast %get3A_662 : vector<1x224x96xf32> to vector<224x96xf32>
    %swap3A_664 = arith.constant 224 : index
    %swap3A_665 = arith.constant 768 : index
    %swap3A_666 = vector.load %arg13[%swap3A_664, %swap3A_665] : memref<1344x1152xf32, #tpu.memory_space<vmem>>, vector<224x96xf32>
    tpu.vector_store %arg13[%swap3A_664, %swap3A_665], %get3A_663 {strides = array<i32>} : memref<1344x1152xf32, #tpu.memory_space<vmem>>, vector<224x96xf32>,
    %get3A_667 = arith.constant 9 : index
    %get3A_668 = arith.constant 1 : index
    %get3A_669 = arith.constant 0 : index
    %get3A_670 = vector.load %arg11[%get3A_667, %get3A_668, %get3A_669] : memref<32x226x96xf32, #tpu.memory_space<vmem>>, vector<1x224x96xf32>
    %get3A_671 = vector.shape_cast %get3A_670 : vector<1x224x96xf32> to vector<224x96xf32>
    %swap3A_672 = arith.constant 224 : index
    %swap3A_673 = arith.constant 896 : index
    %swap3A_674 = vector.load %arg13[%swap3A_672, %swap3A_673] : memref<1344x1152xf32, #tpu.memory_space<vmem>>, vector<224x96xf32>
    tpu.vector_store %arg13[%swap3A_672, %swap3A_673], %get3A_671 {strides = array<i32>} : memref<1344x1152xf32, #tpu.memory_space<vmem>>, vector<224x96xf32>,
    %get3A_675 = arith.constant 9 : index
    %get3A_676 = arith.constant 2 : index
    %get3A_677 = arith.constant 0 : index
    %get3A_678 = vector.load %arg11[%get3A_675, %get3A_676, %get3A_677] : memref<32x226x96xf32, #tpu.memory_space<vmem>>, vector<1x224x96xf32>
    %get3A_679 = vector.shape_cast %get3A_678 : vector<1x224x96xf32> to vector<224x96xf32>
    %swap3A_680 = arith.constant 224 : index
    %swap3A_681 = arith.constant 1024 : index
    %swap3A_682 = vector.load %arg13[%swap3A_680, %swap3A_681] : memref<1344x1152xf32, #tpu.memory_space<vmem>>, vector<224x96xf32>
    tpu.vector_store %arg13[%swap3A_680, %swap3A_681], %get3A_679 {strides = array<i32>} : memref<1344x1152xf32, #tpu.memory_space<vmem>>, vector<224x96xf32>,
    %get3A_683 = arith.constant 8 : index
    %get3A_684 = arith.constant 0 : index
    %get3A_685 = arith.constant 0 : index
    %get3A_686 = vector.load %arg11[%get3A_683, %get3A_684, %get3A_685] : memref<32x226x96xf32, #tpu.memory_space<vmem>>, vector<1x224x96xf32>
    %get3A_687 = vector.shape_cast %get3A_686 : vector<1x224x96xf32> to vector<224x96xf32>
    %swap3A_688 = arith.constant 448 : index
    %swap3A_689 = arith.constant 0 : index
    %swap3A_690 = vector.load %arg13[%swap3A_688, %swap3A_689] : memref<1344x1152xf32, #tpu.memory_space<vmem>>, vector<224x96xf32>
    tpu.vector_store %arg13[%swap3A_688, %swap3A_689], %get3A_687 {strides = array<i32>} : memref<1344x1152xf32, #tpu.memory_space<vmem>>, vector<224x96xf32>,
    %get3A_691 = arith.constant 8 : index
    %get3A_692 = arith.constant 1 : index
    %get3A_693 = arith.constant 0 : index
    %get3A_694 = vector.load %arg11[%get3A_691, %get3A_692, %get3A_693] : memref<32x226x96xf32, #tpu.memory_space<vmem>>, vector<1x224x96xf32>
    %get3A_695 = vector.shape_cast %get3A_694 : vector<1x224x96xf32> to vector<224x96xf32>
    %swap3A_696 = arith.constant 448 : index
    %swap3A_697 = arith.constant 128 : index
    %swap3A_698 = vector.load %arg13[%swap3A_696, %swap3A_697] : memref<1344x1152xf32, #tpu.memory_space<vmem>>, vector<224x96xf32>
    tpu.vector_store %arg13[%swap3A_696, %swap3A_697], %get3A_695 {strides = array<i32>} : memref<1344x1152xf32, #tpu.memory_space<vmem>>, vector<224x96xf32>,
    %get3A_699 = arith.constant 8 : index
    %get3A_700 = arith.constant 2 : index
    %get3A_701 = arith.constant 0 : index
    %get3A_702 = vector.load %arg11[%get3A_699, %get3A_700, %get3A_701] : memref<32x226x96xf32, #tpu.memory_space<vmem>>, vector<1x224x96xf32>
    %get3A_703 = vector.shape_cast %get3A_702 : vector<1x224x96xf32> to vector<224x96xf32>
    %swap3A_704 = arith.constant 448 : index
    %swap3A_705 = arith.constant 256 : index
    %swap3A_706 = vector.load %arg13[%swap3A_704, %swap3A_705] : memref<1344x1152xf32, #tpu.memory_space<vmem>>, vector<224x96xf32>
    tpu.vector_store %arg13[%swap3A_704, %swap3A_705], %get3A_703 {strides = array<i32>} : memref<1344x1152xf32, #tpu.memory_space<vmem>>, vector<224x96xf32>,
    %get3A_707 = arith.constant 9 : index
    %get3A_708 = arith.constant 0 : index
    %get3A_709 = arith.constant 0 : index
    %get3A_710 = vector.load %arg11[%get3A_707, %get3A_708, %get3A_709] : memref<32x226x96xf32, #tpu.memory_space<vmem>>, vector<1x224x96xf32>
    %get3A_711 = vector.shape_cast %get3A_710 : vector<1x224x96xf32> to vector<224x96xf32>
    %swap3A_712 = arith.constant 448 : index
    %swap3A_713 = arith.constant 384 : index
    %swap3A_714 = vector.load %arg13[%swap3A_712, %swap3A_713] : memref<1344x1152xf32, #tpu.memory_space<vmem>>, vector<224x96xf32>
    tpu.vector_store %arg13[%swap3A_712, %swap3A_713], %get3A_711 {strides = array<i32>} : memref<1344x1152xf32, #tpu.memory_space<vmem>>, vector<224x96xf32>,
    %get3A_715 = arith.constant 9 : index
    %get3A_716 = arith.constant 1 : index
    %get3A_717 = arith.constant 0 : index
    %get3A_718 = vector.load %arg11[%get3A_715, %get3A_716, %get3A_717] : memref<32x226x96xf32, #tpu.memory_space<vmem>>, vector<1x224x96xf32>
    %get3A_719 = vector.shape_cast %get3A_718 : vector<1x224x96xf32> to vector<224x96xf32>
    %swap3A_720 = arith.constant 448 : index
    %swap3A_721 = arith.constant 512 : index
    %swap3A_722 = vector.load %arg13[%swap3A_720, %swap3A_721] : memref<1344x1152xf32, #tpu.memory_space<vmem>>, vector<224x96xf32>
    tpu.vector_store %arg13[%swap3A_720, %swap3A_721], %get3A_719 {strides = array<i32>} : memref<1344x1152xf32, #tpu.memory_space<vmem>>, vector<224x96xf32>,
    %get3A_723 = arith.constant 9 : index
    %get3A_724 = arith.constant 2 : index
    %get3A_725 = arith.constant 0 : index
    %get3A_726 = vector.load %arg11[%get3A_723, %get3A_724, %get3A_725] : memref<32x226x96xf32, #tpu.memory_space<vmem>>, vector<1x224x96xf32>
    %get3A_727 = vector.shape_cast %get3A_726 : vector<1x224x96xf32> to vector<224x96xf32>
    %swap3A_728 = arith.constant 448 : index
    %swap3A_729 = arith.constant 640 : index
    %swap3A_730 = vector.load %arg13[%swap3A_728, %swap3A_729] : memref<1344x1152xf32, #tpu.memory_space<vmem>>, vector<224x96xf32>
    tpu.vector_store %arg13[%swap3A_728, %swap3A_729], %get3A_727 {strides = array<i32>} : memref<1344x1152xf32, #tpu.memory_space<vmem>>, vector<224x96xf32>,
    %get3A_731 = arith.constant 10 : index
    %get3A_732 = arith.constant 0 : index
    %get3A_733 = arith.constant 0 : index
    %get3A_734 = vector.load %arg11[%get3A_731, %get3A_732, %get3A_733] : memref<32x226x96xf32, #tpu.memory_space<vmem>>, vector<1x224x96xf32>
    %get3A_735 = vector.shape_cast %get3A_734 : vector<1x224x96xf32> to vector<224x96xf32>
    %swap3A_736 = arith.constant 448 : index
    %swap3A_737 = arith.constant 768 : index
    %swap3A_738 = vector.load %arg13[%swap3A_736, %swap3A_737] : memref<1344x1152xf32, #tpu.memory_space<vmem>>, vector<224x96xf32>
    tpu.vector_store %arg13[%swap3A_736, %swap3A_737], %get3A_735 {strides = array<i32>} : memref<1344x1152xf32, #tpu.memory_space<vmem>>, vector<224x96xf32>,
    %get3A_739 = arith.constant 10 : index
    %get3A_740 = arith.constant 1 : index
    %get3A_741 = arith.constant 0 : index
    %get3A_742 = vector.load %arg11[%get3A_739, %get3A_740, %get3A_741] : memref<32x226x96xf32, #tpu.memory_space<vmem>>, vector<1x224x96xf32>
    %get3A_743 = vector.shape_cast %get3A_742 : vector<1x224x96xf32> to vector<224x96xf32>
    %swap3A_744 = arith.constant 448 : index
    %swap3A_745 = arith.constant 896 : index
    %swap3A_746 = vector.load %arg13[%swap3A_744, %swap3A_745] : memref<1344x1152xf32, #tpu.memory_space<vmem>>, vector<224x96xf32>
    tpu.vector_store %arg13[%swap3A_744, %swap3A_745], %get3A_743 {strides = array<i32>} : memref<1344x1152xf32, #tpu.memory_space<vmem>>, vector<224x96xf32>,
    %get3A_747 = arith.constant 10 : index
    %get3A_748 = arith.constant 2 : index
    %get3A_749 = arith.constant 0 : index
    %get3A_750 = vector.load %arg11[%get3A_747, %get3A_748, %get3A_749] : memref<32x226x96xf32, #tpu.memory_space<vmem>>, vector<1x224x96xf32>
    %get3A_751 = vector.shape_cast %get3A_750 : vector<1x224x96xf32> to vector<224x96xf32>
    %swap3A_752 = arith.constant 448 : index
    %swap3A_753 = arith.constant 1024 : index
    %swap3A_754 = vector.load %arg13[%swap3A_752, %swap3A_753] : memref<1344x1152xf32, #tpu.memory_space<vmem>>, vector<224x96xf32>
    tpu.vector_store %arg13[%swap3A_752, %swap3A_753], %get3A_751 {strides = array<i32>} : memref<1344x1152xf32, #tpu.memory_space<vmem>>, vector<224x96xf32>,
    %get3A_755 = arith.constant 9 : index
    %get3A_756 = arith.constant 0 : index
    %get3A_757 = arith.constant 0 : index
    %get3A_758 = vector.load %arg11[%get3A_755, %get3A_756, %get3A_757] : memref<32x226x96xf32, #tpu.memory_space<vmem>>, vector<1x224x96xf32>
    %get3A_759 = vector.shape_cast %get3A_758 : vector<1x224x96xf32> to vector<224x96xf32>
    %swap3A_760 = arith.constant 672 : index
    %swap3A_761 = arith.constant 0 : index
    %swap3A_762 = vector.load %arg13[%swap3A_760, %swap3A_761] : memref<1344x1152xf32, #tpu.memory_space<vmem>>, vector<224x96xf32>
    tpu.vector_store %arg13[%swap3A_760, %swap3A_761], %get3A_759 {strides = array<i32>} : memref<1344x1152xf32, #tpu.memory_space<vmem>>, vector<224x96xf32>,
    %get3A_763 = arith.constant 9 : index
    %get3A_764 = arith.constant 1 : index
    %get3A_765 = arith.constant 0 : index
    %get3A_766 = vector.load %arg11[%get3A_763, %get3A_764, %get3A_765] : memref<32x226x96xf32, #tpu.memory_space<vmem>>, vector<1x224x96xf32>
    %get3A_767 = vector.shape_cast %get3A_766 : vector<1x224x96xf32> to vector<224x96xf32>
    %swap3A_768 = arith.constant 672 : index
    %swap3A_769 = arith.constant 128 : index
    %swap3A_770 = vector.load %arg13[%swap3A_768, %swap3A_769] : memref<1344x1152xf32, #tpu.memory_space<vmem>>, vector<224x96xf32>
    tpu.vector_store %arg13[%swap3A_768, %swap3A_769], %get3A_767 {strides = array<i32>} : memref<1344x1152xf32, #tpu.memory_space<vmem>>, vector<224x96xf32>,
    %get3A_771 = arith.constant 9 : index
    %get3A_772 = arith.constant 2 : index
    %get3A_773 = arith.constant 0 : index
    %get3A_774 = vector.load %arg11[%get3A_771, %get3A_772, %get3A_773] : memref<32x226x96xf32, #tpu.memory_space<vmem>>, vector<1x224x96xf32>
    %get3A_775 = vector.shape_cast %get3A_774 : vector<1x224x96xf32> to vector<224x96xf32>
    %swap3A_776 = arith.constant 672 : index
    %swap3A_777 = arith.constant 256 : index
    %swap3A_778 = vector.load %arg13[%swap3A_776, %swap3A_777] : memref<1344x1152xf32, #tpu.memory_space<vmem>>, vector<224x96xf32>
    tpu.vector_store %arg13[%swap3A_776, %swap3A_777], %get3A_775 {strides = array<i32>} : memref<1344x1152xf32, #tpu.memory_space<vmem>>, vector<224x96xf32>,
    %get3A_779 = arith.constant 10 : index
    %get3A_780 = arith.constant 0 : index
    %get3A_781 = arith.constant 0 : index
    %get3A_782 = vector.load %arg11[%get3A_779, %get3A_780, %get3A_781] : memref<32x226x96xf32, #tpu.memory_space<vmem>>, vector<1x224x96xf32>
    %get3A_783 = vector.shape_cast %get3A_782 : vector<1x224x96xf32> to vector<224x96xf32>
    %swap3A_784 = arith.constant 672 : index
    %swap3A_785 = arith.constant 384 : index
    %swap3A_786 = vector.load %arg13[%swap3A_784, %swap3A_785] : memref<1344x1152xf32, #tpu.memory_space<vmem>>, vector<224x96xf32>
    tpu.vector_store %arg13[%swap3A_784, %swap3A_785], %get3A_783 {strides = array<i32>} : memref<1344x1152xf32, #tpu.memory_space<vmem>>, vector<224x96xf32>,
    %get3A_787 = arith.constant 10 : index
    %get3A_788 = arith.constant 1 : index
    %get3A_789 = arith.constant 0 : index
    %get3A_790 = vector.load %arg11[%get3A_787, %get3A_788, %get3A_789] : memref<32x226x96xf32, #tpu.memory_space<vmem>>, vector<1x224x96xf32>
    %get3A_791 = vector.shape_cast %get3A_790 : vector<1x224x96xf32> to vector<224x96xf32>
    %swap3A_792 = arith.constant 672 : index
    %swap3A_793 = arith.constant 512 : index
    %swap3A_794 = vector.load %arg13[%swap3A_792, %swap3A_793] : memref<1344x1152xf32, #tpu.memory_space<vmem>>, vector<224x96xf32>
    tpu.vector_store %arg13[%swap3A_792, %swap3A_793], %get3A_791 {strides = array<i32>} : memref<1344x1152xf32, #tpu.memory_space<vmem>>, vector<224x96xf32>,
    %get3A_795 = arith.constant 10 : index
    %get3A_796 = arith.constant 2 : index
    %get3A_797 = arith.constant 0 : index
    %get3A_798 = vector.load %arg11[%get3A_795, %get3A_796, %get3A_797] : memref<32x226x96xf32, #tpu.memory_space<vmem>>, vector<1x224x96xf32>
    %get3A_799 = vector.shape_cast %get3A_798 : vector<1x224x96xf32> to vector<224x96xf32>
    %swap3A_800 = arith.constant 672 : index
    %swap3A_801 = arith.constant 640 : index
    %swap3A_802 = vector.load %arg13[%swap3A_800, %swap3A_801] : memref<1344x1152xf32, #tpu.memory_space<vmem>>, vector<224x96xf32>
    tpu.vector_store %arg13[%swap3A_800, %swap3A_801], %get3A_799 {strides = array<i32>} : memref<1344x1152xf32, #tpu.memory_space<vmem>>, vector<224x96xf32>,
    %get3A_803 = arith.constant 11 : index
    %get3A_804 = arith.constant 0 : index
    %get3A_805 = arith.constant 0 : index
    %get3A_806 = vector.load %arg11[%get3A_803, %get3A_804, %get3A_805] : memref<32x226x96xf32, #tpu.memory_space<vmem>>, vector<1x224x96xf32>
    %get3A_807 = vector.shape_cast %get3A_806 : vector<1x224x96xf32> to vector<224x96xf32>
    %swap3A_808 = arith.constant 672 : index
    %swap3A_809 = arith.constant 768 : index
    %swap3A_810 = vector.load %arg13[%swap3A_808, %swap3A_809] : memref<1344x1152xf32, #tpu.memory_space<vmem>>, vector<224x96xf32>
    tpu.vector_store %arg13[%swap3A_808, %swap3A_809], %get3A_807 {strides = array<i32>} : memref<1344x1152xf32, #tpu.memory_space<vmem>>, vector<224x96xf32>,
    %get3A_811 = arith.constant 11 : index
    %get3A_812 = arith.constant 1 : index
    %get3A_813 = arith.constant 0 : index
    %get3A_814 = vector.load %arg11[%get3A_811, %get3A_812, %get3A_813] : memref<32x226x96xf32, #tpu.memory_space<vmem>>, vector<1x224x96xf32>
    %get3A_815 = vector.shape_cast %get3A_814 : vector<1x224x96xf32> to vector<224x96xf32>
    %swap3A_816 = arith.constant 672 : index
    %swap3A_817 = arith.constant 896 : index
    %swap3A_818 = vector.load %arg13[%swap3A_816, %swap3A_817] : memref<1344x1152xf32, #tpu.memory_space<vmem>>, vector<224x96xf32>
    tpu.vector_store %arg13[%swap3A_816, %swap3A_817], %get3A_815 {strides = array<i32>} : memref<1344x1152xf32, #tpu.memory_space<vmem>>, vector<224x96xf32>,
    %get3A_819 = arith.constant 11 : index
    %get3A_820 = arith.constant 2 : index
    %get3A_821 = arith.constant 0 : index
    %get3A_822 = vector.load %arg11[%get3A_819, %get3A_820, %get3A_821] : memref<32x226x96xf32, #tpu.memory_space<vmem>>, vector<1x224x96xf32>
    %get3A_823 = vector.shape_cast %get3A_822 : vector<1x224x96xf32> to vector<224x96xf32>
    %swap3A_824 = arith.constant 672 : index
    %swap3A_825 = arith.constant 1024 : index
    %swap3A_826 = vector.load %arg13[%swap3A_824, %swap3A_825] : memref<1344x1152xf32, #tpu.memory_space<vmem>>, vector<224x96xf32>
    tpu.vector_store %arg13[%swap3A_824, %swap3A_825], %get3A_823 {strides = array<i32>} : memref<1344x1152xf32, #tpu.memory_space<vmem>>, vector<224x96xf32>,
    %get3A_827 = arith.constant 10 : index
    %get3A_828 = arith.constant 0 : index
    %get3A_829 = arith.constant 0 : index
    %get3A_830 = vector.load %arg11[%get3A_827, %get3A_828, %get3A_829] : memref<32x226x96xf32, #tpu.memory_space<vmem>>, vector<1x224x96xf32>
    %get3A_831 = vector.shape_cast %get3A_830 : vector<1x224x96xf32> to vector<224x96xf32>
    %swap3A_832 = arith.constant 896 : index
    %swap3A_833 = arith.constant 0 : index
    %swap3A_834 = vector.load %arg13[%swap3A_832, %swap3A_833] : memref<1344x1152xf32, #tpu.memory_space<vmem>>, vector<224x96xf32>
    tpu.vector_store %arg13[%swap3A_832, %swap3A_833], %get3A_831 {strides = array<i32>} : memref<1344x1152xf32, #tpu.memory_space<vmem>>, vector<224x96xf32>,
    %get3A_835 = arith.constant 10 : index
    %get3A_836 = arith.constant 1 : index
    %get3A_837 = arith.constant 0 : index
    %get3A_838 = vector.load %arg11[%get3A_835, %get3A_836, %get3A_837] : memref<32x226x96xf32, #tpu.memory_space<vmem>>, vector<1x224x96xf32>
    %get3A_839 = vector.shape_cast %get3A_838 : vector<1x224x96xf32> to vector<224x96xf32>
    %swap3A_840 = arith.constant 896 : index
    %swap3A_841 = arith.constant 128 : index
    %swap3A_842 = vector.load %arg13[%swap3A_840, %swap3A_841] : memref<1344x1152xf32, #tpu.memory_space<vmem>>, vector<224x96xf32>
    tpu.vector_store %arg13[%swap3A_840, %swap3A_841], %get3A_839 {strides = array<i32>} : memref<1344x1152xf32, #tpu.memory_space<vmem>>, vector<224x96xf32>,
    %get3A_843 = arith.constant 10 : index
    %get3A_844 = arith.constant 2 : index
    %get3A_845 = arith.constant 0 : index
    %get3A_846 = vector.load %arg11[%get3A_843, %get3A_844, %get3A_845] : memref<32x226x96xf32, #tpu.memory_space<vmem>>, vector<1x224x96xf32>
    %get3A_847 = vector.shape_cast %get3A_846 : vector<1x224x96xf32> to vector<224x96xf32>
    %swap3A_848 = arith.constant 896 : index
    %swap3A_849 = arith.constant 256 : index
    %swap3A_850 = vector.load %arg13[%swap3A_848, %swap3A_849] : memref<1344x1152xf32, #tpu.memory_space<vmem>>, vector<224x96xf32>
    tpu.vector_store %arg13[%swap3A_848, %swap3A_849], %get3A_847 {strides = array<i32>} : memref<1344x1152xf32, #tpu.memory_space<vmem>>, vector<224x96xf32>,
    %get3A_851 = arith.constant 11 : index
    %get3A_852 = arith.constant 0 : index
    %get3A_853 = arith.constant 0 : index
    %get3A_854 = vector.load %arg11[%get3A_851, %get3A_852, %get3A_853] : memref<32x226x96xf32, #tpu.memory_space<vmem>>, vector<1x224x96xf32>
    %get3A_855 = vector.shape_cast %get3A_854 : vector<1x224x96xf32> to vector<224x96xf32>
    %swap3A_856 = arith.constant 896 : index
    %swap3A_857 = arith.constant 384 : index
    %swap3A_858 = vector.load %arg13[%swap3A_856, %swap3A_857] : memref<1344x1152xf32, #tpu.memory_space<vmem>>, vector<224x96xf32>
    tpu.vector_store %arg13[%swap3A_856, %swap3A_857], %get3A_855 {strides = array<i32>} : memref<1344x1152xf32, #tpu.memory_space<vmem>>, vector<224x96xf32>,
    %get3A_859 = arith.constant 11 : index
    %get3A_860 = arith.constant 1 : index
    %get3A_861 = arith.constant 0 : index
    %get3A_862 = vector.load %arg11[%get3A_859, %get3A_860, %get3A_861] : memref<32x226x96xf32, #tpu.memory_space<vmem>>, vector<1x224x96xf32>
    %get3A_863 = vector.shape_cast %get3A_862 : vector<1x224x96xf32> to vector<224x96xf32>
    %swap3A_864 = arith.constant 896 : index
    %swap3A_865 = arith.constant 512 : index
    %swap3A_866 = vector.load %arg13[%swap3A_864, %swap3A_865] : memref<1344x1152xf32, #tpu.memory_space<vmem>>, vector<224x96xf32>
    tpu.vector_store %arg13[%swap3A_864, %swap3A_865], %get3A_863 {strides = array<i32>} : memref<1344x1152xf32, #tpu.memory_space<vmem>>, vector<224x96xf32>,
    %get3A_867 = arith.constant 11 : index
    %get3A_868 = arith.constant 2 : index
    %get3A_869 = arith.constant 0 : index
    %get3A_870 = vector.load %arg11[%get3A_867, %get3A_868, %get3A_869] : memref<32x226x96xf32, #tpu.memory_space<vmem>>, vector<1x224x96xf32>
    %get3A_871 = vector.shape_cast %get3A_870 : vector<1x224x96xf32> to vector<224x96xf32>
    %swap3A_872 = arith.constant 896 : index
    %swap3A_873 = arith.constant 640 : index
    %swap3A_874 = vector.load %arg13[%swap3A_872, %swap3A_873] : memref<1344x1152xf32, #tpu.memory_space<vmem>>, vector<224x96xf32>
    tpu.vector_store %arg13[%swap3A_872, %swap3A_873], %get3A_871 {strides = array<i32>} : memref<1344x1152xf32, #tpu.memory_space<vmem>>, vector<224x96xf32>,
    %get3A_875 = arith.constant 12 : index
    %get3A_876 = arith.constant 0 : index
    %get3A_877 = arith.constant 0 : index
    %get3A_878 = vector.load %arg11[%get3A_875, %get3A_876, %get3A_877] : memref<32x226x96xf32, #tpu.memory_space<vmem>>, vector<1x224x96xf32>
    %get3A_879 = vector.shape_cast %get3A_878 : vector<1x224x96xf32> to vector<224x96xf32>
    %swap3A_880 = arith.constant 896 : index
    %swap3A_881 = arith.constant 768 : index
    %swap3A_882 = vector.load %arg13[%swap3A_880, %swap3A_881] : memref<1344x1152xf32, #tpu.memory_space<vmem>>, vector<224x96xf32>
    tpu.vector_store %arg13[%swap3A_880, %swap3A_881], %get3A_879 {strides = array<i32>} : memref<1344x1152xf32, #tpu.memory_space<vmem>>, vector<224x96xf32>,
    %get3A_883 = arith.constant 12 : index
    %get3A_884 = arith.constant 1 : index
    %get3A_885 = arith.constant 0 : index
    %get3A_886 = vector.load %arg11[%get3A_883, %get3A_884, %get3A_885] : memref<32x226x96xf32, #tpu.memory_space<vmem>>, vector<1x224x96xf32>
    %get3A_887 = vector.shape_cast %get3A_886 : vector<1x224x96xf32> to vector<224x96xf32>
    %swap3A_888 = arith.constant 896 : index
    %swap3A_889 = arith.constant 896 : index
    %swap3A_890 = vector.load %arg13[%swap3A_888, %swap3A_889] : memref<1344x1152xf32, #tpu.memory_space<vmem>>, vector<224x96xf32>
    tpu.vector_store %arg13[%swap3A_888, %swap3A_889], %get3A_887 {strides = array<i32>} : memref<1344x1152xf32, #tpu.memory_space<vmem>>, vector<224x96xf32>,
    %get3A_891 = arith.constant 12 : index
    %get3A_892 = arith.constant 2 : index
    %get3A_893 = arith.constant 0 : index
    %get3A_894 = vector.load %arg11[%get3A_891, %get3A_892, %get3A_893] : memref<32x226x96xf32, #tpu.memory_space<vmem>>, vector<1x224x96xf32>
    %get3A_895 = vector.shape_cast %get3A_894 : vector<1x224x96xf32> to vector<224x96xf32>
    %swap3A_896 = arith.constant 896 : index
    %swap3A_897 = arith.constant 1024 : index
    %swap3A_898 = vector.load %arg13[%swap3A_896, %swap3A_897] : memref<1344x1152xf32, #tpu.memory_space<vmem>>, vector<224x96xf32>
    tpu.vector_store %arg13[%swap3A_896, %swap3A_897], %get3A_895 {strides = array<i32>} : memref<1344x1152xf32, #tpu.memory_space<vmem>>, vector<224x96xf32>,
    %get3A_899 = arith.constant 11 : index
    %get3A_900 = arith.constant 0 : index
    %get3A_901 = arith.constant 0 : index
    %get3A_902 = vector.load %arg11[%get3A_899, %get3A_900, %get3A_901] : memref<32x226x96xf32, #tpu.memory_space<vmem>>, vector<1x224x96xf32>
    %get3A_903 = vector.shape_cast %get3A_902 : vector<1x224x96xf32> to vector<224x96xf32>
    %swap3A_904 = arith.constant 1120 : index
    %swap3A_905 = arith.constant 0 : index
    %swap3A_906 = vector.load %arg13[%swap3A_904, %swap3A_905] : memref<1344x1152xf32, #tpu.memory_space<vmem>>, vector<224x96xf32>
    tpu.vector_store %arg13[%swap3A_904, %swap3A_905], %get3A_903 {strides = array<i32>} : memref<1344x1152xf32, #tpu.memory_space<vmem>>, vector<224x96xf32>,
    %get3A_907 = arith.constant 11 : index
    %get3A_908 = arith.constant 1 : index
    %get3A_909 = arith.constant 0 : index
    %get3A_910 = vector.load %arg11[%get3A_907, %get3A_908, %get3A_909] : memref<32x226x96xf32, #tpu.memory_space<vmem>>, vector<1x224x96xf32>
    %get3A_911 = vector.shape_cast %get3A_910 : vector<1x224x96xf32> to vector<224x96xf32>
    %swap3A_912 = arith.constant 1120 : index
    %swap3A_913 = arith.constant 128 : index
    %swap3A_914 = vector.load %arg13[%swap3A_912, %swap3A_913] : memref<1344x1152xf32, #tpu.memory_space<vmem>>, vector<224x96xf32>
    tpu.vector_store %arg13[%swap3A_912, %swap3A_913], %get3A_911 {strides = array<i32>} : memref<1344x1152xf32, #tpu.memory_space<vmem>>, vector<224x96xf32>,
    %get3A_915 = arith.constant 11 : index
    %get3A_916 = arith.constant 2 : index
    %get3A_917 = arith.constant 0 : index
    %get3A_918 = vector.load %arg11[%get3A_915, %get3A_916, %get3A_917] : memref<32x226x96xf32, #tpu.memory_space<vmem>>, vector<1x224x96xf32>
    %get3A_919 = vector.shape_cast %get3A_918 : vector<1x224x96xf32> to vector<224x96xf32>
    %swap3A_920 = arith.constant 1120 : index
    %swap3A_921 = arith.constant 256 : index
    %swap3A_922 = vector.load %arg13[%swap3A_920, %swap3A_921] : memref<1344x1152xf32, #tpu.memory_space<vmem>>, vector<224x96xf32>
    tpu.vector_store %arg13[%swap3A_920, %swap3A_921], %get3A_919 {strides = array<i32>} : memref<1344x1152xf32, #tpu.memory_space<vmem>>, vector<224x96xf32>,
    %get3A_923 = arith.constant 12 : index
    %get3A_924 = arith.constant 0 : index
    %get3A_925 = arith.constant 0 : index
    %get3A_926 = vector.load %arg11[%get3A_923, %get3A_924, %get3A_925] : memref<32x226x96xf32, #tpu.memory_space<vmem>>, vector<1x224x96xf32>
    %get3A_927 = vector.shape_cast %get3A_926 : vector<1x224x96xf32> to vector<224x96xf32>
    %swap3A_928 = arith.constant 1120 : index
    %swap3A_929 = arith.constant 384 : index
    %swap3A_930 = vector.load %arg13[%swap3A_928, %swap3A_929] : memref<1344x1152xf32, #tpu.memory_space<vmem>>, vector<224x96xf32>
    tpu.vector_store %arg13[%swap3A_928, %swap3A_929], %get3A_927 {strides = array<i32>} : memref<1344x1152xf32, #tpu.memory_space<vmem>>, vector<224x96xf32>,
    %get3A_931 = arith.constant 12 : index
    %get3A_932 = arith.constant 1 : index
    %get3A_933 = arith.constant 0 : index
    %get3A_934 = vector.load %arg11[%get3A_931, %get3A_932, %get3A_933] : memref<32x226x96xf32, #tpu.memory_space<vmem>>, vector<1x224x96xf32>
    %get3A_935 = vector.shape_cast %get3A_934 : vector<1x224x96xf32> to vector<224x96xf32>
    %swap3A_936 = arith.constant 1120 : index
    %swap3A_937 = arith.constant 512 : index
    %swap3A_938 = vector.load %arg13[%swap3A_936, %swap3A_937] : memref<1344x1152xf32, #tpu.memory_space<vmem>>, vector<224x96xf32>
    tpu.vector_store %arg13[%swap3A_936, %swap3A_937], %get3A_935 {strides = array<i32>} : memref<1344x1152xf32, #tpu.memory_space<vmem>>, vector<224x96xf32>,
    %get3A_939 = arith.constant 12 : index
    %get3A_940 = arith.constant 2 : index
    %get3A_941 = arith.constant 0 : index
    %get3A_942 = vector.load %arg11[%get3A_939, %get3A_940, %get3A_941] : memref<32x226x96xf32, #tpu.memory_space<vmem>>, vector<1x224x96xf32>
    %get3A_943 = vector.shape_cast %get3A_942 : vector<1x224x96xf32> to vector<224x96xf32>
    %swap3A_944 = arith.constant 1120 : index
    %swap3A_945 = arith.constant 640 : index
    %swap3A_946 = vector.load %arg13[%swap3A_944, %swap3A_945] : memref<1344x1152xf32, #tpu.memory_space<vmem>>, vector<224x96xf32>
    tpu.vector_store %arg13[%swap3A_944, %swap3A_945], %get3A_943 {strides = array<i32>} : memref<1344x1152xf32, #tpu.memory_space<vmem>>, vector<224x96xf32>,
    %get3A_947 = arith.constant 13 : index
    %get3A_948 = arith.constant 0 : index
    %get3A_949 = arith.constant 0 : index
    %get3A_950 = vector.load %arg11[%get3A_947, %get3A_948, %get3A_949] : memref<32x226x96xf32, #tpu.memory_space<vmem>>, vector<1x224x96xf32>
    %get3A_951 = vector.shape_cast %get3A_950 : vector<1x224x96xf32> to vector<224x96xf32>
    %swap3A_952 = arith.constant 1120 : index
    %swap3A_953 = arith.constant 768 : index
    %swap3A_954 = vector.load %arg13[%swap3A_952, %swap3A_953] : memref<1344x1152xf32, #tpu.memory_space<vmem>>, vector<224x96xf32>
    tpu.vector_store %arg13[%swap3A_952, %swap3A_953], %get3A_951 {strides = array<i32>} : memref<1344x1152xf32, #tpu.memory_space<vmem>>, vector<224x96xf32>,
    %get3A_955 = arith.constant 13 : index
    %get3A_956 = arith.constant 1 : index
    %get3A_957 = arith.constant 0 : index
    %get3A_958 = vector.load %arg11[%get3A_955, %get3A_956, %get3A_957] : memref<32x226x96xf32, #tpu.memory_space<vmem>>, vector<1x224x96xf32>
    %get3A_959 = vector.shape_cast %get3A_958 : vector<1x224x96xf32> to vector<224x96xf32>
    %swap3A_960 = arith.constant 1120 : index
    %swap3A_961 = arith.constant 896 : index
    %swap3A_962 = vector.load %arg13[%swap3A_960, %swap3A_961] : memref<1344x1152xf32, #tpu.memory_space<vmem>>, vector<224x96xf32>
    tpu.vector_store %arg13[%swap3A_960, %swap3A_961], %get3A_959 {strides = array<i32>} : memref<1344x1152xf32, #tpu.memory_space<vmem>>, vector<224x96xf32>,
    %get3A_963 = arith.constant 13 : index
    %get3A_964 = arith.constant 2 : index
    %get3A_965 = arith.constant 0 : index
    %get3A_966 = vector.load %arg11[%get3A_963, %get3A_964, %get3A_965] : memref<32x226x96xf32, #tpu.memory_space<vmem>>, vector<1x224x96xf32>
    %get3A_967 = vector.shape_cast %get3A_966 : vector<1x224x96xf32> to vector<224x96xf32>
    %swap3A_968 = arith.constant 1120 : index
    %swap3A_969 = arith.constant 1024 : index
    %swap3A_970 = vector.load %arg13[%swap3A_968, %swap3A_969] : memref<1344x1152xf32, #tpu.memory_space<vmem>>, vector<224x96xf32>
    tpu.vector_store %arg13[%swap3A_968, %swap3A_969], %get3A_967 {strides = array<i32>} : memref<1344x1152xf32, #tpu.memory_space<vmem>>, vector<224x96xf32>,
    %get3A_971 = arith.constant 0 : index
    %get3A_972 = arith.constant 0 : index
    %get3A_973 = vector.load %arg13[%get3A_971, %get3A_972] : memref<1344x1152xf32, #tpu.memory_space<vmem>>, vector<1344x1152xf32>
    %dot_general3A_974 = arith.constant dense<0.000000e+00> : vector<1344x96xf32>
    %dot_general3A_975 = tpu.matmul %get3A_973, %concatenate3A, %dot_general3A_974 {dimension_numbers = #tpu.dot_dimension_numbers<[1], [0], [0], [1], [0, 0, 1, 1], [], []>, transpose_lhs_hint = false} : vector<1344x1152xf32>, vector<1152x96xf32>, vector<1344x96xf32> -> vector<1344x96xf32>
    %add3A_976 = vector.broadcast %concatenate3A_50 : vector<1x96xf32> to vector<1344x96xf32>
    %add3A_977 = arith.addf %dot_general3A_975, %add3A_976 : vector<1344x96xf32>
    %logistic3A_978 = arith.negf %add3A_977 : vector<1344x96xf32>
    %logistic3A_979 = math.exp %logistic3A_978 : vector<1344x96xf32>
    %logistic3A_980 = arith.constant 1.000000e+00 : f32
    %logistic3A_981 = vector.broadcast %logistic3A_980 : f32 to vector<1344x96xf32>
    %logistic3A_982 = arith.addf %logistic3A_981, %logistic3A_979 : vector<1344x96xf32>
    %logistic3A_983 = arith.divf %logistic3A_981, %logistic3A_982 : vector<1344x96xf32>
    %mul3A_984 = arith.mulf %add3A_977, %logistic3A_983 : vector<1344x96xf32>
    %reshape3A_985 = vector.shape_cast %mul3A_984 : vector<1344x96xf32> to vector<6x224x96xf32>
    %mul3A_986 = arith.constant 28 : i32
    %mul3A_987 = arith.muli %arg1, %mul3A_986 : i32
    %sub3A_988 = arith.constant 1 : i32
    %sub3A_989 = arith.subi %mul3A_987, %sub3A_988 : i32
    %add3A_990 = arith.constant 6 : i32
    %add3A_991 = arith.addi %sub3A_989, %add3A_990 : i32
    %iota3A_992 = tpu.iota {dimensions = array<i32: 0>} : vector<6x1x1xi32>
    %add3A_993 = vector.broadcast %add3A_991 : i32 to vector<6x1x1xi32>
    %add3A_994 = arith.addi %add3A_993, %iota3A_992 : vector<6x1x1xi32>
    %ge3A_995 = arith.constant 0 : i32
    %ge3A_996 = vector.broadcast %ge3A_995 : i32 to vector<6x1x1xi32>
    %ge3A_997 = arith.cmpi sge, %add3A_994, %ge3A_996 : vector<6x1x1xi32>
    %lt3A_998 = arith.constant 224 : i32
    %lt3A_999 = vector.broadcast %lt3A_998 : i32 to vector<6x1x1xi32>
    %lt3A_1000 = arith.cmpi slt, %add3A_994, %lt3A_999 : vector<6x1x1xi32>
    %and3A_1001 = arith.andi %ge3A_997, %lt3A_1000 : vector<6x1x1xi1>
    %jit3A_1002 = arith.constant 0.000000e+00 : f32
    %broadcast_in_dim3A_1003 = vector.shape_cast %and3A_1001 : vector<6x1x1xi1> to vector<6x1x1xi1>
    %broadcast_in_dim3A_1004 = vector.broadcast %broadcast_in_dim3A_1003 : vector<6x1x1xi1> to vector<6x224x96xi1>
    %broadcast_in_dim3A_1005 = vector.broadcast %jit3A_1002 : f32 to vector<6x224x96xf32>
    %select_n3A_1006 = arith.select %broadcast_in_dim3A_1004, %reshape3A_985, %broadcast_in_dim3A_1005 : vector<6x224x96xi1>, vector<6x224x96xf32>
    %swap3A_1007 = arith.constant 6 : index
    %swap3A_1008 = arith.constant 1 : index
    %swap3A_1009 = arith.constant 0 : index
    %swap3A_1010 = vector.load %arg12[%swap3A_1007, %swap3A_1008, %swap3A_1009] : memref<30x226x96xf32, #tpu.memory_space<vmem>>, vector<6x224x96xf32>
    tpu.vector_store %arg12[%swap3A_1007, %swap3A_1008, %swap3A_1009], %select_n3A_1006 {strides = array<i32>} : memref<30x226x96xf32, #tpu.memory_space<vmem>>, vector<6x224x96xf32>,
    %get3A_1011 = arith.constant 12 : index
    %get3A_1012 = arith.constant 0 : index
    %get3A_1013 = arith.constant 0 : index
    %get3A_1014 = vector.load %arg11[%get3A_1011, %get3A_1012, %get3A_1013] : memref<32x226x96xf32, #tpu.memory_space<vmem>>, vector<1x224x96xf32>
    %get3A_1015 = vector.shape_cast %get3A_1014 : vector<1x224x96xf32> to vector<224x96xf32>
    %swap3A_1016 = arith.constant 0 : index
    %swap3A_1017 = arith.constant 0 : index
    %swap3A_1018 = vector.load %arg13[%swap3A_1016, %swap3A_1017] : memref<1344x1152xf32, #tpu.memory_space<vmem>>, vector<224x96xf32>
    tpu.vector_store %arg13[%swap3A_1016, %swap3A_1017], %get3A_1015 {strides = array<i32>} : memref<1344x1152xf32, #tpu.memory_space<vmem>>, vector<224x96xf32>,
    %get3A_1019 = arith.constant 12 : index
    %get3A_1020 = arith.constant 1 : index
    %get3A_1021 = arith.constant 0 : index
    %get3A_1022 = vector.load %arg11[%get3A_1019, %get3A_1020, %get3A_1021] : memref<32x226x96xf32, #tpu.memory_space<vmem>>, vector<1x224x96xf32>
    %get3A_1023 = vector.shape_cast %get3A_1022 : vector<1x224x96xf32> to vector<224x96xf32>
    %swap3A_1024 = arith.constant 0 : index
    %swap3A_1025 = arith.constant 128 : index
    %swap3A_1026 = vector.load %arg13[%swap3A_1024, %swap3A_1025] : memref<1344x1152xf32, #tpu.memory_space<vmem>>, vector<224x96xf32>
    tpu.vector_store %arg13[%swap3A_1024, %swap3A_1025], %get3A_1023 {strides = array<i32>} : memref<1344x1152xf32, #tpu.memory_space<vmem>>, vector<224x96xf32>,
    %get3A_1027 = arith.constant 12 : index
    %get3A_1028 = arith.constant 2 : index
    %get3A_1029 = arith.constant 0 : index
    %get3A_1030 = vector.load %arg11[%get3A_1027, %get3A_1028, %get3A_1029] : memref<32x226x96xf32, #tpu.memory_space<vmem>>, vector<1x224x96xf32>
    %get3A_1031 = vector.shape_cast %get3A_1030 : vector<1x224x96xf32> to vector<224x96xf32>
    %swap3A_1032 = arith.constant 0 : index
    %swap3A_1033 = arith.constant 256 : index
    %swap3A_1034 = vector.load %arg13[%swap3A_1032, %swap3A_1033] : memref<1344x1152xf32, #tpu.memory_space<vmem>>, vector<224x96xf32>
    tpu.vector_store %arg13[%swap3A_1032, %swap3A_1033], %get3A_1031 {strides = array<i32>} : memref<1344x1152xf32, #tpu.memory_space<vmem>>, vector<224x96xf32>,
    %get3A_1035 = arith.constant 13 : index
    %get3A_1036 = arith.constant 0 : index
    %get3A_1037 = arith.constant 0 : index
    %get3A_1038 = vector.load %arg11[%get3A_1035, %get3A_1036, %get3A_1037] : memref<32x226x96xf32, #tpu.memory_space<vmem>>, vector<1x224x96xf32>
    %get3A_1039 = vector.shape_cast %get3A_1038 : vector<1x224x96xf32> to vector<224x96xf32>
    %swap3A_1040 = arith.constant 0 : index
    %swap3A_1041 = arith.constant 384 : index
    %swap3A_1042 = vector.load %arg13[%swap3A_1040, %swap3A_1041] : memref<1344x1152xf32, #tpu.memory_space<vmem>>, vector<224x96xf32>
    tpu.vector_store %arg13[%swap3A_1040, %swap3A_1041], %get3A_1039 {strides = array<i32>} : memref<1344x1152xf32, #tpu.memory_space<vmem>>, vector<224x96xf32>,
    %get3A_1043 = arith.constant 13 : index
    %get3A_1044 = arith.constant 1 : index
    %get3A_1045 = arith.constant 0 : index
    %get3A_1046 = vector.load %arg11[%get3A_1043, %get3A_1044, %get3A_1045] : memref<32x226x96xf32, #tpu.memory_space<vmem>>, vector<1x224x96xf32>
    %get3A_1047 = vector.shape_cast %get3A_1046 : vector<1x224x96xf32> to vector<224x96xf32>
    %swap3A_1048 = arith.constant 0 : index
    %swap3A_1049 = arith.constant 512 : index
    %swap3A_1050 = vector.load %arg13[%swap3A_1048, %swap3A_1049] : memref<1344x1152xf32, #tpu.memory_space<vmem>>, vector<224x96xf32>
    tpu.vector_store %arg13[%swap3A_1048, %swap3A_1049], %get3A_1047 {strides = array<i32>} : memref<1344x1152xf32, #tpu.memory_space<vmem>>, vector<224x96xf32>,
    %get3A_1051 = arith.constant 13 : index
    %get3A_1052 = arith.constant 2 : index
    %get3A_1053 = arith.constant 0 : index
    %get3A_1054 = vector.load %arg11[%get3A_1051, %get3A_1052, %get3A_1053] : memref<32x226x96xf32, #tpu.memory_space<vmem>>, vector<1x224x96xf32>
    %get3A_1055 = vector.shape_cast %get3A_1054 : vector<1x224x96xf32> to vector<224x96xf32>
    %swap3A_1056 = arith.constant 0 : index
    %swap3A_1057 = arith.constant 640 : index
    %swap3A_1058 = vector.load %arg13[%swap3A_1056, %swap3A_1057] : memref<1344x1152xf32, #tpu.memory_space<vmem>>, vector<224x96xf32>
    tpu.vector_store %arg13[%swap3A_1056, %swap3A_1057], %get3A_1055 {strides = array<i32>} : memref<1344x1152xf32, #tpu.memory_space<vmem>>, vector<224x96xf32>,
    %get3A_1059 = arith.constant 14 : index
    %get3A_1060 = arith.constant 0 : index
    %get3A_1061 = arith.constant 0 : index
    %get3A_1062 = vector.load %arg11[%get3A_1059, %get3A_1060, %get3A_1061] : memref<32x226x96xf32, #tpu.memory_space<vmem>>, vector<1x224x96xf32>
    %get3A_1063 = vector.shape_cast %get3A_1062 : vector<1x224x96xf32> to vector<224x96xf32>
    %swap3A_1064 = arith.constant 0 : index
    %swap3A_1065 = arith.constant 768 : index
    %swap3A_1066 = vector.load %arg13[%swap3A_1064, %swap3A_1065] : memref<1344x1152xf32, #tpu.memory_space<vmem>>, vector<224x96xf32>
    tpu.vector_store %arg13[%swap3A_1064, %swap3A_1065], %get3A_1063 {strides = array<i32>} : memref<1344x1152xf32, #tpu.memory_space<vmem>>, vector<224x96xf32>,
    %get3A_1067 = arith.constant 14 : index
    %get3A_1068 = arith.constant 1 : index
    %get3A_1069 = arith.constant 0 : index
    %get3A_1070 = vector.load %arg11[%get3A_1067, %get3A_1068, %get3A_1069] : memref<32x226x96xf32, #tpu.memory_space<vmem>>, vector<1x224x96xf32>
    %get3A_1071 = vector.shape_cast %get3A_1070 : vector<1x224x96xf32> to vector<224x96xf32>
    %swap3A_1072 = arith.constant 0 : index
    %swap3A_1073 = arith.constant 896 : index
    %swap3A_1074 = vector.load %arg13[%swap3A_1072, %swap3A_1073] : memref<1344x1152xf32, #tpu.memory_space<vmem>>, vector<224x96xf32>
    tpu.vector_store %arg13[%swap3A_1072, %swap3A_1073], %get3A_1071 {strides = array<i32>} : memref<1344x1152xf32, #tpu.memory_space<vmem>>, vector<224x96xf32>,
    %get3A_1075 = arith.constant 14 : index
    %get3A_1076 = arith.constant 2 : index
    %get3A_1077 = arith.constant 0 : index
    %get3A_1078 = vector.load %arg11[%get3A_1075, %get3A_1076, %get3A_1077] : memref<32x226x96xf32, #tpu.memory_space<vmem>>, vector<1x224x96xf32>
    %get3A_1079 = vector.shape_cast %get3A_1078 : vector<1x224x96xf32> to vector<224x96xf32>
    %swap3A_1080 = arith.constant 0 : index
    %swap3A_1081 = arith.constant 1024 : index
    %swap3A_1082 = vector.load %arg13[%swap3A_1080, %swap3A_1081] : memref<1344x1152xf32, #tpu.memory_space<vmem>>, vector<224x96xf32>
    tpu.vector_store %arg13[%swap3A_1080, %swap3A_1081], %get3A_1079 {strides = array<i32>} : memref<1344x1152xf32, #tpu.memory_space<vmem>>, vector<224x96xf32>,
    %get3A_1083 = arith.constant 13 : index
    %get3A_1084 = arith.constant 0 : index
    %get3A_1085 = arith.constant 0 : index
    %get3A_1086 = vector.load %arg11[%get3A_1083, %get3A_1084, %get3A_1085] : memref<32x226x96xf32, #tpu.memory_space<vmem>>, vector<1x224x96xf32>
    %get3A_1087 = vector.shape_cast %get3A_1086 : vector<1x224x96xf32> to vector<224x96xf32>
    %swap3A_1088 = arith.constant 224 : index
    %swap3A_1089 = arith.constant 0 : index
    %swap3A_1090 = vector.load %arg13[%swap3A_1088, %swap3A_1089] : memref<1344x1152xf32, #tpu.memory_space<vmem>>, vector<224x96xf32>
    tpu.vector_store %arg13[%swap3A_1088, %swap3A_1089], %get3A_1087 {strides = array<i32>} : memref<1344x1152xf32, #tpu.memory_space<vmem>>, vector<224x96xf32>,
    %get3A_1091 = arith.constant 13 : index
    %get3A_1092 = arith.constant 1 : index
    %get3A_1093 = arith.constant 0 : index
    %get3A_1094 = vector.load %arg11[%get3A_1091, %get3A_1092, %get3A_1093] : memref<32x226x96xf32, #tpu.memory_space<vmem>>, vector<1x224x96xf32>
    %get3A_1095 = vector.shape_cast %get3A_1094 : vector<1x224x96xf32> to vector<224x96xf32>
    %swap3A_1096 = arith.constant 224 : index
    %swap3A_1097 = arith.constant 128 : index
    %swap3A_1098 = vector.load %arg13[%swap3A_1096, %swap3A_1097] : memref<1344x1152xf32, #tpu.memory_space<vmem>>, vector<224x96xf32>
    tpu.vector_store %arg13[%swap3A_1096, %swap3A_1097], %get3A_1095 {strides = array<i32>} : memref<1344x1152xf32, #tpu.memory_space<vmem>>, vector<224x96xf32>,
    %get3A_1099 = arith.constant 13 : index
    %get3A_1100 = arith.constant 2 : index
    %get3A_1101 = arith.constant 0 : index
    %get3A_1102 = vector.load %arg11[%get3A_1099, %get3A_1100, %get3A_1101] : memref<32x226x96xf32, #tpu.memory_space<vmem>>, vector<1x224x96xf32>
    %get3A_1103 = vector.shape_cast %get3A_1102 : vector<1x224x96xf32> to vector<224x96xf32>
    %swap3A_1104 = arith.constant 224 : index
    %swap3A_1105 = arith.constant 256 : index
    %swap3A_1106 = vector.load %arg13[%swap3A_1104, %swap3A_1105] : memref<1344x1152xf32, #tpu.memory_space<vmem>>, vector<224x96xf32>
    tpu.vector_store %arg13[%swap3A_1104, %swap3A_1105], %get3A_1103 {strides = array<i32>} : memref<1344x1152xf32, #tpu.memory_space<vmem>>, vector<224x96xf32>,
    %get3A_1107 = arith.constant 14 : index
    %get3A_1108 = arith.constant 0 : index
    %get3A_1109 = arith.constant 0 : index
    %get3A_1110 = vector.load %arg11[%get3A_1107, %get3A_1108, %get3A_1109] : memref<32x226x96xf32, #tpu.memory_space<vmem>>, vector<1x224x96xf32>
    %get3A_1111 = vector.shape_cast %get3A_1110 : vector<1x224x96xf32> to vector<224x96xf32>
    %swap3A_1112 = arith.constant 224 : index
    %swap3A_1113 = arith.constant 384 : index
    %swap3A_1114 = vector.load %arg13[%swap3A_1112, %swap3A_1113] : memref<1344x1152xf32, #tpu.memory_space<vmem>>, vector<224x96xf32>
    tpu.vector_store %arg13[%swap3A_1112, %swap3A_1113], %get3A_1111 {strides = array<i32>} : memref<1344x1152xf32, #tpu.memory_space<vmem>>, vector<224x96xf32>,
    %get3A_1115 = arith.constant 14 : index
    %get3A_1116 = arith.constant 1 : index
    %get3A_1117 = arith.constant 0 : index
    %get3A_1118 = vector.load %arg11[%get3A_1115, %get3A_1116, %get3A_1117] : memref<32x226x96xf32, #tpu.memory_space<vmem>>, vector<1x224x96xf32>
    %get3A_1119 = vector.shape_cast %get3A_1118 : vector<1x224x96xf32> to vector<224x96xf32>
    %swap3A_1120 = arith.constant 224 : index
    %swap3A_1121 = arith.constant 512 : index
    %swap3A_1122 = vector.load %arg13[%swap3A_1120, %swap3A_1121] : memref<1344x1152xf32, #tpu.memory_space<vmem>>, vector<224x96xf32>
    tpu.vector_store %arg13[%swap3A_1120, %swap3A_1121], %get3A_1119 {strides = array<i32>} : memref<1344x1152xf32, #tpu.memory_space<vmem>>, vector<224x96xf32>,
    %get3A_1123 = arith.constant 14 : index
    %get3A_1124 = arith.constant 2 : index
    %get3A_1125 = arith.constant 0 : index
    %get3A_1126 = vector.load %arg11[%get3A_1123, %get3A_1124, %get3A_1125] : memref<32x226x96xf32, #tpu.memory_space<vmem>>, vector<1x224x96xf32>
    %get3A_1127 = vector.shape_cast %get3A_1126 : vector<1x224x96xf32> to vector<224x96xf32>
    %swap3A_1128 = arith.constant 224 : index
    %swap3A_1129 = arith.constant 640 : index
    %swap3A_1130 = vector.load %arg13[%swap3A_1128, %swap3A_1129] : memref<1344x1152xf32, #tpu.memory_space<vmem>>, vector<224x96xf32>
    tpu.vector_store %arg13[%swap3A_1128, %swap3A_1129], %get3A_1127 {strides = array<i32>} : memref<1344x1152xf32, #tpu.memory_space<vmem>>, vector<224x96xf32>,
    %get3A_1131 = arith.constant 15 : index
    %get3A_1132 = arith.constant 0 : index
    %get3A_1133 = arith.constant 0 : index
    %get3A_1134 = vector.load %arg11[%get3A_1131, %get3A_1132, %get3A_1133] : memref<32x226x96xf32, #tpu.memory_space<vmem>>, vector<1x224x96xf32>
    %get3A_1135 = vector.shape_cast %get3A_1134 : vector<1x224x96xf32> to vector<224x96xf32>
    %swap3A_1136 = arith.constant 224 : index
    %swap3A_1137 = arith.constant 768 : index
    %swap3A_1138 = vector.load %arg13[%swap3A_1136, %swap3A_1137] : memref<1344x1152xf32, #tpu.memory_space<vmem>>, vector<224x96xf32>
    tpu.vector_store %arg13[%swap3A_1136, %swap3A_1137], %get3A_1135 {strides = array<i32>} : memref<1344x1152xf32, #tpu.memory_space<vmem>>, vector<224x96xf32>,
    %get3A_1139 = arith.constant 15 : index
    %get3A_1140 = arith.constant 1 : index
    %get3A_1141 = arith.constant 0 : index
    %get3A_1142 = vector.load %arg11[%get3A_1139, %get3A_1140, %get3A_1141] : memref<32x226x96xf32, #tpu.memory_space<vmem>>, vector<1x224x96xf32>
    %get3A_1143 = vector.shape_cast %get3A_1142 : vector<1x224x96xf32> to vector<224x96xf32>
    %swap3A_1144 = arith.constant 224 : index
    %swap3A_1145 = arith.constant 896 : index
    %swap3A_1146 = vector.load %arg13[%swap3A_1144, %swap3A_1145] : memref<1344x1152xf32, #tpu.memory_space<vmem>>, vector<224x96xf32>
    tpu.vector_store %arg13[%swap3A_1144, %swap3A_1145], %get3A_1143 {strides = array<i32>} : memref<1344x1152xf32, #tpu.memory_space<vmem>>, vector<224x96xf32>,
    %get3A_1147 = arith.constant 15 : index
    %get3A_1148 = arith.constant 2 : index
    %get3A_1149 = arith.constant 0 : index
    %get3A_1150 = vector.load %arg11[%get3A_1147, %get3A_1148, %get3A_1149] : memref<32x226x96xf32, #tpu.memory_space<vmem>>, vector<1x224x96xf32>
    %get3A_1151 = vector.shape_cast %get3A_1150 : vector<1x224x96xf32> to vector<224x96xf32>
    %swap3A_1152 = arith.constant 224 : index
    %swap3A_1153 = arith.constant 1024 : index
    %swap3A_1154 = vector.load %arg13[%swap3A_1152, %swap3A_1153] : memref<1344x1152xf32, #tpu.memory_space<vmem>>, vector<224x96xf32>
    tpu.vector_store %arg13[%swap3A_1152, %swap3A_1153], %get3A_1151 {strides = array<i32>} : memref<1344x1152xf32, #tpu.memory_space<vmem>>, vector<224x96xf32>,
    %get3A_1155 = arith.constant 14 : index
    %get3A_1156 = arith.constant 0 : index
    %get3A_1157 = arith.constant 0 : index
    %get3A_1158 = vector.load %arg11[%get3A_1155, %get3A_1156, %get3A_1157] : memref<32x226x96xf32, #tpu.memory_space<vmem>>, vector<1x224x96xf32>
    %get3A_1159 = vector.shape_cast %get3A_1158 : vector<1x224x96xf32> to vector<224x96xf32>
    %swap3A_1160 = arith.constant 448 : index
    %swap3A_1161 = arith.constant 0 : index
    %swap3A_1162 = vector.load %arg13[%swap3A_1160, %swap3A_1161] : memref<1344x1152xf32, #tpu.memory_space<vmem>>, vector<224x96xf32>
    tpu.vector_store %arg13[%swap3A_1160, %swap3A_1161], %get3A_1159 {strides = array<i32>} : memref<1344x1152xf32, #tpu.memory_space<vmem>>, vector<224x96xf32>,
    %get3A_1163 = arith.constant 14 : index
    %get3A_1164 = arith.constant 1 : index
    %get3A_1165 = arith.constant 0 : index
    %get3A_1166 = vector.load %arg11[%get3A_1163, %get3A_1164, %get3A_1165] : memref<32x226x96xf32, #tpu.memory_space<vmem>>, vector<1x224x96xf32>
    %get3A_1167 = vector.shape_cast %get3A_1166 : vector<1x224x96xf32> to vector<224x96xf32>
    %swap3A_1168 = arith.constant 448 : index
    %swap3A_1169 = arith.constant 128 : index
    %swap3A_1170 = vector.load %arg13[%swap3A_1168, %swap3A_1169] : memref<1344x1152xf32, #tpu.memory_space<vmem>>, vector<224x96xf32>
    tpu.vector_store %arg13[%swap3A_1168, %swap3A_1169], %get3A_1167 {strides = array<i32>} : memref<1344x1152xf32, #tpu.memory_space<vmem>>, vector<224x96xf32>,
    %get3A_1171 = arith.constant 14 : index
    %get3A_1172 = arith.constant 2 : index
    %get3A_1173 = arith.constant 0 : index
    %get3A_1174 = vector.load %arg11[%get3A_1171, %get3A_1172, %get3A_1173] : memref<32x226x96xf32, #tpu.memory_space<vmem>>, vector<1x224x96xf32>
    %get3A_1175 = vector.shape_cast %get3A_1174 : vector<1x224x96xf32> to vector<224x96xf32>
    %swap3A_1176 = arith.constant 448 : index
    %swap3A_1177 = arith.constant 256 : index
    %swap3A_1178 = vector.load %arg13[%swap3A_1176, %swap3A_1177] : memref<1344x1152xf32, #tpu.memory_space<vmem>>, vector<224x96xf32>
    tpu.vector_store %arg13[%swap3A_1176, %swap3A_1177], %get3A_1175 {strides = array<i32>} : memref<1344x1152xf32, #tpu.memory_space<vmem>>, vector<224x96xf32>,
    %get3A_1179 = arith.constant 15 : index
    %get3A_1180 = arith.constant 0 : index
    %get3A_1181 = arith.constant 0 : index
    %get3A_1182 = vector.load %arg11[%get3A_1179, %get3A_1180, %get3A_1181] : memref<32x226x96xf32, #tpu.memory_space<vmem>>, vector<1x224x96xf32>
    %get3A_1183 = vector.shape_cast %get3A_1182 : vector<1x224x96xf32> to vector<224x96xf32>
    %swap3A_1184 = arith.constant 448 : index
    %swap3A_1185 = arith.constant 384 : index
    %swap3A_1186 = vector.load %arg13[%swap3A_1184, %swap3A_1185] : memref<1344x1152xf32, #tpu.memory_space<vmem>>, vector<224x96xf32>
    tpu.vector_store %arg13[%swap3A_1184, %swap3A_1185], %get3A_1183 {strides = array<i32>} : memref<1344x1152xf32, #tpu.memory_space<vmem>>, vector<224x96xf32>,
    %get3A_1187 = arith.constant 15 : index
    %get3A_1188 = arith.constant 1 : index
    %get3A_1189 = arith.constant 0 : index
    %get3A_1190 = vector.load %arg11[%get3A_1187, %get3A_1188, %get3A_1189] : memref<32x226x96xf32, #tpu.memory_space<vmem>>, vector<1x224x96xf32>
    %get3A_1191 = vector.shape_cast %get3A_1190 : vector<1x224x96xf32> to vector<224x96xf32>
    %swap3A_1192 = arith.constant 448 : index
    %swap3A_1193 = arith.constant 512 : index
    %swap3A_1194 = vector.load %arg13[%swap3A_1192, %swap3A_1193] : memref<1344x1152xf32, #tpu.memory_space<vmem>>, vector<224x96xf32>
    tpu.vector_store %arg13[%swap3A_1192, %swap3A_1193], %get3A_1191 {strides = array<i32>} : memref<1344x1152xf32, #tpu.memory_space<vmem>>, vector<224x96xf32>,
    %get3A_1195 = arith.constant 15 : index
    %get3A_1196 = arith.constant 2 : index
    %get3A_1197 = arith.constant 0 : index
    %get3A_1198 = vector.load %arg11[%get3A_1195, %get3A_1196, %get3A_1197] : memref<32x226x96xf32, #tpu.memory_space<vmem>>, vector<1x224x96xf32>
    %get3A_1199 = vector.shape_cast %get3A_1198 : vector<1x224x96xf32> to vector<224x96xf32>
    %swap3A_1200 = arith.constant 448 : index
    %swap3A_1201 = arith.constant 640 : index
    %swap3A_1202 = vector.load %arg13[%swap3A_1200, %swap3A_1201] : memref<1344x1152xf32, #tpu.memory_space<vmem>>, vector<224x96xf32>
    tpu.vector_store %arg13[%swap3A_1200, %swap3A_1201], %get3A_1199 {strides = array<i32>} : memref<1344x1152xf32, #tpu.memory_space<vmem>>, vector<224x96xf32>,
    %get3A_1203 = arith.constant 16 : index
    %get3A_1204 = arith.constant 0 : index
    %get3A_1205 = arith.constant 0 : index
    %get3A_1206 = vector.load %arg11[%get3A_1203, %get3A_1204, %get3A_1205] : memref<32x226x96xf32, #tpu.memory_space<vmem>>, vector<1x224x96xf32>
    %get3A_1207 = vector.shape_cast %get3A_1206 : vector<1x224x96xf32> to vector<224x96xf32>
    %swap3A_1208 = arith.constant 448 : index
    %swap3A_1209 = arith.constant 768 : index
    %swap3A_1210 = vector.load %arg13[%swap3A_1208, %swap3A_1209] : memref<1344x1152xf32, #tpu.memory_space<vmem>>, vector<224x96xf32>
    tpu.vector_store %arg13[%swap3A_1208, %swap3A_1209], %get3A_1207 {strides = array<i32>} : memref<1344x1152xf32, #tpu.memory_space<vmem>>, vector<224x96xf32>,
    %get3A_1211 = arith.constant 16 : index
    %get3A_1212 = arith.constant 1 : index
    %get3A_1213 = arith.constant 0 : index
    %get3A_1214 = vector.load %arg11[%get3A_1211, %get3A_1212, %get3A_1213] : memref<32x226x96xf32, #tpu.memory_space<vmem>>, vector<1x224x96xf32>
    %get3A_1215 = vector.shape_cast %get3A_1214 : vector<1x224x96xf32> to vector<224x96xf32>
    %swap3A_1216 = arith.constant 448 : index
    %swap3A_1217 = arith.constant 896 : index
    %swap3A_1218 = vector.load %arg13[%swap3A_1216, %swap3A_1217] : memref<1344x1152xf32, #tpu.memory_space<vmem>>, vector<224x96xf32>
    tpu.vector_store %arg13[%swap3A_1216, %swap3A_1217], %get3A_1215 {strides = array<i32>} : memref<1344x1152xf32, #tpu.memory_space<vmem>>, vector<224x96xf32>,
    %get3A_1219 = arith.constant 16 : index
    %get3A_1220 = arith.constant 2 : index
    %get3A_1221 = arith.constant 0 : index
    %get3A_1222 = vector.load %arg11[%get3A_1219, %get3A_1220, %get3A_1221] : memref<32x226x96xf32, #tpu.memory_space<vmem>>, vector<1x224x96xf32>
    %get3A_1223 = vector.shape_cast %get3A_1222 : vector<1x224x96xf32> to vector<224x96xf32>
    %swap3A_1224 = arith.constant 448 : index
    %swap3A_1225 = arith.constant 1024 : index
    %swap3A_1226 = vector.load %arg13[%swap3A_1224, %swap3A_1225] : memref<1344x1152xf32, #tpu.memory_space<vmem>>, vector<224x96xf32>
    tpu.vector_store %arg13[%swap3A_1224, %swap3A_1225], %get3A_1223 {strides = array<i32>} : memref<1344x1152xf32, #tpu.memory_space<vmem>>, vector<224x96xf32>,
    %get3A_1227 = arith.constant 15 : index
    %get3A_1228 = arith.constant 0 : index
    %get3A_1229 = arith.constant 0 : index
    %get3A_1230 = vector.load %arg11[%get3A_1227, %get3A_1228, %get3A_1229] : memref<32x226x96xf32, #tpu.memory_space<vmem>>, vector<1x224x96xf32>
    %get3A_1231 = vector.shape_cast %get3A_1230 : vector<1x224x96xf32> to vector<224x96xf32>
    %swap3A_1232 = arith.constant 672 : index
    %swap3A_1233 = arith.constant 0 : index
    %swap3A_1234 = vector.load %arg13[%swap3A_1232, %swap3A_1233] : memref<1344x1152xf32, #tpu.memory_space<vmem>>, vector<224x96xf32>
    tpu.vector_store %arg13[%swap3A_1232, %swap3A_1233], %get3A_1231 {strides = array<i32>} : memref<1344x1152xf32, #tpu.memory_space<vmem>>, vector<224x96xf32>,
    %get3A_1235 = arith.constant 15 : index
    %get3A_1236 = arith.constant 1 : index
    %get3A_1237 = arith.constant 0 : index
    %get3A_1238 = vector.load %arg11[%get3A_1235, %get3A_1236, %get3A_1237] : memref<32x226x96xf32, #tpu.memory_space<vmem>>, vector<1x224x96xf32>
    %get3A_1239 = vector.shape_cast %get3A_1238 : vector<1x224x96xf32> to vector<224x96xf32>
    %swap3A_1240 = arith.constant 672 : index
    %swap3A_1241 = arith.constant 128 : index
    %swap3A_1242 = vector.load %arg13[%swap3A_1240, %swap3A_1241] : memref<1344x1152xf32, #tpu.memory_space<vmem>>, vector<224x96xf32>
    tpu.vector_store %arg13[%swap3A_1240, %swap3A_1241], %get3A_1239 {strides = array<i32>} : memref<1344x1152xf32, #tpu.memory_space<vmem>>, vector<224x96xf32>,
    %get3A_1243 = arith.constant 15 : index
    %get3A_1244 = arith.constant 2 : index
    %get3A_1245 = arith.constant 0 : index
    %get3A_1246 = vector.load %arg11[%get3A_1243, %get3A_1244, %get3A_1245] : memref<32x226x96xf32, #tpu.memory_space<vmem>>, vector<1x224x96xf32>
    %get3A_1247 = vector.shape_cast %get3A_1246 : vector<1x224x96xf32> to vector<224x96xf32>
    %swap3A_1248 = arith.constant 672 : index
    %swap3A_1249 = arith.constant 256 : index
    %swap3A_1250 = vector.load %arg13[%swap3A_1248, %swap3A_1249] : memref<1344x1152xf32, #tpu.memory_space<vmem>>, vector<224x96xf32>
    tpu.vector_store %arg13[%swap3A_1248, %swap3A_1249], %get3A_1247 {strides = array<i32>} : memref<1344x1152xf32, #tpu.memory_space<vmem>>, vector<224x96xf32>,
    %get3A_1251 = arith.constant 16 : index
    %get3A_1252 = arith.constant 0 : index
    %get3A_1253 = arith.constant 0 : index
    %get3A_1254 = vector.load %arg11[%get3A_1251, %get3A_1252, %get3A_1253] : memref<32x226x96xf32, #tpu.memory_space<vmem>>, vector<1x224x96xf32>
    %get3A_1255 = vector.shape_cast %get3A_1254 : vector<1x224x96xf32> to vector<224x96xf32>
    %swap3A_1256 = arith.constant 672 : index
    %swap3A_1257 = arith.constant 384 : index
    %swap3A_1258 = vector.load %arg13[%swap3A_1256, %swap3A_1257] : memref<1344x1152xf32, #tpu.memory_space<vmem>>, vector<224x96xf32>
    tpu.vector_store %arg13[%swap3A_1256, %swap3A_1257], %get3A_1255 {strides = array<i32>} : memref<1344x1152xf32, #tpu.memory_space<vmem>>, vector<224x96xf32>,
    %get3A_1259 = arith.constant 16 : index
    %get3A_1260 = arith.constant 1 : index
    %get3A_1261 = arith.constant 0 : index
    %get3A_1262 = vector.load %arg11[%get3A_1259, %get3A_1260, %get3A_1261] : memref<32x226x96xf32, #tpu.memory_space<vmem>>, vector<1x224x96xf32>
    %get3A_1263 = vector.shape_cast %get3A_1262 : vector<1x224x96xf32> to vector<224x96xf32>
    %swap3A_1264 = arith.constant 672 : index
    %swap3A_1265 = arith.constant 512 : index
    %swap3A_1266 = vector.load %arg13[%swap3A_1264, %swap3A_1265] : memref<1344x1152xf32, #tpu.memory_space<vmem>>, vector<224x96xf32>
    tpu.vector_store %arg13[%swap3A_1264, %swap3A_1265], %get3A_1263 {strides = array<i32>} : memref<1344x1152xf32, #tpu.memory_space<vmem>>, vector<224x96xf32>,
    %get3A_1267 = arith.constant 16 : index
    %get3A_1268 = arith.constant 2 : index
    %get3A_1269 = arith.constant 0 : index
    %get3A_1270 = vector.load %arg11[%get3A_1267, %get3A_1268, %get3A_1269] : memref<32x226x96xf32, #tpu.memory_space<vmem>>, vector<1x224x96xf32>
    %get3A_1271 = vector.shape_cast %get3A_1270 : vector<1x224x96xf32> to vector<224x96xf32>
    %swap3A_1272 = arith.constant 672 : index
    %swap3A_1273 = arith.constant 640 : index
    %swap3A_1274 = vector.load %arg13[%swap3A_1272, %swap3A_1273] : memref<1344x1152xf32, #tpu.memory_space<vmem>>, vector<224x96xf32>
    tpu.vector_store %arg13[%swap3A_1272, %swap3A_1273], %get3A_1271 {strides = array<i32>} : memref<1344x1152xf32, #tpu.memory_space<vmem>>, vector<224x96xf32>,
    %get3A_1275 = arith.constant 17 : index
    %get3A_1276 = arith.constant 0 : index
    %get3A_1277 = arith.constant 0 : index
    %get3A_1278 = vector.load %arg11[%get3A_1275, %get3A_1276, %get3A_1277] : memref<32x226x96xf32, #tpu.memory_space<vmem>>, vector<1x224x96xf32>
    %get3A_1279 = vector.shape_cast %get3A_1278 : vector<1x224x96xf32> to vector<224x96xf32>
    %swap3A_1280 = arith.constant 672 : index
    %swap3A_1281 = arith.constant 768 : index
    %swap3A_1282 = vector.load %arg13[%swap3A_1280, %swap3A_1281] : memref<1344x1152xf32, #tpu.memory_space<vmem>>, vector<224x96xf32>
    tpu.vector_store %arg13[%swap3A_1280, %swap3A_1281], %get3A_1279 {strides = array<i32>} : memref<1344x1152xf32, #tpu.memory_space<vmem>>, vector<224x96xf32>,
    %get3A_1283 = arith.constant 17 : index
    %get3A_1284 = arith.constant 1 : index
    %get3A_1285 = arith.constant 0 : index
    %get3A_1286 = vector.load %arg11[%get3A_1283, %get3A_1284, %get3A_1285] : memref<32x226x96xf32, #tpu.memory_space<vmem>>, vector<1x224x96xf32>
    %get3A_1287 = vector.shape_cast %get3A_1286 : vector<1x224x96xf32> to vector<224x96xf32>
    %swap3A_1288 = arith.constant 672 : index
    %swap3A_1289 = arith.constant 896 : index
    %swap3A_1290 = vector.load %arg13[%swap3A_1288, %swap3A_1289] : memref<1344x1152xf32, #tpu.memory_space<vmem>>, vector<224x96xf32>
    tpu.vector_store %arg13[%swap3A_1288, %swap3A_1289], %get3A_1287 {strides = array<i32>} : memref<1344x1152xf32, #tpu.memory_space<vmem>>, vector<224x96xf32>,
    %get3A_1291 = arith.constant 17 : index
    %get3A_1292 = arith.constant 2 : index
    %get3A_1293 = arith.constant 0 : index
    %get3A_1294 = vector.load %arg11[%get3A_1291, %get3A_1292, %get3A_1293] : memref<32x226x96xf32, #tpu.memory_space<vmem>>, vector<1x224x96xf32>
    %get3A_1295 = vector.shape_cast %get3A_1294 : vector<1x224x96xf32> to vector<224x96xf32>
    %swap3A_1296 = arith.constant 672 : index
    %swap3A_1297 = arith.constant 1024 : index
    %swap3A_1298 = vector.load %arg13[%swap3A_1296, %swap3A_1297] : memref<1344x1152xf32, #tpu.memory_space<vmem>>, vector<224x96xf32>
    tpu.vector_store %arg13[%swap3A_1296, %swap3A_1297], %get3A_1295 {strides = array<i32>} : memref<1344x1152xf32, #tpu.memory_space<vmem>>, vector<224x96xf32>,
    %get3A_1299 = arith.constant 16 : index
    %get3A_1300 = arith.constant 0 : index
    %get3A_1301 = arith.constant 0 : index
    %get3A_1302 = vector.load %arg11[%get3A_1299, %get3A_1300, %get3A_1301] : memref<32x226x96xf32, #tpu.memory_space<vmem>>, vector<1x224x96xf32>
    %get3A_1303 = vector.shape_cast %get3A_1302 : vector<1x224x96xf32> to vector<224x96xf32>
    %swap3A_1304 = arith.constant 896 : index
    %swap3A_1305 = arith.constant 0 : index
    %swap3A_1306 = vector.load %arg13[%swap3A_1304, %swap3A_1305] : memref<1344x1152xf32, #tpu.memory_space<vmem>>, vector<224x96xf32>
    tpu.vector_store %arg13[%swap3A_1304, %swap3A_1305], %get3A_1303 {strides = array<i32>} : memref<1344x1152xf32, #tpu.memory_space<vmem>>, vector<224x96xf32>,
    %get3A_1307 = arith.constant 16 : index
    %get3A_1308 = arith.constant 1 : index
    %get3A_1309 = arith.constant 0 : index
    %get3A_1310 = vector.load %arg11[%get3A_1307, %get3A_1308, %get3A_1309] : memref<32x226x96xf32, #tpu.memory_space<vmem>>, vector<1x224x96xf32>
    %get3A_1311 = vector.shape_cast %get3A_1310 : vector<1x224x96xf32> to vector<224x96xf32>
    %swap3A_1312 = arith.constant 896 : index
    %swap3A_1313 = arith.constant 128 : index
    %swap3A_1314 = vector.load %arg13[%swap3A_1312, %swap3A_1313] : memref<1344x1152xf32, #tpu.memory_space<vmem>>, vector<224x96xf32>
    tpu.vector_store %arg13[%swap3A_1312, %swap3A_1313], %get3A_1311 {strides = array<i32>} : memref<1344x1152xf32, #tpu.memory_space<vmem>>, vector<224x96xf32>,
    %get3A_1315 = arith.constant 16 : index
    %get3A_1316 = arith.constant 2 : index
    %get3A_1317 = arith.constant 0 : index
    %get3A_1318 = vector.load %arg11[%get3A_1315, %get3A_1316, %get3A_1317] : memref<32x226x96xf32, #tpu.memory_space<vmem>>, vector<1x224x96xf32>
    %get3A_1319 = vector.shape_cast %get3A_1318 : vector<1x224x96xf32> to vector<224x96xf32>
    %swap3A_1320 = arith.constant 896 : index
    %swap3A_1321 = arith.constant 256 : index
    %swap3A_1322 = vector.load %arg13[%swap3A_1320, %swap3A_1321] : memref<1344x1152xf32, #tpu.memory_space<vmem>>, vector<224x96xf32>
    tpu.vector_store %arg13[%swap3A_1320, %swap3A_1321], %get3A_1319 {strides = array<i32>} : memref<1344x1152xf32, #tpu.memory_space<vmem>>, vector<224x96xf32>,
    %get3A_1323 = arith.constant 17 : index
    %get3A_1324 = arith.constant 0 : index
    %get3A_1325 = arith.constant 0 : index
    %get3A_1326 = vector.load %arg11[%get3A_1323, %get3A_1324, %get3A_1325] : memref<32x226x96xf32, #tpu.memory_space<vmem>>, vector<1x224x96xf32>
    %get3A_1327 = vector.shape_cast %get3A_1326 : vector<1x224x96xf32> to vector<224x96xf32>
    %swap3A_1328 = arith.constant 896 : index
    %swap3A_1329 = arith.constant 384 : index
    %swap3A_1330 = vector.load %arg13[%swap3A_1328, %swap3A_1329] : memref<1344x1152xf32, #tpu.memory_space<vmem>>, vector<224x96xf32>
    tpu.vector_store %arg13[%swap3A_1328, %swap3A_1329], %get3A_1327 {strides = array<i32>} : memref<1344x1152xf32, #tpu.memory_space<vmem>>, vector<224x96xf32>,
    %get3A_1331 = arith.constant 17 : index
    %get3A_1332 = arith.constant 1 : index
    %get3A_1333 = arith.constant 0 : index
    %get3A_1334 = vector.load %arg11[%get3A_1331, %get3A_1332, %get3A_1333] : memref<32x226x96xf32, #tpu.memory_space<vmem>>, vector<1x224x96xf32>
    %get3A_1335 = vector.shape_cast %get3A_1334 : vector<1x224x96xf32> to vector<224x96xf32>
    %swap3A_1336 = arith.constant 896 : index
    %swap3A_1337 = arith.constant 512 : index
    %swap3A_1338 = vector.load %arg13[%swap3A_1336, %swap3A_1337] : memref<1344x1152xf32, #tpu.memory_space<vmem>>, vector<224x96xf32>
    tpu.vector_store %arg13[%swap3A_1336, %swap3A_1337], %get3A_1335 {strides = array<i32>} : memref<1344x1152xf32, #tpu.memory_space<vmem>>, vector<224x96xf32>,
    %get3A_1339 = arith.constant 17 : index
    %get3A_1340 = arith.constant 2 : index
    %get3A_1341 = arith.constant 0 : index
    %get3A_1342 = vector.load %arg11[%get3A_1339, %get3A_1340, %get3A_1341] : memref<32x226x96xf32, #tpu.memory_space<vmem>>, vector<1x224x96xf32>
    %get3A_1343 = vector.shape_cast %get3A_1342 : vector<1x224x96xf32> to vector<224x96xf32>
    %swap3A_1344 = arith.constant 896 : index
    %swap3A_1345 = arith.constant 640 : index
    %swap3A_1346 = vector.load %arg13[%swap3A_1344, %swap3A_1345] : memref<1344x1152xf32, #tpu.memory_space<vmem>>, vector<224x96xf32>
    tpu.vector_store %arg13[%swap3A_1344, %swap3A_1345], %get3A_1343 {strides = array<i32>} : memref<1344x1152xf32, #tpu.memory_space<vmem>>, vector<224x96xf32>,
    %get3A_1347 = arith.constant 18 : index
    %get3A_1348 = arith.constant 0 : index
    %get3A_1349 = arith.constant 0 : index
    %get3A_1350 = vector.load %arg11[%get3A_1347, %get3A_1348, %get3A_1349] : memref<32x226x96xf32, #tpu.memory_space<vmem>>, vector<1x224x96xf32>
    %get3A_1351 = vector.shape_cast %get3A_1350 : vector<1x224x96xf32> to vector<224x96xf32>
    %swap3A_1352 = arith.constant 896 : index
    %swap3A_1353 = arith.constant 768 : index
    %swap3A_1354 = vector.load %arg13[%swap3A_1352, %swap3A_1353] : memref<1344x1152xf32, #tpu.memory_space<vmem>>, vector<224x96xf32>
    tpu.vector_store %arg13[%swap3A_1352, %swap3A_1353], %get3A_1351 {strides = array<i32>} : memref<1344x1152xf32, #tpu.memory_space<vmem>>, vector<224x96xf32>,
    %get3A_1355 = arith.constant 18 : index
    %get3A_1356 = arith.constant 1 : index
    %get3A_1357 = arith.constant 0 : index
    %get3A_1358 = vector.load %arg11[%get3A_1355, %get3A_1356, %get3A_1357] : memref<32x226x96xf32, #tpu.memory_space<vmem>>, vector<1x224x96xf32>
    %get3A_1359 = vector.shape_cast %get3A_1358 : vector<1x224x96xf32> to vector<224x96xf32>
    %swap3A_1360 = arith.constant 896 : index
    %swap3A_1361 = arith.constant 896 : index
    %swap3A_1362 = vector.load %arg13[%swap3A_1360, %swap3A_1361] : memref<1344x1152xf32, #tpu.memory_space<vmem>>, vector<224x96xf32>
    tpu.vector_store %arg13[%swap3A_1360, %swap3A_1361], %get3A_1359 {strides = array<i32>} : memref<1344x1152xf32, #tpu.memory_space<vmem>>, vector<224x96xf32>,
    %get3A_1363 = arith.constant 18 : index
    %get3A_1364 = arith.constant 2 : index
    %get3A_1365 = arith.constant 0 : index
    %get3A_1366 = vector.load %arg11[%get3A_1363, %get3A_1364, %get3A_1365] : memref<32x226x96xf32, #tpu.memory_space<vmem>>, vector<1x224x96xf32>
    %get3A_1367 = vector.shape_cast %get3A_1366 : vector<1x224x96xf32> to vector<224x96xf32>
    %swap3A_1368 = arith.constant 896 : index
    %swap3A_1369 = arith.constant 1024 : index
    %swap3A_1370 = vector.load %arg13[%swap3A_1368, %swap3A_1369] : memref<1344x1152xf32, #tpu.memory_space<vmem>>, vector<224x96xf32>
    tpu.vector_store %arg13[%swap3A_1368, %swap3A_1369], %get3A_1367 {strides = array<i32>} : memref<1344x1152xf32, #tpu.memory_space<vmem>>, vector<224x96xf32>,
    %get3A_1371 = arith.constant 17 : index
    %get3A_1372 = arith.constant 0 : index
    %get3A_1373 = arith.constant 0 : index
    %get3A_1374 = vector.load %arg11[%get3A_1371, %get3A_1372, %get3A_1373] : memref<32x226x96xf32, #tpu.memory_space<vmem>>, vector<1x224x96xf32>
    %get3A_1375 = vector.shape_cast %get3A_1374 : vector<1x224x96xf32> to vector<224x96xf32>
    %swap3A_1376 = arith.constant 1120 : index
    %swap3A_1377 = arith.constant 0 : index
    %swap3A_1378 = vector.load %arg13[%swap3A_1376, %swap3A_1377] : memref<1344x1152xf32, #tpu.memory_space<vmem>>, vector<224x96xf32>
    tpu.vector_store %arg13[%swap3A_1376, %swap3A_1377], %get3A_1375 {strides = array<i32>} : memref<1344x1152xf32, #tpu.memory_space<vmem>>, vector<224x96xf32>,
    %get3A_1379 = arith.constant 17 : index
    %get3A_1380 = arith.constant 1 : index
    %get3A_1381 = arith.constant 0 : index
    %get3A_1382 = vector.load %arg11[%get3A_1379, %get3A_1380, %get3A_1381] : memref<32x226x96xf32, #tpu.memory_space<vmem>>, vector<1x224x96xf32>
    %get3A_1383 = vector.shape_cast %get3A_1382 : vector<1x224x96xf32> to vector<224x96xf32>
    %swap3A_1384 = arith.constant 1120 : index
    %swap3A_1385 = arith.constant 128 : index
    %swap3A_1386 = vector.load %arg13[%swap3A_1384, %swap3A_1385] : memref<1344x1152xf32, #tpu.memory_space<vmem>>, vector<224x96xf32>
    tpu.vector_store %arg13[%swap3A_1384, %swap3A_1385], %get3A_1383 {strides = array<i32>} : memref<1344x1152xf32, #tpu.memory_space<vmem>>, vector<224x96xf32>,
    %get3A_1387 = arith.constant 17 : index
    %get3A_1388 = arith.constant 2 : index
    %get3A_1389 = arith.constant 0 : index
    %get3A_1390 = vector.load %arg11[%get3A_1387, %get3A_1388, %get3A_1389] : memref<32x226x96xf32, #tpu.memory_space<vmem>>, vector<1x224x96xf32>
    %get3A_1391 = vector.shape_cast %get3A_1390 : vector<1x224x96xf32> to vector<224x96xf32>
    %swap3A_1392 = arith.constant 1120 : index
    %swap3A_1393 = arith.constant 256 : index
    %swap3A_1394 = vector.load %arg13[%swap3A_1392, %swap3A_1393] : memref<1344x1152xf32, #tpu.memory_space<vmem>>, vector<224x96xf32>
    tpu.vector_store %arg13[%swap3A_1392, %swap3A_1393], %get3A_1391 {strides = array<i32>} : memref<1344x1152xf32, #tpu.memory_space<vmem>>, vector<224x96xf32>,
    %get3A_1395 = arith.constant 18 : index
    %get3A_1396 = arith.constant 0 : index
    %get3A_1397 = arith.constant 0 : index
    %get3A_1398 = vector.load %arg11[%get3A_1395, %get3A_1396, %get3A_1397] : memref<32x226x96xf32, #tpu.memory_space<vmem>>, vector<1x224x96xf32>
    %get3A_1399 = vector.shape_cast %get3A_1398 : vector<1x224x96xf32> to vector<224x96xf32>
    %swap3A_1400 = arith.constant 1120 : index
    %swap3A_1401 = arith.constant 384 : index
    %swap3A_1402 = vector.load %arg13[%swap3A_1400, %swap3A_1401] : memref<1344x1152xf32, #tpu.memory_space<vmem>>, vector<224x96xf32>
    tpu.vector_store %arg13[%swap3A_1400, %swap3A_1401], %get3A_1399 {strides = array<i32>} : memref<1344x1152xf32, #tpu.memory_space<vmem>>, vector<224x96xf32>,
    %get3A_1403 = arith.constant 18 : index
    %get3A_1404 = arith.constant 1 : index
    %get3A_1405 = arith.constant 0 : index
    %get3A_1406 = vector.load %arg11[%get3A_1403, %get3A_1404, %get3A_1405] : memref<32x226x96xf32, #tpu.memory_space<vmem>>, vector<1x224x96xf32>
    %get3A_1407 = vector.shape_cast %get3A_1406 : vector<1x224x96xf32> to vector<224x96xf32>
    %swap3A_1408 = arith.constant 1120 : index
    %swap3A_1409 = arith.constant 512 : index
    %swap3A_1410 = vector.load %arg13[%swap3A_1408, %swap3A_1409] : memref<1344x1152xf32, #tpu.memory_space<vmem>>, vector<224x96xf32>
    tpu.vector_store %arg13[%swap3A_1408, %swap3A_1409], %get3A_1407 {strides = array<i32>} : memref<1344x1152xf32, #tpu.memory_space<vmem>>, vector<224x96xf32>,
    %get3A_1411 = arith.constant 18 : index
    %get3A_1412 = arith.constant 2 : index
    %get3A_1413 = arith.constant 0 : index
    %get3A_1414 = vector.load %arg11[%get3A_1411, %get3A_1412, %get3A_1413] : memref<32x226x96xf32, #tpu.memory_space<vmem>>, vector<1x224x96xf32>
    %get3A_1415 = vector.shape_cast %get3A_1414 : vector<1x224x96xf32> to vector<224x96xf32>
    %swap3A_1416 = arith.constant 1120 : index
    %swap3A_1417 = arith.constant 640 : index
    %swap3A_1418 = vector.load %arg13[%swap3A_1416, %swap3A_1417] : memref<1344x1152xf32, #tpu.memory_space<vmem>>, vector<224x96xf32>
    tpu.vector_store %arg13[%swap3A_1416, %swap3A_1417], %get3A_1415 {strides = array<i32>} : memref<1344x1152xf32, #tpu.memory_space<vmem>>, vector<224x96xf32>,
    %get3A_1419 = arith.constant 19 : index
    %get3A_1420 = arith.constant 0 : index
    %get3A_1421 = arith.constant 0 : index
    %get3A_1422 = vector.load %arg11[%get3A_1419, %get3A_1420, %get3A_1421] : memref<32x226x96xf32, #tpu.memory_space<vmem>>, vector<1x224x96xf32>
    %get3A_1423 = vector.shape_cast %get3A_1422 : vector<1x224x96xf32> to vector<224x96xf32>
    %swap3A_1424 = arith.constant 1120 : index
    %swap3A_1425 = arith.constant 768 : index
    %swap3A_1426 = vector.load %arg13[%swap3A_1424, %swap3A_1425] : memref<1344x1152xf32, #tpu.memory_space<vmem>>, vector<224x96xf32>
    tpu.vector_store %arg13[%swap3A_1424, %swap3A_1425], %get3A_1423 {strides = array<i32>} : memref<1344x1152xf32, #tpu.memory_space<vmem>>, vector<224x96xf32>,
    %get3A_1427 = arith.constant 19 : index
    %get3A_1428 = arith.constant 1 : index
    %get3A_1429 = arith.constant 0 : index
    %get3A_1430 = vector.load %arg11[%get3A_1427, %get3A_1428, %get3A_1429] : memref<32x226x96xf32, #tpu.memory_space<vmem>>, vector<1x224x96xf32>
    %get3A_1431 = vector.shape_cast %get3A_1430 : vector<1x224x96xf32> to vector<224x96xf32>
    %swap3A_1432 = arith.constant 1120 : index
    %swap3A_1433 = arith.constant 896 : index
    %swap3A_1434 = vector.load %arg13[%swap3A_1432, %swap3A_1433] : memref<1344x1152xf32, #tpu.memory_space<vmem>>, vector<224x96xf32>
    tpu.vector_store %arg13[%swap3A_1432, %swap3A_1433], %get3A_1431 {strides = array<i32>} : memref<1344x1152xf32, #tpu.memory_space<vmem>>, vector<224x96xf32>,
    %get3A_1435 = arith.constant 19 : index
    %get3A_1436 = arith.constant 2 : index
    %get3A_1437 = arith.constant 0 : index
    %get3A_1438 = vector.load %arg11[%get3A_1435, %get3A_1436, %get3A_1437] : memref<32x226x96xf32, #tpu.memory_space<vmem>>, vector<1x224x96xf32>
    %get3A_1439 = vector.shape_cast %get3A_1438 : vector<1x224x96xf32> to vector<224x96xf32>
    %swap3A_1440 = arith.constant 1120 : index
    %swap3A_1441 = arith.constant 1024 : index
    %swap3A_1442 = vector.load %arg13[%swap3A_1440, %swap3A_1441] : memref<1344x1152xf32, #tpu.memory_space<vmem>>, vector<224x96xf32>
    tpu.vector_store %arg13[%swap3A_1440, %swap3A_1441], %get3A_1439 {strides = array<i32>} : memref<1344x1152xf32, #tpu.memory_space<vmem>>, vector<224x96xf32>,
    %get3A_1443 = arith.constant 0 : index
    %get3A_1444 = arith.constant 0 : index
    %get3A_1445 = vector.load %arg13[%get3A_1443, %get3A_1444] : memref<1344x1152xf32, #tpu.memory_space<vmem>>, vector<1344x1152xf32>
    %dot_general3A_1446 = arith.constant dense<0.000000e+00> : vector<1344x96xf32>
    %dot_general3A_1447 = tpu.matmul %get3A_1445, %concatenate3A, %dot_general3A_1446 {dimension_numbers = #tpu.dot_dimension_numbers<[1], [0], [0], [1], [0, 0, 1, 1], [], []>, transpose_lhs_hint = false} : vector<1344x1152xf32>, vector<1152x96xf32>, vector<1344x96xf32> -> vector<1344x96xf32>
    %add3A_1448 = vector.broadcast %concatenate3A_50 : vector<1x96xf32> to vector<1344x96xf32>
    %add3A_1449 = arith.addf %dot_general3A_1447, %add3A_1448 : vector<1344x96xf32>
    %logistic3A_1450 = arith.negf %add3A_1449 : vector<1344x96xf32>
    %logistic3A_1451 = math.exp %logistic3A_1450 : vector<1344x96xf32>
    %logistic3A_1452 = arith.constant 1.000000e+00 : f32
    %logistic3A_1453 = vector.broadcast %logistic3A_1452 : f32 to vector<1344x96xf32>
    %logistic3A_1454 = arith.addf %logistic3A_1453, %logistic3A_1451 : vector<1344x96xf32>
    %logistic3A_1455 = arith.divf %logistic3A_1453, %logistic3A_1454 : vector<1344x96xf32>
    %mul3A_1456 = arith.mulf %add3A_1449, %logistic3A_1455 : vector<1344x96xf32>
    %reshape3A_1457 = vector.shape_cast %mul3A_1456 : vector<1344x96xf32> to vector<6x224x96xf32>
    %mul3A_1458 = arith.constant 28 : i32
    %mul3A_1459 = arith.muli %arg1, %mul3A_1458 : i32
    %sub3A_1460 = arith.constant 1 : i32
    %sub3A_1461 = arith.subi %mul3A_1459, %sub3A_1460 : i32
    %add3A_1462 = arith.constant 12 : i32
    %add3A_1463 = arith.addi %sub3A_1461, %add3A_1462 : i32
    %iota3A_1464 = tpu.iota {dimensions = array<i32: 0>} : vector<6x1x1xi32>
    %add3A_1465 = vector.broadcast %add3A_1463 : i32 to vector<6x1x1xi32>
    %add3A_1466 = arith.addi %add3A_1465, %iota3A_1464 : vector<6x1x1xi32>
    %ge3A_1467 = arith.constant 0 : i32
    %ge3A_1468 = vector.broadcast %ge3A_1467 : i32 to vector<6x1x1xi32>
    %ge3A_1469 = arith.cmpi sge, %add3A_1466, %ge3A_1468 : vector<6x1x1xi32>
    %lt3A_1470 = arith.constant 224 : i32
    %lt3A_1471 = vector.broadcast %lt3A_1470 : i32 to vector<6x1x1xi32>
    %lt3A_1472 = arith.cmpi slt, %add3A_1466, %lt3A_1471 : vector<6x1x1xi32>
    %and3A_1473 = arith.andi %ge3A_1469, %lt3A_1472 : vector<6x1x1xi1>
    %jit3A_1474 = arith.constant 0.000000e+00 : f32
    %broadcast_in_dim3A_1475 = vector.shape_cast %and3A_1473 : vector<6x1x1xi1> to vector<6x1x1xi1>
    %broadcast_in_dim3A_1476 = vector.broadcast %broadcast_in_dim3A_1475 : vector<6x1x1xi1> to vector<6x224x96xi1>
    %broadcast_in_dim3A_1477 = vector.broadcast %jit3A_1474 : f32 to vector<6x224x96xf32>
    %select_n3A_1478 = arith.select %broadcast_in_dim3A_1476, %reshape3A_1457, %broadcast_in_dim3A_1477 : vector<6x224x96xi1>, vector<6x224x96xf32>
    %swap3A_1479 = arith.constant 12 : index
    %swap3A_1480 = arith.constant 1 : index
    %swap3A_1481 = arith.constant 0 : index
    %swap3A_1482 = vector.load %arg12[%swap3A_1479, %swap3A_1480, %swap3A_1481] : memref<30x226x96xf32, #tpu.memory_space<vmem>>, vector<6x224x96xf32>
    tpu.vector_store %arg12[%swap3A_1479, %swap3A_1480, %swap3A_1481], %select_n3A_1478 {strides = array<i32>} : memref<30x226x96xf32, #tpu.memory_space<vmem>>, vector<6x224x96xf32>,
    %get3A_1483 = arith.constant 18 : index
    %get3A_1484 = arith.constant 0 : index
    %get3A_1485 = arith.constant 0 : index
    %get3A_1486 = vector.load %arg11[%get3A_1483, %get3A_1484, %get3A_1485] : memref<32x226x96xf32, #tpu.memory_space<vmem>>, vector<1x224x96xf32>
    %get3A_1487 = vector.shape_cast %get3A_1486 : vector<1x224x96xf32> to vector<224x96xf32>
    %swap3A_1488 = arith.constant 0 : index
    %swap3A_1489 = arith.constant 0 : index
    %swap3A_1490 = vector.load %arg13[%swap3A_1488, %swap3A_1489] : memref<1344x1152xf32, #tpu.memory_space<vmem>>, vector<224x96xf32>
    tpu.vector_store %arg13[%swap3A_1488, %swap3A_1489], %get3A_1487 {strides = array<i32>} : memref<1344x1152xf32, #tpu.memory_space<vmem>>, vector<224x96xf32>,
    %get3A_1491 = arith.constant 18 : index
    %get3A_1492 = arith.constant 1 : index
    %get3A_1493 = arith.constant 0 : index
    %get3A_1494 = vector.load %arg11[%get3A_1491, %get3A_1492, %get3A_1493] : memref<32x226x96xf32, #tpu.memory_space<vmem>>, vector<1x224x96xf32>
    %get3A_1495 = vector.shape_cast %get3A_1494 : vector<1x224x96xf32> to vector<224x96xf32>
    %swap3A_1496 = arith.constant 0 : index
    %swap3A_1497 = arith.constant 128 : index
    %swap3A_1498 = vector.load %arg13[%swap3A_1496, %swap3A_1497] : memref<1344x1152xf32, #tpu.memory_space<vmem>>, vector<224x96xf32>
    tpu.vector_store %arg13[%swap3A_1496, %swap3A_1497], %get3A_1495 {strides = array<i32>} : memref<1344x1152xf32, #tpu.memory_space<vmem>>, vector<224x96xf32>,
    %get3A_1499 = arith.constant 18 : index
    %get3A_1500 = arith.constant 2 : index
    %get3A_1501 = arith.constant 0 : index
    %get3A_1502 = vector.load %arg11[%get3A_1499, %get3A_1500, %get3A_1501] : memref<32x226x96xf32, #tpu.memory_space<vmem>>, vector<1x224x96xf32>
    %get3A_1503 = vector.shape_cast %get3A_1502 : vector<1x224x96xf32> to vector<224x96xf32>
    %swap3A_1504 = arith.constant 0 : index
    %swap3A_1505 = arith.constant 256 : index
    %swap3A_1506 = vector.load %arg13[%swap3A_1504, %swap3A_1505] : memref<1344x1152xf32, #tpu.memory_space<vmem>>, vector<224x96xf32>
    tpu.vector_store %arg13[%swap3A_1504, %swap3A_1505], %get3A_1503 {strides = array<i32>} : memref<1344x1152xf32, #tpu.memory_space<vmem>>, vector<224x96xf32>,
    %get3A_1507 = arith.constant 19 : index
    %get3A_1508 = arith.constant 0 : index
    %get3A_1509 = arith.constant 0 : index
    %get3A_1510 = vector.load %arg11[%get3A_1507, %get3A_1508, %get3A_1509] : memref<32x226x96xf32, #tpu.memory_space<vmem>>, vector<1x224x96xf32>
    %get3A_1511 = vector.shape_cast %get3A_1510 : vector<1x224x96xf32> to vector<224x96xf32>
    %swap3A_1512 = arith.constant 0 : index
    %swap3A_1513 = arith.constant 384 : index
    %swap3A_1514 = vector.load %arg13[%swap3A_1512, %swap3A_1513] : memref<1344x1152xf32, #tpu.memory_space<vmem>>, vector<224x96xf32>
    tpu.vector_store %arg13[%swap3A_1512, %swap3A_1513], %get3A_1511 {strides = array<i32>} : memref<1344x1152xf32, #tpu.memory_space<vmem>>, vector<224x96xf32>,
    %get3A_1515 = arith.constant 19 : index
    %get3A_1516 = arith.constant 1 : index
    %get3A_1517 = arith.constant 0 : index
    %get3A_1518 = vector.load %arg11[%get3A_1515, %get3A_1516, %get3A_1517] : memref<32x226x96xf32, #tpu.memory_space<vmem>>, vector<1x224x96xf32>
    %get3A_1519 = vector.shape_cast %get3A_1518 : vector<1x224x96xf32> to vector<224x96xf32>
    %swap3A_1520 = arith.constant 0 : index
    %swap3A_1521 = arith.constant 512 : index
    %swap3A_1522 = vector.load %arg13[%swap3A_1520, %swap3A_1521] : memref<1344x1152xf32, #tpu.memory_space<vmem>>, vector<224x96xf32>
    tpu.vector_store %arg13[%swap3A_1520, %swap3A_1521], %get3A_1519 {strides = array<i32>} : memref<1344x1152xf32, #tpu.memory_space<vmem>>, vector<224x96xf32>,
    %get3A_1523 = arith.constant 19 : index
    %get3A_1524 = arith.constant 2 : index
    %get3A_1525 = arith.constant 0 : index
    %get3A_1526 = vector.load %arg11[%get3A_1523, %get3A_1524, %get3A_1525] : memref<32x226x96xf32, #tpu.memory_space<vmem>>, vector<1x224x96xf32>
    %get3A_1527 = vector.shape_cast %get3A_1526 : vector<1x224x96xf32> to vector<224x96xf32>
    %swap3A_1528 = arith.constant 0 : index
    %swap3A_1529 = arith.constant 640 : index
    %swap3A_1530 = vector.load %arg13[%swap3A_1528, %swap3A_1529] : memref<1344x1152xf32, #tpu.memory_space<vmem>>, vector<224x96xf32>
    tpu.vector_store %arg13[%swap3A_1528, %swap3A_1529], %get3A_1527 {strides = array<i32>} : memref<1344x1152xf32, #tpu.memory_space<vmem>>, vector<224x96xf32>,
    %get3A_1531 = arith.constant 20 : index
    %get3A_1532 = arith.constant 0 : index
    %get3A_1533 = arith.constant 0 : index
    %get3A_1534 = vector.load %arg11[%get3A_1531, %get3A_1532, %get3A_1533] : memref<32x226x96xf32, #tpu.memory_space<vmem>>, vector<1x224x96xf32>
    %get3A_1535 = vector.shape_cast %get3A_1534 : vector<1x224x96xf32> to vector<224x96xf32>
    %swap3A_1536 = arith.constant 0 : index
    %swap3A_1537 = arith.constant 768 : index
    %swap3A_1538 = vector.load %arg13[%swap3A_1536, %swap3A_1537] : memref<1344x1152xf32, #tpu.memory_space<vmem>>, vector<224x96xf32>
    tpu.vector_store %arg13[%swap3A_1536, %swap3A_1537], %get3A_1535 {strides = array<i32>} : memref<1344x1152xf32, #tpu.memory_space<vmem>>, vector<224x96xf32>,
    %get3A_1539 = arith.constant 20 : index
    %get3A_1540 = arith.constant 1 : index
    %get3A_1541 = arith.constant 0 : index
    %get3A_1542 = vector.load %arg11[%get3A_1539, %get3A_1540, %get3A_1541] : memref<32x226x96xf32, #tpu.memory_space<vmem>>, vector<1x224x96xf32>
    %get3A_1543 = vector.shape_cast %get3A_1542 : vector<1x224x96xf32> to vector<224x96xf32>
    %swap3A_1544 = arith.constant 0 : index
    %swap3A_1545 = arith.constant 896 : index
    %swap3A_1546 = vector.load %arg13[%swap3A_1544, %swap3A_1545] : memref<1344x1152xf32, #tpu.memory_space<vmem>>, vector<224x96xf32>
    tpu.vector_store %arg13[%swap3A_1544, %swap3A_1545], %get3A_1543 {strides = array<i32>} : memref<1344x1152xf32, #tpu.memory_space<vmem>>, vector<224x96xf32>,
    %get3A_1547 = arith.constant 20 : index
    %get3A_1548 = arith.constant 2 : index
    %get3A_1549 = arith.constant 0 : index
    %get3A_1550 = vector.load %arg11[%get3A_1547, %get3A_1548, %get3A_1549] : memref<32x226x96xf32, #tpu.memory_space<vmem>>, vector<1x224x96xf32>
    %get3A_1551 = vector.shape_cast %get3A_1550 : vector<1x224x96xf32> to vector<224x96xf32>
    %swap3A_1552 = arith.constant 0 : index
    %swap3A_1553 = arith.constant 1024 : index
    %swap3A_1554 = vector.load %arg13[%swap3A_1552, %swap3A_1553] : memref<1344x1152xf32, #tpu.memory_space<vmem>>, vector<224x96xf32>
    tpu.vector_store %arg13[%swap3A_1552, %swap3A_1553], %get3A_1551 {strides = array<i32>} : memref<1344x1152xf32, #tpu.memory_space<vmem>>, vector<224x96xf32>,
    %get3A_1555 = arith.constant 19 : index
    %get3A_1556 = arith.constant 0 : index
    %get3A_1557 = arith.constant 0 : index
    %get3A_1558 = vector.load %arg11[%get3A_1555, %get3A_1556, %get3A_1557] : memref<32x226x96xf32, #tpu.memory_space<vmem>>, vector<1x224x96xf32>
    %get3A_1559 = vector.shape_cast %get3A_1558 : vector<1x224x96xf32> to vector<224x96xf32>
    %swap3A_1560 = arith.constant 224 : index
    %swap3A_1561 = arith.constant 0 : index
    %swap3A_1562 = vector.load %arg13[%swap3A_1560, %swap3A_1561] : memref<1344x1152xf32, #tpu.memory_space<vmem>>, vector<224x96xf32>
    tpu.vector_store %arg13[%swap3A_1560, %swap3A_1561], %get3A_1559 {strides = array<i32>} : memref<1344x1152xf32, #tpu.memory_space<vmem>>, vector<224x96xf32>,
    %get3A_1563 = arith.constant 19 : index
    %get3A_1564 = arith.constant 1 : index
    %get3A_1565 = arith.constant 0 : index
    %get3A_1566 = vector.load %arg11[%get3A_1563, %get3A_1564, %get3A_1565] : memref<32x226x96xf32, #tpu.memory_space<vmem>>, vector<1x224x96xf32>
    %get3A_1567 = vector.shape_cast %get3A_1566 : vector<1x224x96xf32> to vector<224x96xf32>
    %swap3A_1568 = arith.constant 224 : index
    %swap3A_1569 = arith.constant 128 : index
    %swap3A_1570 = vector.load %arg13[%swap3A_1568, %swap3A_1569] : memref<1344x1152xf32, #tpu.memory_space<vmem>>, vector<224x96xf32>
    tpu.vector_store %arg13[%swap3A_1568, %swap3A_1569], %get3A_1567 {strides = array<i32>} : memref<1344x1152xf32, #tpu.memory_space<vmem>>, vector<224x96xf32>,
    %get3A_1571 = arith.constant 19 : index
    %get3A_1572 = arith.constant 2 : index
    %get3A_1573 = arith.constant 0 : index
    %get3A_1574 = vector.load %arg11[%get3A_1571, %get3A_1572, %get3A_1573] : memref<32x226x96xf32, #tpu.memory_space<vmem>>, vector<1x224x96xf32>
    %get3A_1575 = vector.shape_cast %get3A_1574 : vector<1x224x96xf32> to vector<224x96xf32>
    %swap3A_1576 = arith.constant 224 : index
    %swap3A_1577 = arith.constant 256 : index
    %swap3A_1578 = vector.load %arg13[%swap3A_1576, %swap3A_1577] : memref<1344x1152xf32, #tpu.memory_space<vmem>>, vector<224x96xf32>
    tpu.vector_store %arg13[%swap3A_1576, %swap3A_1577], %get3A_1575 {strides = array<i32>} : memref<1344x1152xf32, #tpu.memory_space<vmem>>, vector<224x96xf32>,
    %get3A_1579 = arith.constant 20 : index
    %get3A_1580 = arith.constant 0 : index
    %get3A_1581 = arith.constant 0 : index
    %get3A_1582 = vector.load %arg11[%get3A_1579, %get3A_1580, %get3A_1581] : memref<32x226x96xf32, #tpu.memory_space<vmem>>, vector<1x224x96xf32>
    %get3A_1583 = vector.shape_cast %get3A_1582 : vector<1x224x96xf32> to vector<224x96xf32>
    %swap3A_1584 = arith.constant 224 : index
    %swap3A_1585 = arith.constant 384 : index
    %swap3A_1586 = vector.load %arg13[%swap3A_1584, %swap3A_1585] : memref<1344x1152xf32, #tpu.memory_space<vmem>>, vector<224x96xf32>
    tpu.vector_store %arg13[%swap3A_1584, %swap3A_1585], %get3A_1583 {strides = array<i32>} : memref<1344x1152xf32, #tpu.memory_space<vmem>>, vector<224x96xf32>,
    %get3A_1587 = arith.constant 20 : index
    %get3A_1588 = arith.constant 1 : index
    %get3A_1589 = arith.constant 0 : index
    %get3A_1590 = vector.load %arg11[%get3A_1587, %get3A_1588, %get3A_1589] : memref<32x226x96xf32, #tpu.memory_space<vmem>>, vector<1x224x96xf32>
    %get3A_1591 = vector.shape_cast %get3A_1590 : vector<1x224x96xf32> to vector<224x96xf32>
    %swap3A_1592 = arith.constant 224 : index
    %swap3A_1593 = arith.constant 512 : index
    %swap3A_1594 = vector.load %arg13[%swap3A_1592, %swap3A_1593] : memref<1344x1152xf32, #tpu.memory_space<vmem>>, vector<224x96xf32>
    tpu.vector_store %arg13[%swap3A_1592, %swap3A_1593], %get3A_1591 {strides = array<i32>} : memref<1344x1152xf32, #tpu.memory_space<vmem>>, vector<224x96xf32>,
    %get3A_1595 = arith.constant 20 : index
    %get3A_1596 = arith.constant 2 : index
    %get3A_1597 = arith.constant 0 : index
    %get3A_1598 = vector.load %arg11[%get3A_1595, %get3A_1596, %get3A_1597] : memref<32x226x96xf32, #tpu.memory_space<vmem>>, vector<1x224x96xf32>
    %get3A_1599 = vector.shape_cast %get3A_1598 : vector<1x224x96xf32> to vector<224x96xf32>
    %swap3A_1600 = arith.constant 224 : index
    %swap3A_1601 = arith.constant 640 : index
    %swap3A_1602 = vector.load %arg13[%swap3A_1600, %swap3A_1601] : memref<1344x1152xf32, #tpu.memory_space<vmem>>, vector<224x96xf32>
    tpu.vector_store %arg13[%swap3A_1600, %swap3A_1601], %get3A_1599 {strides = array<i32>} : memref<1344x1152xf32, #tpu.memory_space<vmem>>, vector<224x96xf32>,
    %get3A_1603 = arith.constant 21 : index
    %get3A_1604 = arith.constant 0 : index
    %get3A_1605 = arith.constant 0 : index
    %get3A_1606 = vector.load %arg11[%get3A_1603, %get3A_1604, %get3A_1605] : memref<32x226x96xf32, #tpu.memory_space<vmem>>, vector<1x224x96xf32>
    %get3A_1607 = vector.shape_cast %get3A_1606 : vector<1x224x96xf32> to vector<224x96xf32>
    %swap3A_1608 = arith.constant 224 : index
    %swap3A_1609 = arith.constant 768 : index
    %swap3A_1610 = vector.load %arg13[%swap3A_1608, %swap3A_1609] : memref<1344x1152xf32, #tpu.memory_space<vmem>>, vector<224x96xf32>
    tpu.vector_store %arg13[%swap3A_1608, %swap3A_1609], %get3A_1607 {strides = array<i32>} : memref<1344x1152xf32, #tpu.memory_space<vmem>>, vector<224x96xf32>,
    %get3A_1611 = arith.constant 21 : index
    %get3A_1612 = arith.constant 1 : index
    %get3A_1613 = arith.constant 0 : index
    %get3A_1614 = vector.load %arg11[%get3A_1611, %get3A_1612, %get3A_1613] : memref<32x226x96xf32, #tpu.memory_space<vmem>>, vector<1x224x96xf32>
    %get3A_1615 = vector.shape_cast %get3A_1614 : vector<1x224x96xf32> to vector<224x96xf32>
    %swap3A_1616 = arith.constant 224 : index
    %swap3A_1617 = arith.constant 896 : index
    %swap3A_1618 = vector.load %arg13[%swap3A_1616, %swap3A_1617] : memref<1344x1152xf32, #tpu.memory_space<vmem>>, vector<224x96xf32>
    tpu.vector_store %arg13[%swap3A_1616, %swap3A_1617], %get3A_1615 {strides = array<i32>} : memref<1344x1152xf32, #tpu.memory_space<vmem>>, vector<224x96xf32>,
    %get3A_1619 = arith.constant 21 : index
    %get3A_1620 = arith.constant 2 : index
    %get3A_1621 = arith.constant 0 : index
    %get3A_1622 = vector.load %arg11[%get3A_1619, %get3A_1620, %get3A_1621] : memref<32x226x96xf32, #tpu.memory_space<vmem>>, vector<1x224x96xf32>
    %get3A_1623 = vector.shape_cast %get3A_1622 : vector<1x224x96xf32> to vector<224x96xf32>
    %swap3A_1624 = arith.constant 224 : index
    %swap3A_1625 = arith.constant 1024 : index
    %swap3A_1626 = vector.load %arg13[%swap3A_1624, %swap3A_1625] : memref<1344x1152xf32, #tpu.memory_space<vmem>>, vector<224x96xf32>
    tpu.vector_store %arg13[%swap3A_1624, %swap3A_1625], %get3A_1623 {strides = array<i32>} : memref<1344x1152xf32, #tpu.memory_space<vmem>>, vector<224x96xf32>,
    %get3A_1627 = arith.constant 20 : index
    %get3A_1628 = arith.constant 0 : index
    %get3A_1629 = arith.constant 0 : index
    %get3A_1630 = vector.load %arg11[%get3A_1627, %get3A_1628, %get3A_1629] : memref<32x226x96xf32, #tpu.memory_space<vmem>>, vector<1x224x96xf32>
    %get3A_1631 = vector.shape_cast %get3A_1630 : vector<1x224x96xf32> to vector<224x96xf32>
    %swap3A_1632 = arith.constant 448 : index
    %swap3A_1633 = arith.constant 0 : index
    %swap3A_1634 = vector.load %arg13[%swap3A_1632, %swap3A_1633] : memref<1344x1152xf32, #tpu.memory_space<vmem>>, vector<224x96xf32>
    tpu.vector_store %arg13[%swap3A_1632, %swap3A_1633], %get3A_1631 {strides = array<i32>} : memref<1344x1152xf32, #tpu.memory_space<vmem>>, vector<224x96xf32>,
    %get3A_1635 = arith.constant 20 : index
    %get3A_1636 = arith.constant 1 : index
    %get3A_1637 = arith.constant 0 : index
    %get3A_1638 = vector.load %arg11[%get3A_1635, %get3A_1636, %get3A_1637] : memref<32x226x96xf32, #tpu.memory_space<vmem>>, vector<1x224x96xf32>
    %get3A_1639 = vector.shape_cast %get3A_1638 : vector<1x224x96xf32> to vector<224x96xf32>
    %swap3A_1640 = arith.constant 448 : index
    %swap3A_1641 = arith.constant 128 : index
    %swap3A_1642 = vector.load %arg13[%swap3A_1640, %swap3A_1641] : memref<1344x1152xf32, #tpu.memory_space<vmem>>, vector<224x96xf32>
    tpu.vector_store %arg13[%swap3A_1640, %swap3A_1641], %get3A_1639 {strides = array<i32>} : memref<1344x1152xf32, #tpu.memory_space<vmem>>, vector<224x96xf32>,
    %get3A_1643 = arith.constant 20 : index
    %get3A_1644 = arith.constant 2 : index
    %get3A_1645 = arith.constant 0 : index
    %get3A_1646 = vector.load %arg11[%get3A_1643, %get3A_1644, %get3A_1645] : memref<32x226x96xf32, #tpu.memory_space<vmem>>, vector<1x224x96xf32>
    %get3A_1647 = vector.shape_cast %get3A_1646 : vector<1x224x96xf32> to vector<224x96xf32>
    %swap3A_1648 = arith.constant 448 : index
    %swap3A_1649 = arith.constant 256 : index
    %swap3A_1650 = vector.load %arg13[%swap3A_1648, %swap3A_1649] : memref<1344x1152xf32, #tpu.memory_space<vmem>>, vector<224x96xf32>
    tpu.vector_store %arg13[%swap3A_1648, %swap3A_1649], %get3A_1647 {strides = array<i32>} : memref<1344x1152xf32, #tpu.memory_space<vmem>>, vector<224x96xf32>,
    %get3A_1651 = arith.constant 21 : index
    %get3A_1652 = arith.constant 0 : index
    %get3A_1653 = arith.constant 0 : index
    %get3A_1654 = vector.load %arg11[%get3A_1651, %get3A_1652, %get3A_1653] : memref<32x226x96xf32, #tpu.memory_space<vmem>>, vector<1x224x96xf32>
    %get3A_1655 = vector.shape_cast %get3A_1654 : vector<1x224x96xf32> to vector<224x96xf32>
    %swap3A_1656 = arith.constant 448 : index
    %swap3A_1657 = arith.constant 384 : index
    %swap3A_1658 = vector.load %arg13[%swap3A_1656, %swap3A_1657] : memref<1344x1152xf32, #tpu.memory_space<vmem>>, vector<224x96xf32>
    tpu.vector_store %arg13[%swap3A_1656, %swap3A_1657], %get3A_1655 {strides = array<i32>} : memref<1344x1152xf32, #tpu.memory_space<vmem>>, vector<224x96xf32>,
    %get3A_1659 = arith.constant 21 : index
    %get3A_1660 = arith.constant 1 : index
    %get3A_1661 = arith.constant 0 : index
    %get3A_1662 = vector.load %arg11[%get3A_1659, %get3A_1660, %get3A_1661] : memref<32x226x96xf32, #tpu.memory_space<vmem>>, vector<1x224x96xf32>
    %get3A_1663 = vector.shape_cast %get3A_1662 : vector<1x224x96xf32> to vector<224x96xf32>
    %swap3A_1664 = arith.constant 448 : index
    %swap3A_1665 = arith.constant 512 : index
    %swap3A_1666 = vector.load %arg13[%swap3A_1664, %swap3A_1665] : memref<1344x1152xf32, #tpu.memory_space<vmem>>, vector<224x96xf32>
    tpu.vector_store %arg13[%swap3A_1664, %swap3A_1665], %get3A_1663 {strides = array<i32>} : memref<1344x1152xf32, #tpu.memory_space<vmem>>, vector<224x96xf32>,
    %get3A_1667 = arith.constant 21 : index
    %get3A_1668 = arith.constant 2 : index
    %get3A_1669 = arith.constant 0 : index
    %get3A_1670 = vector.load %arg11[%get3A_1667, %get3A_1668, %get3A_1669] : memref<32x226x96xf32, #tpu.memory_space<vmem>>, vector<1x224x96xf32>
    %get3A_1671 = vector.shape_cast %get3A_1670 : vector<1x224x96xf32> to vector<224x96xf32>
    %swap3A_1672 = arith.constant 448 : index
    %swap3A_1673 = arith.constant 640 : index
    %swap3A_1674 = vector.load %arg13[%swap3A_1672, %swap3A_1673] : memref<1344x1152xf32, #tpu.memory_space<vmem>>, vector<224x96xf32>
    tpu.vector_store %arg13[%swap3A_1672, %swap3A_1673], %get3A_1671 {strides = array<i32>} : memref<1344x1152xf32, #tpu.memory_space<vmem>>, vector<224x96xf32>,
    %get3A_1675 = arith.constant 22 : index
    %get3A_1676 = arith.constant 0 : index
    %get3A_1677 = arith.constant 0 : index
    %get3A_1678 = vector.load %arg11[%get3A_1675, %get3A_1676, %get3A_1677] : memref<32x226x96xf32, #tpu.memory_space<vmem>>, vector<1x224x96xf32>
    %get3A_1679 = vector.shape_cast %get3A_1678 : vector<1x224x96xf32> to vector<224x96xf32>
    %swap3A_1680 = arith.constant 448 : index
    %swap3A_1681 = arith.constant 768 : index
    %swap3A_1682 = vector.load %arg13[%swap3A_1680, %swap3A_1681] : memref<1344x1152xf32, #tpu.memory_space<vmem>>, vector<224x96xf32>
    tpu.vector_store %arg13[%swap3A_1680, %swap3A_1681], %get3A_1679 {strides = array<i32>} : memref<1344x1152xf32, #tpu.memory_space<vmem>>, vector<224x96xf32>,
    %get3A_1683 = arith.constant 22 : index
    %get3A_1684 = arith.constant 1 : index
    %get3A_1685 = arith.constant 0 : index
    %get3A_1686 = vector.load %arg11[%get3A_1683, %get3A_1684, %get3A_1685] : memref<32x226x96xf32, #tpu.memory_space<vmem>>, vector<1x224x96xf32>
    %get3A_1687 = vector.shape_cast %get3A_1686 : vector<1x224x96xf32> to vector<224x96xf32>
    %swap3A_1688 = arith.constant 448 : index
    %swap3A_1689 = arith.constant 896 : index
    %swap3A_1690 = vector.load %arg13[%swap3A_1688, %swap3A_1689] : memref<1344x1152xf32, #tpu.memory_space<vmem>>, vector<224x96xf32>
    tpu.vector_store %arg13[%swap3A_1688, %swap3A_1689], %get3A_1687 {strides = array<i32>} : memref<1344x1152xf32, #tpu.memory_space<vmem>>, vector<224x96xf32>,
    %get3A_1691 = arith.constant 22 : index
    %get3A_1692 = arith.constant 2 : index
    %get3A_1693 = arith.constant 0 : index
    %get3A_1694 = vector.load %arg11[%get3A_1691, %get3A_1692, %get3A_1693] : memref<32x226x96xf32, #tpu.memory_space<vmem>>, vector<1x224x96xf32>
    %get3A_1695 = vector.shape_cast %get3A_1694 : vector<1x224x96xf32> to vector<224x96xf32>
    %swap3A_1696 = arith.constant 448 : index
    %swap3A_1697 = arith.constant 1024 : index
    %swap3A_1698 = vector.load %arg13[%swap3A_1696, %swap3A_1697] : memref<1344x1152xf32, #tpu.memory_space<vmem>>, vector<224x96xf32>
    tpu.vector_store %arg13[%swap3A_1696, %swap3A_1697], %get3A_1695 {strides = array<i32>} : memref<1344x1152xf32, #tpu.memory_space<vmem>>, vector<224x96xf32>,
    %get3A_1699 = arith.constant 21 : index
    %get3A_1700 = arith.constant 0 : index
    %get3A_1701 = arith.constant 0 : index
    %get3A_1702 = vector.load %arg11[%get3A_1699, %get3A_1700, %get3A_1701] : memref<32x226x96xf32, #tpu.memory_space<vmem>>, vector<1x224x96xf32>
    %get3A_1703 = vector.shape_cast %get3A_1702 : vector<1x224x96xf32> to vector<224x96xf32>
    %swap3A_1704 = arith.constant 672 : index
    %swap3A_1705 = arith.constant 0 : index
    %swap3A_1706 = vector.load %arg13[%swap3A_1704, %swap3A_1705] : memref<1344x1152xf32, #tpu.memory_space<vmem>>, vector<224x96xf32>
    tpu.vector_store %arg13[%swap3A_1704, %swap3A_1705], %get3A_1703 {strides = array<i32>} : memref<1344x1152xf32, #tpu.memory_space<vmem>>, vector<224x96xf32>,
    %get3A_1707 = arith.constant 21 : index
    %get3A_1708 = arith.constant 1 : index
    %get3A_1709 = arith.constant 0 : index
    %get3A_1710 = vector.load %arg11[%get3A_1707, %get3A_1708, %get3A_1709] : memref<32x226x96xf32, #tpu.memory_space<vmem>>, vector<1x224x96xf32>
    %get3A_1711 = vector.shape_cast %get3A_1710 : vector<1x224x96xf32> to vector<224x96xf32>
    %swap3A_1712 = arith.constant 672 : index
    %swap3A_1713 = arith.constant 128 : index
    %swap3A_1714 = vector.load %arg13[%swap3A_1712, %swap3A_1713] : memref<1344x1152xf32, #tpu.memory_space<vmem>>, vector<224x96xf32>
    tpu.vector_store %arg13[%swap3A_1712, %swap3A_1713], %get3A_1711 {strides = array<i32>} : memref<1344x1152xf32, #tpu.memory_space<vmem>>, vector<224x96xf32>,
    %get3A_1715 = arith.constant 21 : index
    %get3A_1716 = arith.constant 2 : index
    %get3A_1717 = arith.constant 0 : index
    %get3A_1718 = vector.load %arg11[%get3A_1715, %get3A_1716, %get3A_1717] : memref<32x226x96xf32, #tpu.memory_space<vmem>>, vector<1x224x96xf32>
    %get3A_1719 = vector.shape_cast %get3A_1718 : vector<1x224x96xf32> to vector<224x96xf32>
    %swap3A_1720 = arith.constant 672 : index
    %swap3A_1721 = arith.constant 256 : index
    %swap3A_1722 = vector.load %arg13[%swap3A_1720, %swap3A_1721] : memref<1344x1152xf32, #tpu.memory_space<vmem>>, vector<224x96xf32>
    tpu.vector_store %arg13[%swap3A_1720, %swap3A_1721], %get3A_1719 {strides = array<i32>} : memref<1344x1152xf32, #tpu.memory_space<vmem>>, vector<224x96xf32>,
    %get3A_1723 = arith.constant 22 : index
    %get3A_1724 = arith.constant 0 : index
    %get3A_1725 = arith.constant 0 : index
    %get3A_1726 = vector.load %arg11[%get3A_1723, %get3A_1724, %get3A_1725] : memref<32x226x96xf32, #tpu.memory_space<vmem>>, vector<1x224x96xf32>
    %get3A_1727 = vector.shape_cast %get3A_1726 : vector<1x224x96xf32> to vector<224x96xf32>
    %swap3A_1728 = arith.constant 672 : index
    %swap3A_1729 = arith.constant 384 : index
    %swap3A_1730 = vector.load %arg13[%swap3A_1728, %swap3A_1729] : memref<1344x1152xf32, #tpu.memory_space<vmem>>, vector<224x96xf32>
    tpu.vector_store %arg13[%swap3A_1728, %swap3A_1729], %get3A_1727 {strides = array<i32>} : memref<1344x1152xf32, #tpu.memory_space<vmem>>, vector<224x96xf32>,
    %get3A_1731 = arith.constant 22 : index
    %get3A_1732 = arith.constant 1 : index
    %get3A_1733 = arith.constant 0 : index
    %get3A_1734 = vector.load %arg11[%get3A_1731, %get3A_1732, %get3A_1733] : memref<32x226x96xf32, #tpu.memory_space<vmem>>, vector<1x224x96xf32>
    %get3A_1735 = vector.shape_cast %get3A_1734 : vector<1x224x96xf32> to vector<224x96xf32>
    %swap3A_1736 = arith.constant 672 : index
    %swap3A_1737 = arith.constant 512 : index
    %swap3A_1738 = vector.load %arg13[%swap3A_1736, %swap3A_1737] : memref<1344x1152xf32, #tpu.memory_space<vmem>>, vector<224x96xf32>
    tpu.vector_store %arg13[%swap3A_1736, %swap3A_1737], %get3A_1735 {strides = array<i32>} : memref<1344x1152xf32, #tpu.memory_space<vmem>>, vector<224x96xf32>,
    %get3A_1739 = arith.constant 22 : index
    %get3A_1740 = arith.constant 2 : index
    %get3A_1741 = arith.constant 0 : index
    %get3A_1742 = vector.load %arg11[%get3A_1739, %get3A_1740, %get3A_1741] : memref<32x226x96xf32, #tpu.memory_space<vmem>>, vector<1x224x96xf32>
    %get3A_1743 = vector.shape_cast %get3A_1742 : vector<1x224x96xf32> to vector<224x96xf32>
    %swap3A_1744 = arith.constant 672 : index
    %swap3A_1745 = arith.constant 640 : index
    %swap3A_1746 = vector.load %arg13[%swap3A_1744, %swap3A_1745] : memref<1344x1152xf32, #tpu.memory_space<vmem>>, vector<224x96xf32>
    tpu.vector_store %arg13[%swap3A_1744, %swap3A_1745], %get3A_1743 {strides = array<i32>} : memref<1344x1152xf32, #tpu.memory_space<vmem>>, vector<224x96xf32>,
    %get3A_1747 = arith.constant 23 : index
    %get3A_1748 = arith.constant 0 : index
    %get3A_1749 = arith.constant 0 : index
    %get3A_1750 = vector.load %arg11[%get3A_1747, %get3A_1748, %get3A_1749] : memref<32x226x96xf32, #tpu.memory_space<vmem>>, vector<1x224x96xf32>
    %get3A_1751 = vector.shape_cast %get3A_1750 : vector<1x224x96xf32> to vector<224x96xf32>
    %swap3A_1752 = arith.constant 672 : index
    %swap3A_1753 = arith.constant 768 : index
    %swap3A_1754 = vector.load %arg13[%swap3A_1752, %swap3A_1753] : memref<1344x1152xf32, #tpu.memory_space<vmem>>, vector<224x96xf32>
    tpu.vector_store %arg13[%swap3A_1752, %swap3A_1753], %get3A_1751 {strides = array<i32>} : memref<1344x1152xf32, #tpu.memory_space<vmem>>, vector<224x96xf32>,
    %get3A_1755 = arith.constant 23 : index
    %get3A_1756 = arith.constant 1 : index
    %get3A_1757 = arith.constant 0 : index
    %get3A_1758 = vector.load %arg11[%get3A_1755, %get3A_1756, %get3A_1757] : memref<32x226x96xf32, #tpu.memory_space<vmem>>, vector<1x224x96xf32>
    %get3A_1759 = vector.shape_cast %get3A_1758 : vector<1x224x96xf32> to vector<224x96xf32>
    %swap3A_1760 = arith.constant 672 : index
    %swap3A_1761 = arith.constant 896 : index
    %swap3A_1762 = vector.load %arg13[%swap3A_1760, %swap3A_1761] : memref<1344x1152xf32, #tpu.memory_space<vmem>>, vector<224x96xf32>
    tpu.vector_store %arg13[%swap3A_1760, %swap3A_1761], %get3A_1759 {strides = array<i32>} : memref<1344x1152xf32, #tpu.memory_space<vmem>>, vector<224x96xf32>,
    %get3A_1763 = arith.constant 23 : index
    %get3A_1764 = arith.constant 2 : index
    %get3A_1765 = arith.constant 0 : index
    %get3A_1766 = vector.load %arg11[%get3A_1763, %get3A_1764, %get3A_1765] : memref<32x226x96xf32, #tpu.memory_space<vmem>>, vector<1x224x96xf32>
    %get3A_1767 = vector.shape_cast %get3A_1766 : vector<1x224x96xf32> to vector<224x96xf32>
    %swap3A_1768 = arith.constant 672 : index
    %swap3A_1769 = arith.constant 1024 : index
    %swap3A_1770 = vector.load %arg13[%swap3A_1768, %swap3A_1769] : memref<1344x1152xf32, #tpu.memory_space<vmem>>, vector<224x96xf32>
    tpu.vector_store %arg13[%swap3A_1768, %swap3A_1769], %get3A_1767 {strides = array<i32>} : memref<1344x1152xf32, #tpu.memory_space<vmem>>, vector<224x96xf32>,
    %get3A_1771 = arith.constant 22 : index
    %get3A_1772 = arith.constant 0 : index
    %get3A_1773 = arith.constant 0 : index
    %get3A_1774 = vector.load %arg11[%get3A_1771, %get3A_1772, %get3A_1773] : memref<32x226x96xf32, #tpu.memory_space<vmem>>, vector<1x224x96xf32>
    %get3A_1775 = vector.shape_cast %get3A_1774 : vector<1x224x96xf32> to vector<224x96xf32>
    %swap3A_1776 = arith.constant 896 : index
    %swap3A_1777 = arith.constant 0 : index
    %swap3A_1778 = vector.load %arg13[%swap3A_1776, %swap3A_1777] : memref<1344x1152xf32, #tpu.memory_space<vmem>>, vector<224x96xf32>
    tpu.vector_store %arg13[%swap3A_1776, %swap3A_1777], %get3A_1775 {strides = array<i32>} : memref<1344x1152xf32, #tpu.memory_space<vmem>>, vector<224x96xf32>,
    %get3A_1779 = arith.constant 22 : index
    %get3A_1780 = arith.constant 1 : index
    %get3A_1781 = arith.constant 0 : index
    %get3A_1782 = vector.load %arg11[%get3A_1779, %get3A_1780, %get3A_1781] : memref<32x226x96xf32, #tpu.memory_space<vmem>>, vector<1x224x96xf32>
    %get3A_1783 = vector.shape_cast %get3A_1782 : vector<1x224x96xf32> to vector<224x96xf32>
    %swap3A_1784 = arith.constant 896 : index
    %swap3A_1785 = arith.constant 128 : index
    %swap3A_1786 = vector.load %arg13[%swap3A_1784, %swap3A_1785] : memref<1344x1152xf32, #tpu.memory_space<vmem>>, vector<224x96xf32>
    tpu.vector_store %arg13[%swap3A_1784, %swap3A_1785], %get3A_1783 {strides = array<i32>} : memref<1344x1152xf32, #tpu.memory_space<vmem>>, vector<224x96xf32>,
    %get3A_1787 = arith.constant 22 : index
    %get3A_1788 = arith.constant 2 : index
    %get3A_1789 = arith.constant 0 : index
    %get3A_1790 = vector.load %arg11[%get3A_1787, %get3A_1788, %get3A_1789] : memref<32x226x96xf32, #tpu.memory_space<vmem>>, vector<1x224x96xf32>
    %get3A_1791 = vector.shape_cast %get3A_1790 : vector<1x224x96xf32> to vector<224x96xf32>
    %swap3A_1792 = arith.constant 896 : index
    %swap3A_1793 = arith.constant 256 : index
    %swap3A_1794 = vector.load %arg13[%swap3A_1792, %swap3A_1793] : memref<1344x1152xf32, #tpu.memory_space<vmem>>, vector<224x96xf32>
    tpu.vector_store %arg13[%swap3A_1792, %swap3A_1793], %get3A_1791 {strides = array<i32>} : memref<1344x1152xf32, #tpu.memory_space<vmem>>, vector<224x96xf32>,
    %get3A_1795 = arith.constant 23 : index
    %get3A_1796 = arith.constant 0 : index
    %get3A_1797 = arith.constant 0 : index
    %get3A_1798 = vector.load %arg11[%get3A_1795, %get3A_1796, %get3A_1797] : memref<32x226x96xf32, #tpu.memory_space<vmem>>, vector<1x224x96xf32>
    %get3A_1799 = vector.shape_cast %get3A_1798 : vector<1x224x96xf32> to vector<224x96xf32>
    %swap3A_1800 = arith.constant 896 : index
    %swap3A_1801 = arith.constant 384 : index
    %swap3A_1802 = vector.load %arg13[%swap3A_1800, %swap3A_1801] : memref<1344x1152xf32, #tpu.memory_space<vmem>>, vector<224x96xf32>
    tpu.vector_store %arg13[%swap3A_1800, %swap3A_1801], %get3A_1799 {strides = array<i32>} : memref<1344x1152xf32, #tpu.memory_space<vmem>>, vector<224x96xf32>,
    %get3A_1803 = arith.constant 23 : index
    %get3A_1804 = arith.constant 1 : index
    %get3A_1805 = arith.constant 0 : index
    %get3A_1806 = vector.load %arg11[%get3A_1803, %get3A_1804, %get3A_1805] : memref<32x226x96xf32, #tpu.memory_space<vmem>>, vector<1x224x96xf32>
    %get3A_1807 = vector.shape_cast %get3A_1806 : vector<1x224x96xf32> to vector<224x96xf32>
    %swap3A_1808 = arith.constant 896 : index
    %swap3A_1809 = arith.constant 512 : index
    %swap3A_1810 = vector.load %arg13[%swap3A_1808, %swap3A_1809] : memref<1344x1152xf32, #tpu.memory_space<vmem>>, vector<224x96xf32>
    tpu.vector_store %arg13[%swap3A_1808, %swap3A_1809], %get3A_1807 {strides = array<i32>} : memref<1344x1152xf32, #tpu.memory_space<vmem>>, vector<224x96xf32>,
    %get3A_1811 = arith.constant 23 : index
    %get3A_1812 = arith.constant 2 : index
    %get3A_1813 = arith.constant 0 : index
    %get3A_1814 = vector.load %arg11[%get3A_1811, %get3A_1812, %get3A_1813] : memref<32x226x96xf32, #tpu.memory_space<vmem>>, vector<1x224x96xf32>
    %get3A_1815 = vector.shape_cast %get3A_1814 : vector<1x224x96xf32> to vector<224x96xf32>
    %swap3A_1816 = arith.constant 896 : index
    %swap3A_1817 = arith.constant 640 : index
    %swap3A_1818 = vector.load %arg13[%swap3A_1816, %swap3A_1817] : memref<1344x1152xf32, #tpu.memory_space<vmem>>, vector<224x96xf32>
    tpu.vector_store %arg13[%swap3A_1816, %swap3A_1817], %get3A_1815 {strides = array<i32>} : memref<1344x1152xf32, #tpu.memory_space<vmem>>, vector<224x96xf32>,
    %get3A_1819 = arith.constant 24 : index
    %get3A_1820 = arith.constant 0 : index
    %get3A_1821 = arith.constant 0 : index
    %get3A_1822 = vector.load %arg11[%get3A_1819, %get3A_1820, %get3A_1821] : memref<32x226x96xf32, #tpu.memory_space<vmem>>, vector<1x224x96xf32>
    %get3A_1823 = vector.shape_cast %get3A_1822 : vector<1x224x96xf32> to vector<224x96xf32>
    %swap3A_1824 = arith.constant 896 : index
    %swap3A_1825 = arith.constant 768 : index
    %swap3A_1826 = vector.load %arg13[%swap3A_1824, %swap3A_1825] : memref<1344x1152xf32, #tpu.memory_space<vmem>>, vector<224x96xf32>
    tpu.vector_store %arg13[%swap3A_1824, %swap3A_1825], %get3A_1823 {strides = array<i32>} : memref<1344x1152xf32, #tpu.memory_space<vmem>>, vector<224x96xf32>,
    %get3A_1827 = arith.constant 24 : index
    %get3A_1828 = arith.constant 1 : index
    %get3A_1829 = arith.constant 0 : index
    %get3A_1830 = vector.load %arg11[%get3A_1827, %get3A_1828, %get3A_1829] : memref<32x226x96xf32, #tpu.memory_space<vmem>>, vector<1x224x96xf32>
    %get3A_1831 = vector.shape_cast %get3A_1830 : vector<1x224x96xf32> to vector<224x96xf32>
    %swap3A_1832 = arith.constant 896 : index
    %swap3A_1833 = arith.constant 896 : index
    %swap3A_1834 = vector.load %arg13[%swap3A_1832, %swap3A_1833] : memref<1344x1152xf32, #tpu.memory_space<vmem>>, vector<224x96xf32>
    tpu.vector_store %arg13[%swap3A_1832, %swap3A_1833], %get3A_1831 {strides = array<i32>} : memref<1344x1152xf32, #tpu.memory_space<vmem>>, vector<224x96xf32>,
    %get3A_1835 = arith.constant 24 : index
    %get3A_1836 = arith.constant 2 : index
    %get3A_1837 = arith.constant 0 : index
    %get3A_1838 = vector.load %arg11[%get3A_1835, %get3A_1836, %get3A_1837] : memref<32x226x96xf32, #tpu.memory_space<vmem>>, vector<1x224x96xf32>
    %get3A_1839 = vector.shape_cast %get3A_1838 : vector<1x224x96xf32> to vector<224x96xf32>
    %swap3A_1840 = arith.constant 896 : index
    %swap3A_1841 = arith.constant 1024 : index
    %swap3A_1842 = vector.load %arg13[%swap3A_1840, %swap3A_1841] : memref<1344x1152xf32, #tpu.memory_space<vmem>>, vector<224x96xf32>
    tpu.vector_store %arg13[%swap3A_1840, %swap3A_1841], %get3A_1839 {strides = array<i32>} : memref<1344x1152xf32, #tpu.memory_space<vmem>>, vector<224x96xf32>,
    %get3A_1843 = arith.constant 23 : index
    %get3A_1844 = arith.constant 0 : index
    %get3A_1845 = arith.constant 0 : index
    %get3A_1846 = vector.load %arg11[%get3A_1843, %get3A_1844, %get3A_1845] : memref<32x226x96xf32, #tpu.memory_space<vmem>>, vector<1x224x96xf32>
    %get3A_1847 = vector.shape_cast %get3A_1846 : vector<1x224x96xf32> to vector<224x96xf32>
    %swap3A_1848 = arith.constant 1120 : index
    %swap3A_1849 = arith.constant 0 : index
    %swap3A_1850 = vector.load %arg13[%swap3A_1848, %swap3A_1849] : memref<1344x1152xf32, #tpu.memory_space<vmem>>, vector<224x96xf32>
    tpu.vector_store %arg13[%swap3A_1848, %swap3A_1849], %get3A_1847 {strides = array<i32>} : memref<1344x1152xf32, #tpu.memory_space<vmem>>, vector<224x96xf32>,
    %get3A_1851 = arith.constant 23 : index
    %get3A_1852 = arith.constant 1 : index
    %get3A_1853 = arith.constant 0 : index
    %get3A_1854 = vector.load %arg11[%get3A_1851, %get3A_1852, %get3A_1853] : memref<32x226x96xf32, #tpu.memory_space<vmem>>, vector<1x224x96xf32>
    %get3A_1855 = vector.shape_cast %get3A_1854 : vector<1x224x96xf32> to vector<224x96xf32>
    %swap3A_1856 = arith.constant 1120 : index
    %swap3A_1857 = arith.constant 128 : index
    %swap3A_1858 = vector.load %arg13[%swap3A_1856, %swap3A_1857] : memref<1344x1152xf32, #tpu.memory_space<vmem>>, vector<224x96xf32>
    tpu.vector_store %arg13[%swap3A_1856, %swap3A_1857], %get3A_1855 {strides = array<i32>} : memref<1344x1152xf32, #tpu.memory_space<vmem>>, vector<224x96xf32>,
    %get3A_1859 = arith.constant 23 : index
    %get3A_1860 = arith.constant 2 : index
    %get3A_1861 = arith.constant 0 : index
    %get3A_1862 = vector.load %arg11[%get3A_1859, %get3A_1860, %get3A_1861] : memref<32x226x96xf32, #tpu.memory_space<vmem>>, vector<1x224x96xf32>
    %get3A_1863 = vector.shape_cast %get3A_1862 : vector<1x224x96xf32> to vector<224x96xf32>
    %swap3A_1864 = arith.constant 1120 : index
    %swap3A_1865 = arith.constant 256 : index
    %swap3A_1866 = vector.load %arg13[%swap3A_1864, %swap3A_1865] : memref<1344x1152xf32, #tpu.memory_space<vmem>>, vector<224x96xf32>
    tpu.vector_store %arg13[%swap3A_1864, %swap3A_1865], %get3A_1863 {strides = array<i32>} : memref<1344x1152xf32, #tpu.memory_space<vmem>>, vector<224x96xf32>,
    %get3A_1867 = arith.constant 24 : index
    %get3A_1868 = arith.constant 0 : index
    %get3A_1869 = arith.constant 0 : index
    %get3A_1870 = vector.load %arg11[%get3A_1867, %get3A_1868, %get3A_1869] : memref<32x226x96xf32, #tpu.memory_space<vmem>>, vector<1x224x96xf32>
    %get3A_1871 = vector.shape_cast %get3A_1870 : vector<1x224x96xf32> to vector<224x96xf32>
    %swap3A_1872 = arith.constant 1120 : index
    %swap3A_1873 = arith.constant 384 : index
    %swap3A_1874 = vector.load %arg13[%swap3A_1872, %swap3A_1873] : memref<1344x1152xf32, #tpu.memory_space<vmem>>, vector<224x96xf32>
    tpu.vector_store %arg13[%swap3A_1872, %swap3A_1873], %get3A_1871 {strides = array<i32>} : memref<1344x1152xf32, #tpu.memory_space<vmem>>, vector<224x96xf32>,
    %get3A_1875 = arith.constant 24 : index
    %get3A_1876 = arith.constant 1 : index
    %get3A_1877 = arith.constant 0 : index
    %get3A_1878 = vector.load %arg11[%get3A_1875, %get3A_1876, %get3A_1877] : memref<32x226x96xf32, #tpu.memory_space<vmem>>, vector<1x224x96xf32>
    %get3A_1879 = vector.shape_cast %get3A_1878 : vector<1x224x96xf32> to vector<224x96xf32>
    %swap3A_1880 = arith.constant 1120 : index
    %swap3A_1881 = arith.constant 512 : index
    %swap3A_1882 = vector.load %arg13[%swap3A_1880, %swap3A_1881] : memref<1344x1152xf32, #tpu.memory_space<vmem>>, vector<224x96xf32>
    tpu.vector_store %arg13[%swap3A_1880, %swap3A_1881], %get3A_1879 {strides = array<i32>} : memref<1344x1152xf32, #tpu.memory_space<vmem>>, vector<224x96xf32>,
    %get3A_1883 = arith.constant 24 : index
    %get3A_1884 = arith.constant 2 : index
    %get3A_1885 = arith.constant 0 : index
    %get3A_1886 = vector.load %arg11[%get3A_1883, %get3A_1884, %get3A_1885] : memref<32x226x96xf32, #tpu.memory_space<vmem>>, vector<1x224x96xf32>
    %get3A_1887 = vector.shape_cast %get3A_1886 : vector<1x224x96xf32> to vector<224x96xf32>
    %swap3A_1888 = arith.constant 1120 : index
    %swap3A_1889 = arith.constant 640 : index
    %swap3A_1890 = vector.load %arg13[%swap3A_1888, %swap3A_1889] : memref<1344x1152xf32, #tpu.memory_space<vmem>>, vector<224x96xf32>
    tpu.vector_store %arg13[%swap3A_1888, %swap3A_1889], %get3A_1887 {strides = array<i32>} : memref<1344x1152xf32, #tpu.memory_space<vmem>>, vector<224x96xf32>,
    %get3A_1891 = arith.constant 25 : index
    %get3A_1892 = arith.constant 0 : index
    %get3A_1893 = arith.constant 0 : index
    %get3A_1894 = vector.load %arg11[%get3A_1891, %get3A_1892, %get3A_1893] : memref<32x226x96xf32, #tpu.memory_space<vmem>>, vector<1x224x96xf32>
    %get3A_1895 = vector.shape_cast %get3A_1894 : vector<1x224x96xf32> to vector<224x96xf32>
    %swap3A_1896 = arith.constant 1120 : index
    %swap3A_1897 = arith.constant 768 : index
    %swap3A_1898 = vector.load %arg13[%swap3A_1896, %swap3A_1897] : memref<1344x1152xf32, #tpu.memory_space<vmem>>, vector<224x96xf32>
    tpu.vector_store %arg13[%swap3A_1896, %swap3A_1897], %get3A_1895 {strides = array<i32>} : memref<1344x1152xf32, #tpu.memory_space<vmem>>, vector<224x96xf32>,
    %get3A_1899 = arith.constant 25 : index
    %get3A_1900 = arith.constant 1 : index
    %get3A_1901 = arith.constant 0 : index
    %get3A_1902 = vector.load %arg11[%get3A_1899, %get3A_1900, %get3A_1901] : memref<32x226x96xf32, #tpu.memory_space<vmem>>, vector<1x224x96xf32>
    %get3A_1903 = vector.shape_cast %get3A_1902 : vector<1x224x96xf32> to vector<224x96xf32>
    %swap3A_1904 = arith.constant 1120 : index
    %swap3A_1905 = arith.constant 896 : index
    %swap3A_1906 = vector.load %arg13[%swap3A_1904, %swap3A_1905] : memref<1344x1152xf32, #tpu.memory_space<vmem>>, vector<224x96xf32>
    tpu.vector_store %arg13[%swap3A_1904, %swap3A_1905], %get3A_1903 {strides = array<i32>} : memref<1344x1152xf32, #tpu.memory_space<vmem>>, vector<224x96xf32>,
    %get3A_1907 = arith.constant 25 : index
    %get3A_1908 = arith.constant 2 : index
    %get3A_1909 = arith.constant 0 : index
    %get3A_1910 = vector.load %arg11[%get3A_1907, %get3A_1908, %get3A_1909] : memref<32x226x96xf32, #tpu.memory_space<vmem>>, vector<1x224x96xf32>
    %get3A_1911 = vector.shape_cast %get3A_1910 : vector<1x224x96xf32> to vector<224x96xf32>
    %swap3A_1912 = arith.constant 1120 : index
    %swap3A_1913 = arith.constant 1024 : index
    %swap3A_1914 = vector.load %arg13[%swap3A_1912, %swap3A_1913] : memref<1344x1152xf32, #tpu.memory_space<vmem>>, vector<224x96xf32>
    tpu.vector_store %arg13[%swap3A_1912, %swap3A_1913], %get3A_1911 {strides = array<i32>} : memref<1344x1152xf32, #tpu.memory_space<vmem>>, vector<224x96xf32>,
    %get3A_1915 = arith.constant 0 : index
    %get3A_1916 = arith.constant 0 : index
    %get3A_1917 = vector.load %arg13[%get3A_1915, %get3A_1916] : memref<1344x1152xf32, #tpu.memory_space<vmem>>, vector<1344x1152xf32>
    %dot_general3A_1918 = arith.constant dense<0.000000e+00> : vector<1344x96xf32>
    %dot_general3A_1919 = tpu.matmul %get3A_1917, %concatenate3A, %dot_general3A_1918 {dimension_numbers = #tpu.dot_dimension_numbers<[1], [0], [0], [1], [0, 0, 1, 1], [], []>, transpose_lhs_hint = false} : vector<1344x1152xf32>, vector<1152x96xf32>, vector<1344x96xf32> -> vector<1344x96xf32>
    %add3A_1920 = vector.broadcast %concatenate3A_50 : vector<1x96xf32> to vector<1344x96xf32>
    %add3A_1921 = arith.addf %dot_general3A_1919, %add3A_1920 : vector<1344x96xf32>
    %logistic3A_1922 = arith.negf %add3A_1921 : vector<1344x96xf32>
    %logistic3A_1923 = math.exp %logistic3A_1922 : vector<1344x96xf32>
    %logistic3A_1924 = arith.constant 1.000000e+00 : f32
    %logistic3A_1925 = vector.broadcast %logistic3A_1924 : f32 to vector<1344x96xf32>
    %logistic3A_1926 = arith.addf %logistic3A_1925, %logistic3A_1923 : vector<1344x96xf32>
    %logistic3A_1927 = arith.divf %logistic3A_1925, %logistic3A_1926 : vector<1344x96xf32>
    %mul3A_1928 = arith.mulf %add3A_1921, %logistic3A_1927 : vector<1344x96xf32>
    %reshape3A_1929 = vector.shape_cast %mul3A_1928 : vector<1344x96xf32> to vector<6x224x96xf32>
    %mul3A_1930 = arith.constant 28 : i32
    %mul3A_1931 = arith.muli %arg1, %mul3A_1930 : i32
    %sub3A_1932 = arith.constant 1 : i32
    %sub3A_1933 = arith.subi %mul3A_1931, %sub3A_1932 : i32
    %add3A_1934 = arith.constant 18 : i32
    %add3A_1935 = arith.addi %sub3A_1933, %add3A_1934 : i32
    %iota3A_1936 = tpu.iota {dimensions = array<i32: 0>} : vector<6x1x1xi32>
    %add3A_1937 = vector.broadcast %add3A_1935 : i32 to vector<6x1x1xi32>
    %add3A_1938 = arith.addi %add3A_1937, %iota3A_1936 : vector<6x1x1xi32>
    %ge3A_1939 = arith.constant 0 : i32
    %ge3A_1940 = vector.broadcast %ge3A_1939 : i32 to vector<6x1x1xi32>
    %ge3A_1941 = arith.cmpi sge, %add3A_1938, %ge3A_1940 : vector<6x1x1xi32>
    %lt3A_1942 = arith.constant 224 : i32
    %lt3A_1943 = vector.broadcast %lt3A_1942 : i32 to vector<6x1x1xi32>
    %lt3A_1944 = arith.cmpi slt, %add3A_1938, %lt3A_1943 : vector<6x1x1xi32>
    %and3A_1945 = arith.andi %ge3A_1941, %lt3A_1944 : vector<6x1x1xi1>
    %jit3A_1946 = arith.constant 0.000000e+00 : f32
    %broadcast_in_dim3A_1947 = vector.shape_cast %and3A_1945 : vector<6x1x1xi1> to vector<6x1x1xi1>
    %broadcast_in_dim3A_1948 = vector.broadcast %broadcast_in_dim3A_1947 : vector<6x1x1xi1> to vector<6x224x96xi1>
    %broadcast_in_dim3A_1949 = vector.broadcast %jit3A_1946 : f32 to vector<6x224x96xf32>
    %select_n3A_1950 = arith.select %broadcast_in_dim3A_1948, %reshape3A_1929, %broadcast_in_dim3A_1949 : vector<6x224x96xi1>, vector<6x224x96xf32>
    %swap3A_1951 = arith.constant 18 : index
    %swap3A_1952 = arith.constant 1 : index
    %swap3A_1953 = arith.constant 0 : index
    %swap3A_1954 = vector.load %arg12[%swap3A_1951, %swap3A_1952, %swap3A_1953] : memref<30x226x96xf32, #tpu.memory_space<vmem>>, vector<6x224x96xf32>
    tpu.vector_store %arg12[%swap3A_1951, %swap3A_1952, %swap3A_1953], %select_n3A_1950 {strides = array<i32>} : memref<30x226x96xf32, #tpu.memory_space<vmem>>, vector<6x224x96xf32>,
    %get3A_1955 = arith.constant 24 : index
    %get3A_1956 = arith.constant 0 : index
    %get3A_1957 = arith.constant 0 : index
    %get3A_1958 = vector.load %arg11[%get3A_1955, %get3A_1956, %get3A_1957] : memref<32x226x96xf32, #tpu.memory_space<vmem>>, vector<1x224x96xf32>
    %get3A_1959 = vector.shape_cast %get3A_1958 : vector<1x224x96xf32> to vector<224x96xf32>
    %swap3A_1960 = arith.constant 0 : index
    %swap3A_1961 = arith.constant 0 : index
    %swap3A_1962 = vector.load %arg13[%swap3A_1960, %swap3A_1961] : memref<1344x1152xf32, #tpu.memory_space<vmem>>, vector<224x96xf32>
    tpu.vector_store %arg13[%swap3A_1960, %swap3A_1961], %get3A_1959 {strides = array<i32>} : memref<1344x1152xf32, #tpu.memory_space<vmem>>, vector<224x96xf32>,
    %get3A_1963 = arith.constant 24 : index
    %get3A_1964 = arith.constant 1 : index
    %get3A_1965 = arith.constant 0 : index
    %get3A_1966 = vector.load %arg11[%get3A_1963, %get3A_1964, %get3A_1965] : memref<32x226x96xf32, #tpu.memory_space<vmem>>, vector<1x224x96xf32>
    %get3A_1967 = vector.shape_cast %get3A_1966 : vector<1x224x96xf32> to vector<224x96xf32>
    %swap3A_1968 = arith.constant 0 : index
    %swap3A_1969 = arith.constant 128 : index
    %swap3A_1970 = vector.load %arg13[%swap3A_1968, %swap3A_1969] : memref<1344x1152xf32, #tpu.memory_space<vmem>>, vector<224x96xf32>
    tpu.vector_store %arg13[%swap3A_1968, %swap3A_1969], %get3A_1967 {strides = array<i32>} : memref<1344x1152xf32, #tpu.memory_space<vmem>>, vector<224x96xf32>,
    %get3A_1971 = arith.constant 24 : index
    %get3A_1972 = arith.constant 2 : index
    %get3A_1973 = arith.constant 0 : index
    %get3A_1974 = vector.load %arg11[%get3A_1971, %get3A_1972, %get3A_1973] : memref<32x226x96xf32, #tpu.memory_space<vmem>>, vector<1x224x96xf32>
    %get3A_1975 = vector.shape_cast %get3A_1974 : vector<1x224x96xf32> to vector<224x96xf32>
    %swap3A_1976 = arith.constant 0 : index
    %swap3A_1977 = arith.constant 256 : index
    %swap3A_1978 = vector.load %arg13[%swap3A_1976, %swap3A_1977] : memref<1344x1152xf32, #tpu.memory_space<vmem>>, vector<224x96xf32>
    tpu.vector_store %arg13[%swap3A_1976, %swap3A_1977], %get3A_1975 {strides = array<i32>} : memref<1344x1152xf32, #tpu.memory_space<vmem>>, vector<224x96xf32>,
    %get3A_1979 = arith.constant 25 : index
    %get3A_1980 = arith.constant 0 : index
    %get3A_1981 = arith.constant 0 : index
    %get3A_1982 = vector.load %arg11[%get3A_1979, %get3A_1980, %get3A_1981] : memref<32x226x96xf32, #tpu.memory_space<vmem>>, vector<1x224x96xf32>
    %get3A_1983 = vector.shape_cast %get3A_1982 : vector<1x224x96xf32> to vector<224x96xf32>
    %swap3A_1984 = arith.constant 0 : index
    %swap3A_1985 = arith.constant 384 : index
    %swap3A_1986 = vector.load %arg13[%swap3A_1984, %swap3A_1985] : memref<1344x1152xf32, #tpu.memory_space<vmem>>, vector<224x96xf32>
    tpu.vector_store %arg13[%swap3A_1984, %swap3A_1985], %get3A_1983 {strides = array<i32>} : memref<1344x1152xf32, #tpu.memory_space<vmem>>, vector<224x96xf32>,
    %get3A_1987 = arith.constant 25 : index
    %get3A_1988 = arith.constant 1 : index
    %get3A_1989 = arith.constant 0 : index
    %get3A_1990 = vector.load %arg11[%get3A_1987, %get3A_1988, %get3A_1989] : memref<32x226x96xf32, #tpu.memory_space<vmem>>, vector<1x224x96xf32>
    %get3A_1991 = vector.shape_cast %get3A_1990 : vector<1x224x96xf32> to vector<224x96xf32>
    %swap3A_1992 = arith.constant 0 : index
    %swap3A_1993 = arith.constant 512 : index
    %swap3A_1994 = vector.load %arg13[%swap3A_1992, %swap3A_1993] : memref<1344x1152xf32, #tpu.memory_space<vmem>>, vector<224x96xf32>
    tpu.vector_store %arg13[%swap3A_1992, %swap3A_1993], %get3A_1991 {strides = array<i32>} : memref<1344x1152xf32, #tpu.memory_space<vmem>>, vector<224x96xf32>,
    %get3A_1995 = arith.constant 25 : index
    %get3A_1996 = arith.constant 2 : index
    %get3A_1997 = arith.constant 0 : index
    %get3A_1998 = vector.load %arg11[%get3A_1995, %get3A_1996, %get3A_1997] : memref<32x226x96xf32, #tpu.memory_space<vmem>>, vector<1x224x96xf32>
    %get3A_1999 = vector.shape_cast %get3A_1998 : vector<1x224x96xf32> to vector<224x96xf32>
    %swap3A_2000 = arith.constant 0 : index
    %swap3A_2001 = arith.constant 640 : index
    %swap3A_2002 = vector.load %arg13[%swap3A_2000, %swap3A_2001] : memref<1344x1152xf32, #tpu.memory_space<vmem>>, vector<224x96xf32>
    tpu.vector_store %arg13[%swap3A_2000, %swap3A_2001], %get3A_1999 {strides = array<i32>} : memref<1344x1152xf32, #tpu.memory_space<vmem>>, vector<224x96xf32>,
    %get3A_2003 = arith.constant 26 : index
    %get3A_2004 = arith.constant 0 : index
    %get3A_2005 = arith.constant 0 : index
    %get3A_2006 = vector.load %arg11[%get3A_2003, %get3A_2004, %get3A_2005] : memref<32x226x96xf32, #tpu.memory_space<vmem>>, vector<1x224x96xf32>
    %get3A_2007 = vector.shape_cast %get3A_2006 : vector<1x224x96xf32> to vector<224x96xf32>
    %swap3A_2008 = arith.constant 0 : index
    %swap3A_2009 = arith.constant 768 : index
    %swap3A_2010 = vector.load %arg13[%swap3A_2008, %swap3A_2009] : memref<1344x1152xf32, #tpu.memory_space<vmem>>, vector<224x96xf32>
    tpu.vector_store %arg13[%swap3A_2008, %swap3A_2009], %get3A_2007 {strides = array<i32>} : memref<1344x1152xf32, #tpu.memory_space<vmem>>, vector<224x96xf32>,
    %get3A_2011 = arith.constant 26 : index
    %get3A_2012 = arith.constant 1 : index
    %get3A_2013 = arith.constant 0 : index
    %get3A_2014 = vector.load %arg11[%get3A_2011, %get3A_2012, %get3A_2013] : memref<32x226x96xf32, #tpu.memory_space<vmem>>, vector<1x224x96xf32>
    %get3A_2015 = vector.shape_cast %get3A_2014 : vector<1x224x96xf32> to vector<224x96xf32>
    %swap3A_2016 = arith.constant 0 : index
    %swap3A_2017 = arith.constant 896 : index
    %swap3A_2018 = vector.load %arg13[%swap3A_2016, %swap3A_2017] : memref<1344x1152xf32, #tpu.memory_space<vmem>>, vector<224x96xf32>
    tpu.vector_store %arg13[%swap3A_2016, %swap3A_2017], %get3A_2015 {strides = array<i32>} : memref<1344x1152xf32, #tpu.memory_space<vmem>>, vector<224x96xf32>,
    %get3A_2019 = arith.constant 26 : index
    %get3A_2020 = arith.constant 2 : index
    %get3A_2021 = arith.constant 0 : index
    %get3A_2022 = vector.load %arg11[%get3A_2019, %get3A_2020, %get3A_2021] : memref<32x226x96xf32, #tpu.memory_space<vmem>>, vector<1x224x96xf32>
    %get3A_2023 = vector.shape_cast %get3A_2022 : vector<1x224x96xf32> to vector<224x96xf32>
    %swap3A_2024 = arith.constant 0 : index
    %swap3A_2025 = arith.constant 1024 : index
    %swap3A_2026 = vector.load %arg13[%swap3A_2024, %swap3A_2025] : memref<1344x1152xf32, #tpu.memory_space<vmem>>, vector<224x96xf32>
    tpu.vector_store %arg13[%swap3A_2024, %swap3A_2025], %get3A_2023 {strides = array<i32>} : memref<1344x1152xf32, #tpu.memory_space<vmem>>, vector<224x96xf32>,
    %get3A_2027 = arith.constant 25 : index
    %get3A_2028 = arith.constant 0 : index
    %get3A_2029 = arith.constant 0 : index
    %get3A_2030 = vector.load %arg11[%get3A_2027, %get3A_2028, %get3A_2029] : memref<32x226x96xf32, #tpu.memory_space<vmem>>, vector<1x224x96xf32>
    %get3A_2031 = vector.shape_cast %get3A_2030 : vector<1x224x96xf32> to vector<224x96xf32>
    %swap3A_2032 = arith.constant 224 : index
    %swap3A_2033 = arith.constant 0 : index
    %swap3A_2034 = vector.load %arg13[%swap3A_2032, %swap3A_2033] : memref<1344x1152xf32, #tpu.memory_space<vmem>>, vector<224x96xf32>
    tpu.vector_store %arg13[%swap3A_2032, %swap3A_2033], %get3A_2031 {strides = array<i32>} : memref<1344x1152xf32, #tpu.memory_space<vmem>>, vector<224x96xf32>,
    %get3A_2035 = arith.constant 25 : index
    %get3A_2036 = arith.constant 1 : index
    %get3A_2037 = arith.constant 0 : index
    %get3A_2038 = vector.load %arg11[%get3A_2035, %get3A_2036, %get3A_2037] : memref<32x226x96xf32, #tpu.memory_space<vmem>>, vector<1x224x96xf32>
    %get3A_2039 = vector.shape_cast %get3A_2038 : vector<1x224x96xf32> to vector<224x96xf32>
    %swap3A_2040 = arith.constant 224 : index
    %swap3A_2041 = arith.constant 128 : index
    %swap3A_2042 = vector.load %arg13[%swap3A_2040, %swap3A_2041] : memref<1344x1152xf32, #tpu.memory_space<vmem>>, vector<224x96xf32>
    tpu.vector_store %arg13[%swap3A_2040, %swap3A_2041], %get3A_2039 {strides = array<i32>} : memref<1344x1152xf32, #tpu.memory_space<vmem>>, vector<224x96xf32>,
    %get3A_2043 = arith.constant 25 : index
    %get3A_2044 = arith.constant 2 : index
    %get3A_2045 = arith.constant 0 : index
    %get3A_2046 = vector.load %arg11[%get3A_2043, %get3A_2044, %get3A_2045] : memref<32x226x96xf32, #tpu.memory_space<vmem>>, vector<1x224x96xf32>
    %get3A_2047 = vector.shape_cast %get3A_2046 : vector<1x224x96xf32> to vector<224x96xf32>
    %swap3A_2048 = arith.constant 224 : index
    %swap3A_2049 = arith.constant 256 : index
    %swap3A_2050 = vector.load %arg13[%swap3A_2048, %swap3A_2049] : memref<1344x1152xf32, #tpu.memory_space<vmem>>, vector<224x96xf32>
    tpu.vector_store %arg13[%swap3A_2048, %swap3A_2049], %get3A_2047 {strides = array<i32>} : memref<1344x1152xf32, #tpu.memory_space<vmem>>, vector<224x96xf32>,
    %get3A_2051 = arith.constant 26 : index
    %get3A_2052 = arith.constant 0 : index
    %get3A_2053 = arith.constant 0 : index
    %get3A_2054 = vector.load %arg11[%get3A_2051, %get3A_2052, %get3A_2053] : memref<32x226x96xf32, #tpu.memory_space<vmem>>, vector<1x224x96xf32>
    %get3A_2055 = vector.shape_cast %get3A_2054 : vector<1x224x96xf32> to vector<224x96xf32>
    %swap3A_2056 = arith.constant 224 : index
    %swap3A_2057 = arith.constant 384 : index
    %swap3A_2058 = vector.load %arg13[%swap3A_2056, %swap3A_2057] : memref<1344x1152xf32, #tpu.memory_space<vmem>>, vector<224x96xf32>
    tpu.vector_store %arg13[%swap3A_2056, %swap3A_2057], %get3A_2055 {strides = array<i32>} : memref<1344x1152xf32, #tpu.memory_space<vmem>>, vector<224x96xf32>,
    %get3A_2059 = arith.constant 26 : index
    %get3A_2060 = arith.constant 1 : index
    %get3A_2061 = arith.constant 0 : index
    %get3A_2062 = vector.load %arg11[%get3A_2059, %get3A_2060, %get3A_2061] : memref<32x226x96xf32, #tpu.memory_space<vmem>>, vector<1x224x96xf32>
    %get3A_2063 = vector.shape_cast %get3A_2062 : vector<1x224x96xf32> to vector<224x96xf32>
    %swap3A_2064 = arith.constant 224 : index
    %swap3A_2065 = arith.constant 512 : index
    %swap3A_2066 = vector.load %arg13[%swap3A_2064, %swap3A_2065] : memref<1344x1152xf32, #tpu.memory_space<vmem>>, vector<224x96xf32>
    tpu.vector_store %arg13[%swap3A_2064, %swap3A_2065], %get3A_2063 {strides = array<i32>} : memref<1344x1152xf32, #tpu.memory_space<vmem>>, vector<224x96xf32>,
    %get3A_2067 = arith.constant 26 : index
    %get3A_2068 = arith.constant 2 : index
    %get3A_2069 = arith.constant 0 : index
    %get3A_2070 = vector.load %arg11[%get3A_2067, %get3A_2068, %get3A_2069] : memref<32x226x96xf32, #tpu.memory_space<vmem>>, vector<1x224x96xf32>
    %get3A_2071 = vector.shape_cast %get3A_2070 : vector<1x224x96xf32> to vector<224x96xf32>
    %swap3A_2072 = arith.constant 224 : index
    %swap3A_2073 = arith.constant 640 : index
    %swap3A_2074 = vector.load %arg13[%swap3A_2072, %swap3A_2073] : memref<1344x1152xf32, #tpu.memory_space<vmem>>, vector<224x96xf32>
    tpu.vector_store %arg13[%swap3A_2072, %swap3A_2073], %get3A_2071 {strides = array<i32>} : memref<1344x1152xf32, #tpu.memory_space<vmem>>, vector<224x96xf32>,
    %get3A_2075 = arith.constant 27 : index
    %get3A_2076 = arith.constant 0 : index
    %get3A_2077 = arith.constant 0 : index
    %get3A_2078 = vector.load %arg11[%get3A_2075, %get3A_2076, %get3A_2077] : memref<32x226x96xf32, #tpu.memory_space<vmem>>, vector<1x224x96xf32>
    %get3A_2079 = vector.shape_cast %get3A_2078 : vector<1x224x96xf32> to vector<224x96xf32>
    %swap3A_2080 = arith.constant 224 : index
    %swap3A_2081 = arith.constant 768 : index
    %swap3A_2082 = vector.load %arg13[%swap3A_2080, %swap3A_2081] : memref<1344x1152xf32, #tpu.memory_space<vmem>>, vector<224x96xf32>
    tpu.vector_store %arg13[%swap3A_2080, %swap3A_2081], %get3A_2079 {strides = array<i32>} : memref<1344x1152xf32, #tpu.memory_space<vmem>>, vector<224x96xf32>,
    %get3A_2083 = arith.constant 27 : index
    %get3A_2084 = arith.constant 1 : index
    %get3A_2085 = arith.constant 0 : index
    %get3A_2086 = vector.load %arg11[%get3A_2083, %get3A_2084, %get3A_2085] : memref<32x226x96xf32, #tpu.memory_space<vmem>>, vector<1x224x96xf32>
    %get3A_2087 = vector.shape_cast %get3A_2086 : vector<1x224x96xf32> to vector<224x96xf32>
    %swap3A_2088 = arith.constant 224 : index
    %swap3A_2089 = arith.constant 896 : index
    %swap3A_2090 = vector.load %arg13[%swap3A_2088, %swap3A_2089] : memref<1344x1152xf32, #tpu.memory_space<vmem>>, vector<224x96xf32>
    tpu.vector_store %arg13[%swap3A_2088, %swap3A_2089], %get3A_2087 {strides = array<i32>} : memref<1344x1152xf32, #tpu.memory_space<vmem>>, vector<224x96xf32>,
    %get3A_2091 = arith.constant 27 : index
    %get3A_2092 = arith.constant 2 : index
    %get3A_2093 = arith.constant 0 : index
    %get3A_2094 = vector.load %arg11[%get3A_2091, %get3A_2092, %get3A_2093] : memref<32x226x96xf32, #tpu.memory_space<vmem>>, vector<1x224x96xf32>
    %get3A_2095 = vector.shape_cast %get3A_2094 : vector<1x224x96xf32> to vector<224x96xf32>
    %swap3A_2096 = arith.constant 224 : index
    %swap3A_2097 = arith.constant 1024 : index
    %swap3A_2098 = vector.load %arg13[%swap3A_2096, %swap3A_2097] : memref<1344x1152xf32, #tpu.memory_space<vmem>>, vector<224x96xf32>
    tpu.vector_store %arg13[%swap3A_2096, %swap3A_2097], %get3A_2095 {strides = array<i32>} : memref<1344x1152xf32, #tpu.memory_space<vmem>>, vector<224x96xf32>,
    %get3A_2099 = arith.constant 26 : index
    %get3A_2100 = arith.constant 0 : index
    %get3A_2101 = arith.constant 0 : index
    %get3A_2102 = vector.load %arg11[%get3A_2099, %get3A_2100, %get3A_2101] : memref<32x226x96xf32, #tpu.memory_space<vmem>>, vector<1x224x96xf32>
    %get3A_2103 = vector.shape_cast %get3A_2102 : vector<1x224x96xf32> to vector<224x96xf32>
    %swap3A_2104 = arith.constant 448 : index
    %swap3A_2105 = arith.constant 0 : index
    %swap3A_2106 = vector.load %arg13[%swap3A_2104, %swap3A_2105] : memref<1344x1152xf32, #tpu.memory_space<vmem>>, vector<224x96xf32>
    tpu.vector_store %arg13[%swap3A_2104, %swap3A_2105], %get3A_2103 {strides = array<i32>} : memref<1344x1152xf32, #tpu.memory_space<vmem>>, vector<224x96xf32>,
    %get3A_2107 = arith.constant 26 : index
    %get3A_2108 = arith.constant 1 : index
    %get3A_2109 = arith.constant 0 : index
    %get3A_2110 = vector.load %arg11[%get3A_2107, %get3A_2108, %get3A_2109] : memref<32x226x96xf32, #tpu.memory_space<vmem>>, vector<1x224x96xf32>
    %get3A_2111 = vector.shape_cast %get3A_2110 : vector<1x224x96xf32> to vector<224x96xf32>
    %swap3A_2112 = arith.constant 448 : index
    %swap3A_2113 = arith.constant 128 : index
    %swap3A_2114 = vector.load %arg13[%swap3A_2112, %swap3A_2113] : memref<1344x1152xf32, #tpu.memory_space<vmem>>, vector<224x96xf32>
    tpu.vector_store %arg13[%swap3A_2112, %swap3A_2113], %get3A_2111 {strides = array<i32>} : memref<1344x1152xf32, #tpu.memory_space<vmem>>, vector<224x96xf32>,
    %get3A_2115 = arith.constant 26 : index
    %get3A_2116 = arith.constant 2 : index
    %get3A_2117 = arith.constant 0 : index
    %get3A_2118 = vector.load %arg11[%get3A_2115, %get3A_2116, %get3A_2117] : memref<32x226x96xf32, #tpu.memory_space<vmem>>, vector<1x224x96xf32>
    %get3A_2119 = vector.shape_cast %get3A_2118 : vector<1x224x96xf32> to vector<224x96xf32>
    %swap3A_2120 = arith.constant 448 : index
    %swap3A_2121 = arith.constant 256 : index
    %swap3A_2122 = vector.load %arg13[%swap3A_2120, %swap3A_2121] : memref<1344x1152xf32, #tpu.memory_space<vmem>>, vector<224x96xf32>
    tpu.vector_store %arg13[%swap3A_2120, %swap3A_2121], %get3A_2119 {strides = array<i32>} : memref<1344x1152xf32, #tpu.memory_space<vmem>>, vector<224x96xf32>,
    %get3A_2123 = arith.constant 27 : index
    %get3A_2124 = arith.constant 0 : index
    %get3A_2125 = arith.constant 0 : index
    %get3A_2126 = vector.load %arg11[%get3A_2123, %get3A_2124, %get3A_2125] : memref<32x226x96xf32, #tpu.memory_space<vmem>>, vector<1x224x96xf32>
    %get3A_2127 = vector.shape_cast %get3A_2126 : vector<1x224x96xf32> to vector<224x96xf32>
    %swap3A_2128 = arith.constant 448 : index
    %swap3A_2129 = arith.constant 384 : index
    %swap3A_2130 = vector.load %arg13[%swap3A_2128, %swap3A_2129] : memref<1344x1152xf32, #tpu.memory_space<vmem>>, vector<224x96xf32>
    tpu.vector_store %arg13[%swap3A_2128, %swap3A_2129], %get3A_2127 {strides = array<i32>} : memref<1344x1152xf32, #tpu.memory_space<vmem>>, vector<224x96xf32>,
    %get3A_2131 = arith.constant 27 : index
    %get3A_2132 = arith.constant 1 : index
    %get3A_2133 = arith.constant 0 : index
    %get3A_2134 = vector.load %arg11[%get3A_2131, %get3A_2132, %get3A_2133] : memref<32x226x96xf32, #tpu.memory_space<vmem>>, vector<1x224x96xf32>
    %get3A_2135 = vector.shape_cast %get3A_2134 : vector<1x224x96xf32> to vector<224x96xf32>
    %swap3A_2136 = arith.constant 448 : index
    %swap3A_2137 = arith.constant 512 : index
    %swap3A_2138 = vector.load %arg13[%swap3A_2136, %swap3A_2137] : memref<1344x1152xf32, #tpu.memory_space<vmem>>, vector<224x96xf32>
    tpu.vector_store %arg13[%swap3A_2136, %swap3A_2137], %get3A_2135 {strides = array<i32>} : memref<1344x1152xf32, #tpu.memory_space<vmem>>, vector<224x96xf32>,
    %get3A_2139 = arith.constant 27 : index
    %get3A_2140 = arith.constant 2 : index
    %get3A_2141 = arith.constant 0 : index
    %get3A_2142 = vector.load %arg11[%get3A_2139, %get3A_2140, %get3A_2141] : memref<32x226x96xf32, #tpu.memory_space<vmem>>, vector<1x224x96xf32>
    %get3A_2143 = vector.shape_cast %get3A_2142 : vector<1x224x96xf32> to vector<224x96xf32>
    %swap3A_2144 = arith.constant 448 : index
    %swap3A_2145 = arith.constant 640 : index
    %swap3A_2146 = vector.load %arg13[%swap3A_2144, %swap3A_2145] : memref<1344x1152xf32, #tpu.memory_space<vmem>>, vector<224x96xf32>
    tpu.vector_store %arg13[%swap3A_2144, %swap3A_2145], %get3A_2143 {strides = array<i32>} : memref<1344x1152xf32, #tpu.memory_space<vmem>>, vector<224x96xf32>,
    %get3A_2147 = arith.constant 28 : index
    %get3A_2148 = arith.constant 0 : index
    %get3A_2149 = arith.constant 0 : index
    %get3A_2150 = vector.load %arg11[%get3A_2147, %get3A_2148, %get3A_2149] : memref<32x226x96xf32, #tpu.memory_space<vmem>>, vector<1x224x96xf32>
    %get3A_2151 = vector.shape_cast %get3A_2150 : vector<1x224x96xf32> to vector<224x96xf32>
    %swap3A_2152 = arith.constant 448 : index
    %swap3A_2153 = arith.constant 768 : index
    %swap3A_2154 = vector.load %arg13[%swap3A_2152, %swap3A_2153] : memref<1344x1152xf32, #tpu.memory_space<vmem>>, vector<224x96xf32>
    tpu.vector_store %arg13[%swap3A_2152, %swap3A_2153], %get3A_2151 {strides = array<i32>} : memref<1344x1152xf32, #tpu.memory_space<vmem>>, vector<224x96xf32>,
    %get3A_2155 = arith.constant 28 : index
    %get3A_2156 = arith.constant 1 : index
    %get3A_2157 = arith.constant 0 : index
    %get3A_2158 = vector.load %arg11[%get3A_2155, %get3A_2156, %get3A_2157] : memref<32x226x96xf32, #tpu.memory_space<vmem>>, vector<1x224x96xf32>
    %get3A_2159 = vector.shape_cast %get3A_2158 : vector<1x224x96xf32> to vector<224x96xf32>
    %swap3A_2160 = arith.constant 448 : index
    %swap3A_2161 = arith.constant 896 : index
    %swap3A_2162 = vector.load %arg13[%swap3A_2160, %swap3A_2161] : memref<1344x1152xf32, #tpu.memory_space<vmem>>, vector<224x96xf32>
    tpu.vector_store %arg13[%swap3A_2160, %swap3A_2161], %get3A_2159 {strides = array<i32>} : memref<1344x1152xf32, #tpu.memory_space<vmem>>, vector<224x96xf32>,
    %get3A_2163 = arith.constant 28 : index
    %get3A_2164 = arith.constant 2 : index
    %get3A_2165 = arith.constant 0 : index
    %get3A_2166 = vector.load %arg11[%get3A_2163, %get3A_2164, %get3A_2165] : memref<32x226x96xf32, #tpu.memory_space<vmem>>, vector<1x224x96xf32>
    %get3A_2167 = vector.shape_cast %get3A_2166 : vector<1x224x96xf32> to vector<224x96xf32>
    %swap3A_2168 = arith.constant 448 : index
    %swap3A_2169 = arith.constant 1024 : index
    %swap3A_2170 = vector.load %arg13[%swap3A_2168, %swap3A_2169] : memref<1344x1152xf32, #tpu.memory_space<vmem>>, vector<224x96xf32>
    tpu.vector_store %arg13[%swap3A_2168, %swap3A_2169], %get3A_2167 {strides = array<i32>} : memref<1344x1152xf32, #tpu.memory_space<vmem>>, vector<224x96xf32>,
    %get3A_2171 = arith.constant 27 : index
    %get3A_2172 = arith.constant 0 : index
    %get3A_2173 = arith.constant 0 : index
    %get3A_2174 = vector.load %arg11[%get3A_2171, %get3A_2172, %get3A_2173] : memref<32x226x96xf32, #tpu.memory_space<vmem>>, vector<1x224x96xf32>
    %get3A_2175 = vector.shape_cast %get3A_2174 : vector<1x224x96xf32> to vector<224x96xf32>
    %swap3A_2176 = arith.constant 672 : index
    %swap3A_2177 = arith.constant 0 : index
    %swap3A_2178 = vector.load %arg13[%swap3A_2176, %swap3A_2177] : memref<1344x1152xf32, #tpu.memory_space<vmem>>, vector<224x96xf32>
    tpu.vector_store %arg13[%swap3A_2176, %swap3A_2177], %get3A_2175 {strides = array<i32>} : memref<1344x1152xf32, #tpu.memory_space<vmem>>, vector<224x96xf32>,
    %get3A_2179 = arith.constant 27 : index
    %get3A_2180 = arith.constant 1 : index
    %get3A_2181 = arith.constant 0 : index
    %get3A_2182 = vector.load %arg11[%get3A_2179, %get3A_2180, %get3A_2181] : memref<32x226x96xf32, #tpu.memory_space<vmem>>, vector<1x224x96xf32>
    %get3A_2183 = vector.shape_cast %get3A_2182 : vector<1x224x96xf32> to vector<224x96xf32>
    %swap3A_2184 = arith.constant 672 : index
    %swap3A_2185 = arith.constant 128 : index
    %swap3A_2186 = vector.load %arg13[%swap3A_2184, %swap3A_2185] : memref<1344x1152xf32, #tpu.memory_space<vmem>>, vector<224x96xf32>
    tpu.vector_store %arg13[%swap3A_2184, %swap3A_2185], %get3A_2183 {strides = array<i32>} : memref<1344x1152xf32, #tpu.memory_space<vmem>>, vector<224x96xf32>,
    %get3A_2187 = arith.constant 27 : index
    %get3A_2188 = arith.constant 2 : index
    %get3A_2189 = arith.constant 0 : index
    %get3A_2190 = vector.load %arg11[%get3A_2187, %get3A_2188, %get3A_2189] : memref<32x226x96xf32, #tpu.memory_space<vmem>>, vector<1x224x96xf32>
    %get3A_2191 = vector.shape_cast %get3A_2190 : vector<1x224x96xf32> to vector<224x96xf32>
    %swap3A_2192 = arith.constant 672 : index
    %swap3A_2193 = arith.constant 256 : index
    %swap3A_2194 = vector.load %arg13[%swap3A_2192, %swap3A_2193] : memref<1344x1152xf32, #tpu.memory_space<vmem>>, vector<224x96xf32>
    tpu.vector_store %arg13[%swap3A_2192, %swap3A_2193], %get3A_2191 {strides = array<i32>} : memref<1344x1152xf32, #tpu.memory_space<vmem>>, vector<224x96xf32>,
    %get3A_2195 = arith.constant 28 : index
    %get3A_2196 = arith.constant 0 : index
    %get3A_2197 = arith.constant 0 : index
    %get3A_2198 = vector.load %arg11[%get3A_2195, %get3A_2196, %get3A_2197] : memref<32x226x96xf32, #tpu.memory_space<vmem>>, vector<1x224x96xf32>
    %get3A_2199 = vector.shape_cast %get3A_2198 : vector<1x224x96xf32> to vector<224x96xf32>
    %swap3A_2200 = arith.constant 672 : index
    %swap3A_2201 = arith.constant 384 : index
    %swap3A_2202 = vector.load %arg13[%swap3A_2200, %swap3A_2201] : memref<1344x1152xf32, #tpu.memory_space<vmem>>, vector<224x96xf32>
    tpu.vector_store %arg13[%swap3A_2200, %swap3A_2201], %get3A_2199 {strides = array<i32>} : memref<1344x1152xf32, #tpu.memory_space<vmem>>, vector<224x96xf32>,
    %get3A_2203 = arith.constant 28 : index
    %get3A_2204 = arith.constant 1 : index
    %get3A_2205 = arith.constant 0 : index
    %get3A_2206 = vector.load %arg11[%get3A_2203, %get3A_2204, %get3A_2205] : memref<32x226x96xf32, #tpu.memory_space<vmem>>, vector<1x224x96xf32>
    %get3A_2207 = vector.shape_cast %get3A_2206 : vector<1x224x96xf32> to vector<224x96xf32>
    %swap3A_2208 = arith.constant 672 : index
    %swap3A_2209 = arith.constant 512 : index
    %swap3A_2210 = vector.load %arg13[%swap3A_2208, %swap3A_2209] : memref<1344x1152xf32, #tpu.memory_space<vmem>>, vector<224x96xf32>
    tpu.vector_store %arg13[%swap3A_2208, %swap3A_2209], %get3A_2207 {strides = array<i32>} : memref<1344x1152xf32, #tpu.memory_space<vmem>>, vector<224x96xf32>,
    %get3A_2211 = arith.constant 28 : index
    %get3A_2212 = arith.constant 2 : index
    %get3A_2213 = arith.constant 0 : index
    %get3A_2214 = vector.load %arg11[%get3A_2211, %get3A_2212, %get3A_2213] : memref<32x226x96xf32, #tpu.memory_space<vmem>>, vector<1x224x96xf32>
    %get3A_2215 = vector.shape_cast %get3A_2214 : vector<1x224x96xf32> to vector<224x96xf32>
    %swap3A_2216 = arith.constant 672 : index
    %swap3A_2217 = arith.constant 640 : index
    %swap3A_2218 = vector.load %arg13[%swap3A_2216, %swap3A_2217] : memref<1344x1152xf32, #tpu.memory_space<vmem>>, vector<224x96xf32>
    tpu.vector_store %arg13[%swap3A_2216, %swap3A_2217], %get3A_2215 {strides = array<i32>} : memref<1344x1152xf32, #tpu.memory_space<vmem>>, vector<224x96xf32>,
    %get3A_2219 = arith.constant 29 : index
    %get3A_2220 = arith.constant 0 : index
    %get3A_2221 = arith.constant 0 : index
    %get3A_2222 = vector.load %arg11[%get3A_2219, %get3A_2220, %get3A_2221] : memref<32x226x96xf32, #tpu.memory_space<vmem>>, vector<1x224x96xf32>
    %get3A_2223 = vector.shape_cast %get3A_2222 : vector<1x224x96xf32> to vector<224x96xf32>
    %swap3A_2224 = arith.constant 672 : index
    %swap3A_2225 = arith.constant 768 : index
    %swap3A_2226 = vector.load %arg13[%swap3A_2224, %swap3A_2225] : memref<1344x1152xf32, #tpu.memory_space<vmem>>, vector<224x96xf32>
    tpu.vector_store %arg13[%swap3A_2224, %swap3A_2225], %get3A_2223 {strides = array<i32>} : memref<1344x1152xf32, #tpu.memory_space<vmem>>, vector<224x96xf32>,
    %get3A_2227 = arith.constant 29 : index
    %get3A_2228 = arith.constant 1 : index
    %get3A_2229 = arith.constant 0 : index
    %get3A_2230 = vector.load %arg11[%get3A_2227, %get3A_2228, %get3A_2229] : memref<32x226x96xf32, #tpu.memory_space<vmem>>, vector<1x224x96xf32>
    %get3A_2231 = vector.shape_cast %get3A_2230 : vector<1x224x96xf32> to vector<224x96xf32>
    %swap3A_2232 = arith.constant 672 : index
    %swap3A_2233 = arith.constant 896 : index
    %swap3A_2234 = vector.load %arg13[%swap3A_2232, %swap3A_2233] : memref<1344x1152xf32, #tpu.memory_space<vmem>>, vector<224x96xf32>
    tpu.vector_store %arg13[%swap3A_2232, %swap3A_2233], %get3A_2231 {strides = array<i32>} : memref<1344x1152xf32, #tpu.memory_space<vmem>>, vector<224x96xf32>,
    %get3A_2235 = arith.constant 29 : index
    %get3A_2236 = arith.constant 2 : index
    %get3A_2237 = arith.constant 0 : index
    %get3A_2238 = vector.load %arg11[%get3A_2235, %get3A_2236, %get3A_2237] : memref<32x226x96xf32, #tpu.memory_space<vmem>>, vector<1x224x96xf32>
    %get3A_2239 = vector.shape_cast %get3A_2238 : vector<1x224x96xf32> to vector<224x96xf32>
    %swap3A_2240 = arith.constant 672 : index
    %swap3A_2241 = arith.constant 1024 : index
    %swap3A_2242 = vector.load %arg13[%swap3A_2240, %swap3A_2241] : memref<1344x1152xf32, #tpu.memory_space<vmem>>, vector<224x96xf32>
    tpu.vector_store %arg13[%swap3A_2240, %swap3A_2241], %get3A_2239 {strides = array<i32>} : memref<1344x1152xf32, #tpu.memory_space<vmem>>, vector<224x96xf32>,
    %get3A_2243 = arith.constant 28 : index
    %get3A_2244 = arith.constant 0 : index
    %get3A_2245 = arith.constant 0 : index
    %get3A_2246 = vector.load %arg11[%get3A_2243, %get3A_2244, %get3A_2245] : memref<32x226x96xf32, #tpu.memory_space<vmem>>, vector<1x224x96xf32>
    %get3A_2247 = vector.shape_cast %get3A_2246 : vector<1x224x96xf32> to vector<224x96xf32>
    %swap3A_2248 = arith.constant 896 : index
    %swap3A_2249 = arith.constant 0 : index
    %swap3A_2250 = vector.load %arg13[%swap3A_2248, %swap3A_2249] : memref<1344x1152xf32, #tpu.memory_space<vmem>>, vector<224x96xf32>
    tpu.vector_store %arg13[%swap3A_2248, %swap3A_2249], %get3A_2247 {strides = array<i32>} : memref<1344x1152xf32, #tpu.memory_space<vmem>>, vector<224x96xf32>,
    %get3A_2251 = arith.constant 28 : index
    %get3A_2252 = arith.constant 1 : index
    %get3A_2253 = arith.constant 0 : index
    %get3A_2254 = vector.load %arg11[%get3A_2251, %get3A_2252, %get3A_2253] : memref<32x226x96xf32, #tpu.memory_space<vmem>>, vector<1x224x96xf32>
    %get3A_2255 = vector.shape_cast %get3A_2254 : vector<1x224x96xf32> to vector<224x96xf32>
    %swap3A_2256 = arith.constant 896 : index
    %swap3A_2257 = arith.constant 128 : index
    %swap3A_2258 = vector.load %arg13[%swap3A_2256, %swap3A_2257] : memref<1344x1152xf32, #tpu.memory_space<vmem>>, vector<224x96xf32>
    tpu.vector_store %arg13[%swap3A_2256, %swap3A_2257], %get3A_2255 {strides = array<i32>} : memref<1344x1152xf32, #tpu.memory_space<vmem>>, vector<224x96xf32>,
    %get3A_2259 = arith.constant 28 : index
    %get3A_2260 = arith.constant 2 : index
    %get3A_2261 = arith.constant 0 : index
    %get3A_2262 = vector.load %arg11[%get3A_2259, %get3A_2260, %get3A_2261] : memref<32x226x96xf32, #tpu.memory_space<vmem>>, vector<1x224x96xf32>
    %get3A_2263 = vector.shape_cast %get3A_2262 : vector<1x224x96xf32> to vector<224x96xf32>
    %swap3A_2264 = arith.constant 896 : index
    %swap3A_2265 = arith.constant 256 : index
    %swap3A_2266 = vector.load %arg13[%swap3A_2264, %swap3A_2265] : memref<1344x1152xf32, #tpu.memory_space<vmem>>, vector<224x96xf32>
    tpu.vector_store %arg13[%swap3A_2264, %swap3A_2265], %get3A_2263 {strides = array<i32>} : memref<1344x1152xf32, #tpu.memory_space<vmem>>, vector<224x96xf32>,
    %get3A_2267 = arith.constant 29 : index
    %get3A_2268 = arith.constant 0 : index
    %get3A_2269 = arith.constant 0 : index
    %get3A_2270 = vector.load %arg11[%get3A_2267, %get3A_2268, %get3A_2269] : memref<32x226x96xf32, #tpu.memory_space<vmem>>, vector<1x224x96xf32>
    %get3A_2271 = vector.shape_cast %get3A_2270 : vector<1x224x96xf32> to vector<224x96xf32>
    %swap3A_2272 = arith.constant 896 : index
    %swap3A_2273 = arith.constant 384 : index
    %swap3A_2274 = vector.load %arg13[%swap3A_2272, %swap3A_2273] : memref<1344x1152xf32, #tpu.memory_space<vmem>>, vector<224x96xf32>
    tpu.vector_store %arg13[%swap3A_2272, %swap3A_2273], %get3A_2271 {strides = array<i32>} : memref<1344x1152xf32, #tpu.memory_space<vmem>>, vector<224x96xf32>,
    %get3A_2275 = arith.constant 29 : index
    %get3A_2276 = arith.constant 1 : index
    %get3A_2277 = arith.constant 0 : index
    %get3A_2278 = vector.load %arg11[%get3A_2275, %get3A_2276, %get3A_2277] : memref<32x226x96xf32, #tpu.memory_space<vmem>>, vector<1x224x96xf32>
    %get3A_2279 = vector.shape_cast %get3A_2278 : vector<1x224x96xf32> to vector<224x96xf32>
    %swap3A_2280 = arith.constant 896 : index
    %swap3A_2281 = arith.constant 512 : index
    %swap3A_2282 = vector.load %arg13[%swap3A_2280, %swap3A_2281] : memref<1344x1152xf32, #tpu.memory_space<vmem>>, vector<224x96xf32>
    tpu.vector_store %arg13[%swap3A_2280, %swap3A_2281], %get3A_2279 {strides = array<i32>} : memref<1344x1152xf32, #tpu.memory_space<vmem>>, vector<224x96xf32>,
    %get3A_2283 = arith.constant 29 : index
    %get3A_2284 = arith.constant 2 : index
    %get3A_2285 = arith.constant 0 : index
    %get3A_2286 = vector.load %arg11[%get3A_2283, %get3A_2284, %get3A_2285] : memref<32x226x96xf32, #tpu.memory_space<vmem>>, vector<1x224x96xf32>
    %get3A_2287 = vector.shape_cast %get3A_2286 : vector<1x224x96xf32> to vector<224x96xf32>
    %swap3A_2288 = arith.constant 896 : index
    %swap3A_2289 = arith.constant 640 : index
    %swap3A_2290 = vector.load %arg13[%swap3A_2288, %swap3A_2289] : memref<1344x1152xf32, #tpu.memory_space<vmem>>, vector<224x96xf32>
    tpu.vector_store %arg13[%swap3A_2288, %swap3A_2289], %get3A_2287 {strides = array<i32>} : memref<1344x1152xf32, #tpu.memory_space<vmem>>, vector<224x96xf32>,
    %get3A_2291 = arith.constant 30 : index
    %get3A_2292 = arith.constant 0 : index
    %get3A_2293 = arith.constant 0 : index
    %get3A_2294 = vector.load %arg11[%get3A_2291, %get3A_2292, %get3A_2293] : memref<32x226x96xf32, #tpu.memory_space<vmem>>, vector<1x224x96xf32>
    %get3A_2295 = vector.shape_cast %get3A_2294 : vector<1x224x96xf32> to vector<224x96xf32>
    %swap3A_2296 = arith.constant 896 : index
    %swap3A_2297 = arith.constant 768 : index
    %swap3A_2298 = vector.load %arg13[%swap3A_2296, %swap3A_2297] : memref<1344x1152xf32, #tpu.memory_space<vmem>>, vector<224x96xf32>
    tpu.vector_store %arg13[%swap3A_2296, %swap3A_2297], %get3A_2295 {strides = array<i32>} : memref<1344x1152xf32, #tpu.memory_space<vmem>>, vector<224x96xf32>,
    %get3A_2299 = arith.constant 30 : index
    %get3A_2300 = arith.constant 1 : index
    %get3A_2301 = arith.constant 0 : index
    %get3A_2302 = vector.load %arg11[%get3A_2299, %get3A_2300, %get3A_2301] : memref<32x226x96xf32, #tpu.memory_space<vmem>>, vector<1x224x96xf32>
    %get3A_2303 = vector.shape_cast %get3A_2302 : vector<1x224x96xf32> to vector<224x96xf32>
    %swap3A_2304 = arith.constant 896 : index
    %swap3A_2305 = arith.constant 896 : index
    %swap3A_2306 = vector.load %arg13[%swap3A_2304, %swap3A_2305] : memref<1344x1152xf32, #tpu.memory_space<vmem>>, vector<224x96xf32>
    tpu.vector_store %arg13[%swap3A_2304, %swap3A_2305], %get3A_2303 {strides = array<i32>} : memref<1344x1152xf32, #tpu.memory_space<vmem>>, vector<224x96xf32>,
    %get3A_2307 = arith.constant 30 : index
    %get3A_2308 = arith.constant 2 : index
    %get3A_2309 = arith.constant 0 : index
    %get3A_2310 = vector.load %arg11[%get3A_2307, %get3A_2308, %get3A_2309] : memref<32x226x96xf32, #tpu.memory_space<vmem>>, vector<1x224x96xf32>
    %get3A_2311 = vector.shape_cast %get3A_2310 : vector<1x224x96xf32> to vector<224x96xf32>
    %swap3A_2312 = arith.constant 896 : index
    %swap3A_2313 = arith.constant 1024 : index
    %swap3A_2314 = vector.load %arg13[%swap3A_2312, %swap3A_2313] : memref<1344x1152xf32, #tpu.memory_space<vmem>>, vector<224x96xf32>
    tpu.vector_store %arg13[%swap3A_2312, %swap3A_2313], %get3A_2311 {strides = array<i32>} : memref<1344x1152xf32, #tpu.memory_space<vmem>>, vector<224x96xf32>,
    %get3A_2315 = arith.constant 29 : index
    %get3A_2316 = arith.constant 0 : index
    %get3A_2317 = arith.constant 0 : index
    %get3A_2318 = vector.load %arg11[%get3A_2315, %get3A_2316, %get3A_2317] : memref<32x226x96xf32, #tpu.memory_space<vmem>>, vector<1x224x96xf32>
    %get3A_2319 = vector.shape_cast %get3A_2318 : vector<1x224x96xf32> to vector<224x96xf32>
    %swap3A_2320 = arith.constant 1120 : index
    %swap3A_2321 = arith.constant 0 : index
    %swap3A_2322 = vector.load %arg13[%swap3A_2320, %swap3A_2321] : memref<1344x1152xf32, #tpu.memory_space<vmem>>, vector<224x96xf32>
    tpu.vector_store %arg13[%swap3A_2320, %swap3A_2321], %get3A_2319 {strides = array<i32>} : memref<1344x1152xf32, #tpu.memory_space<vmem>>, vector<224x96xf32>,
    %get3A_2323 = arith.constant 29 : index
    %get3A_2324 = arith.constant 1 : index
    %get3A_2325 = arith.constant 0 : index
    %get3A_2326 = vector.load %arg11[%get3A_2323, %get3A_2324, %get3A_2325] : memref<32x226x96xf32, #tpu.memory_space<vmem>>, vector<1x224x96xf32>
    %get3A_2327 = vector.shape_cast %get3A_2326 : vector<1x224x96xf32> to vector<224x96xf32>
    %swap3A_2328 = arith.constant 1120 : index
    %swap3A_2329 = arith.constant 128 : index
    %swap3A_2330 = vector.load %arg13[%swap3A_2328, %swap3A_2329] : memref<1344x1152xf32, #tpu.memory_space<vmem>>, vector<224x96xf32>
    tpu.vector_store %arg13[%swap3A_2328, %swap3A_2329], %get3A_2327 {strides = array<i32>} : memref<1344x1152xf32, #tpu.memory_space<vmem>>, vector<224x96xf32>,
    %get3A_2331 = arith.constant 29 : index
    %get3A_2332 = arith.constant 2 : index
    %get3A_2333 = arith.constant 0 : index
    %get3A_2334 = vector.load %arg11[%get3A_2331, %get3A_2332, %get3A_2333] : memref<32x226x96xf32, #tpu.memory_space<vmem>>, vector<1x224x96xf32>
    %get3A_2335 = vector.shape_cast %get3A_2334 : vector<1x224x96xf32> to vector<224x96xf32>
    %swap3A_2336 = arith.constant 1120 : index
    %swap3A_2337 = arith.constant 256 : index
    %swap3A_2338 = vector.load %arg13[%swap3A_2336, %swap3A_2337] : memref<1344x1152xf32, #tpu.memory_space<vmem>>, vector<224x96xf32>
    tpu.vector_store %arg13[%swap3A_2336, %swap3A_2337], %get3A_2335 {strides = array<i32>} : memref<1344x1152xf32, #tpu.memory_space<vmem>>, vector<224x96xf32>,
    %get3A_2339 = arith.constant 30 : index
    %get3A_2340 = arith.constant 0 : index
    %get3A_2341 = arith.constant 0 : index
    %get3A_2342 = vector.load %arg11[%get3A_2339, %get3A_2340, %get3A_2341] : memref<32x226x96xf32, #tpu.memory_space<vmem>>, vector<1x224x96xf32>
    %get3A_2343 = vector.shape_cast %get3A_2342 : vector<1x224x96xf32> to vector<224x96xf32>
    %swap3A_2344 = arith.constant 1120 : index
    %swap3A_2345 = arith.constant 384 : index
    %swap3A_2346 = vector.load %arg13[%swap3A_2344, %swap3A_2345] : memref<1344x1152xf32, #tpu.memory_space<vmem>>, vector<224x96xf32>
    tpu.vector_store %arg13[%swap3A_2344, %swap3A_2345], %get3A_2343 {strides = array<i32>} : memref<1344x1152xf32, #tpu.memory_space<vmem>>, vector<224x96xf32>,
    %get3A_2347 = arith.constant 30 : index
    %get3A_2348 = arith.constant 1 : index
    %get3A_2349 = arith.constant 0 : index
    %get3A_2350 = vector.load %arg11[%get3A_2347, %get3A_2348, %get3A_2349] : memref<32x226x96xf32, #tpu.memory_space<vmem>>, vector<1x224x96xf32>
    %get3A_2351 = vector.shape_cast %get3A_2350 : vector<1x224x96xf32> to vector<224x96xf32>
    %swap3A_2352 = arith.constant 1120 : index
    %swap3A_2353 = arith.constant 512 : index
    %swap3A_2354 = vector.load %arg13[%swap3A_2352, %swap3A_2353] : memref<1344x1152xf32, #tpu.memory_space<vmem>>, vector<224x96xf32>
    tpu.vector_store %arg13[%swap3A_2352, %swap3A_2353], %get3A_2351 {strides = array<i32>} : memref<1344x1152xf32, #tpu.memory_space<vmem>>, vector<224x96xf32>,
    %get3A_2355 = arith.constant 30 : index
    %get3A_2356 = arith.constant 2 : index
    %get3A_2357 = arith.constant 0 : index
    %get3A_2358 = vector.load %arg11[%get3A_2355, %get3A_2356, %get3A_2357] : memref<32x226x96xf32, #tpu.memory_space<vmem>>, vector<1x224x96xf32>
    %get3A_2359 = vector.shape_cast %get3A_2358 : vector<1x224x96xf32> to vector<224x96xf32>
    %swap3A_2360 = arith.constant 1120 : index
    %swap3A_2361 = arith.constant 640 : index
    %swap3A_2362 = vector.load %arg13[%swap3A_2360, %swap3A_2361] : memref<1344x1152xf32, #tpu.memory_space<vmem>>, vector<224x96xf32>
    tpu.vector_store %arg13[%swap3A_2360, %swap3A_2361], %get3A_2359 {strides = array<i32>} : memref<1344x1152xf32, #tpu.memory_space<vmem>>, vector<224x96xf32>,
    %get3A_2363 = arith.constant 31 : index
    %get3A_2364 = arith.constant 0 : index
    %get3A_2365 = arith.constant 0 : index
    %get3A_2366 = vector.load %arg11[%get3A_2363, %get3A_2364, %get3A_2365] : memref<32x226x96xf32, #tpu.memory_space<vmem>>, vector<1x224x96xf32>
    %get3A_2367 = vector.shape_cast %get3A_2366 : vector<1x224x96xf32> to vector<224x96xf32>
    %swap3A_2368 = arith.constant 1120 : index
    %swap3A_2369 = arith.constant 768 : index
    %swap3A_2370 = vector.load %arg13[%swap3A_2368, %swap3A_2369] : memref<1344x1152xf32, #tpu.memory_space<vmem>>, vector<224x96xf32>
    tpu.vector_store %arg13[%swap3A_2368, %swap3A_2369], %get3A_2367 {strides = array<i32>} : memref<1344x1152xf32, #tpu.memory_space<vmem>>, vector<224x96xf32>,
    %get3A_2371 = arith.constant 31 : index
    %get3A_2372 = arith.constant 1 : index
    %get3A_2373 = arith.constant 0 : index
    %get3A_2374 = vector.load %arg11[%get3A_2371, %get3A_2372, %get3A_2373] : memref<32x226x96xf32, #tpu.memory_space<vmem>>, vector<1x224x96xf32>
    %get3A_2375 = vector.shape_cast %get3A_2374 : vector<1x224x96xf32> to vector<224x96xf32>
    %swap3A_2376 = arith.constant 1120 : index
    %swap3A_2377 = arith.constant 896 : index
    %swap3A_2378 = vector.load %arg13[%swap3A_2376, %swap3A_2377] : memref<1344x1152xf32, #tpu.memory_space<vmem>>, vector<224x96xf32>
    tpu.vector_store %arg13[%swap3A_2376, %swap3A_2377], %get3A_2375 {strides = array<i32>} : memref<1344x1152xf32, #tpu.memory_space<vmem>>, vector<224x96xf32>,
    %get3A_2379 = arith.constant 31 : index
    %get3A_2380 = arith.constant 2 : index
    %get3A_2381 = arith.constant 0 : index
    %get3A_2382 = vector.load %arg11[%get3A_2379, %get3A_2380, %get3A_2381] : memref<32x226x96xf32, #tpu.memory_space<vmem>>, vector<1x224x96xf32>
    %get3A_2383 = vector.shape_cast %get3A_2382 : vector<1x224x96xf32> to vector<224x96xf32>
    %swap3A_2384 = arith.constant 1120 : index
    %swap3A_2385 = arith.constant 1024 : index
    %swap3A_2386 = vector.load %arg13[%swap3A_2384, %swap3A_2385] : memref<1344x1152xf32, #tpu.memory_space<vmem>>, vector<224x96xf32>
    tpu.vector_store %arg13[%swap3A_2384, %swap3A_2385], %get3A_2383 {strides = array<i32>} : memref<1344x1152xf32, #tpu.memory_space<vmem>>, vector<224x96xf32>,
    %get3A_2387 = arith.constant 0 : index
    %get3A_2388 = arith.constant 0 : index
    %get3A_2389 = vector.load %arg13[%get3A_2387, %get3A_2388] : memref<1344x1152xf32, #tpu.memory_space<vmem>>, vector<1344x1152xf32>
    %dot_general3A_2390 = arith.constant dense<0.000000e+00> : vector<1344x96xf32>
    %dot_general3A_2391 = tpu.matmul %get3A_2389, %concatenate3A, %dot_general3A_2390 {dimension_numbers = #tpu.dot_dimension_numbers<[1], [0], [0], [1], [0, 0, 1, 1], [], []>, transpose_lhs_hint = false} : vector<1344x1152xf32>, vector<1152x96xf32>, vector<1344x96xf32> -> vector<1344x96xf32>
    %add3A_2392 = vector.broadcast %concatenate3A_50 : vector<1x96xf32> to vector<1344x96xf32>
    %add3A_2393 = arith.addf %dot_general3A_2391, %add3A_2392 : vector<1344x96xf32>
    %logistic3A_2394 = arith.negf %add3A_2393 : vector<1344x96xf32>
    %logistic3A_2395 = math.exp %logistic3A_2394 : vector<1344x96xf32>
    %logistic3A_2396 = arith.constant 1.000000e+00 : f32
    %logistic3A_2397 = vector.broadcast %logistic3A_2396 : f32 to vector<1344x96xf32>
    %logistic3A_2398 = arith.addf %logistic3A_2397, %logistic3A_2395 : vector<1344x96xf32>
    %logistic3A_2399 = arith.divf %logistic3A_2397, %logistic3A_2398 : vector<1344x96xf32>
    %mul3A_2400 = arith.mulf %add3A_2393, %logistic3A_2399 : vector<1344x96xf32>
    %reshape3A_2401 = vector.shape_cast %mul3A_2400 : vector<1344x96xf32> to vector<6x224x96xf32>
    %mul3A_2402 = arith.constant 28 : i32
    %mul3A_2403 = arith.muli %arg1, %mul3A_2402 : i32
    %sub3A_2404 = arith.constant 1 : i32
    %sub3A_2405 = arith.subi %mul3A_2403, %sub3A_2404 : i32
    %add3A_2406 = arith.constant 24 : i32
    %add3A_2407 = arith.addi %sub3A_2405, %add3A_2406 : i32
    %iota3A_2408 = tpu.iota {dimensions = array<i32: 0>} : vector<6x1x1xi32>
    %add3A_2409 = vector.broadcast %add3A_2407 : i32 to vector<6x1x1xi32>
    %add3A_2410 = arith.addi %add3A_2409, %iota3A_2408 : vector<6x1x1xi32>
    %ge3A_2411 = arith.constant 0 : i32
    %ge3A_2412 = vector.broadcast %ge3A_2411 : i32 to vector<6x1x1xi32>
    %ge3A_2413 = arith.cmpi sge, %add3A_2410, %ge3A_2412 : vector<6x1x1xi32>
    %lt3A_2414 = arith.constant 224 : i32
    %lt3A_2415 = vector.broadcast %lt3A_2414 : i32 to vector<6x1x1xi32>
    %lt3A_2416 = arith.cmpi slt, %add3A_2410, %lt3A_2415 : vector<6x1x1xi32>
    %and3A_2417 = arith.andi %ge3A_2413, %lt3A_2416 : vector<6x1x1xi1>
    %jit3A_2418 = arith.constant 0.000000e+00 : f32
    %broadcast_in_dim3A_2419 = vector.shape_cast %and3A_2417 : vector<6x1x1xi1> to vector<6x1x1xi1>
    %broadcast_in_dim3A_2420 = vector.broadcast %broadcast_in_dim3A_2419 : vector<6x1x1xi1> to vector<6x224x96xi1>
    %broadcast_in_dim3A_2421 = vector.broadcast %jit3A_2418 : f32 to vector<6x224x96xf32>
    %select_n3A_2422 = arith.select %broadcast_in_dim3A_2420, %reshape3A_2401, %broadcast_in_dim3A_2421 : vector<6x224x96xi1>, vector<6x224x96xf32>
    %swap3A_2423 = arith.constant 24 : index
    %swap3A_2424 = arith.constant 1 : index
    %swap3A_2425 = arith.constant 0 : index
    %swap3A_2426 = vector.load %arg12[%swap3A_2423, %swap3A_2424, %swap3A_2425] : memref<30x226x96xf32, #tpu.memory_space<vmem>>, vector<6x224x96xf32>
    tpu.vector_store %arg12[%swap3A_2423, %swap3A_2424, %swap3A_2425], %select_n3A_2422 {strides = array<i32>} : memref<30x226x96xf32, #tpu.memory_space<vmem>>, vector<6x224x96xf32>,
    %broadcast_in_dim3A_2427 = arith.constant 0.000000e+00 : f32
    %broadcast_in_dim3A_2428 = vector.broadcast %broadcast_in_dim3A_2427 : f32 to vector<30x96xf32>
    %swap3A_2429 = arith.constant 0 : index
    %swap3A_2430 = arith.constant 0 : index
    %swap3A_2431 = arith.constant 0 : index
    %swap3A_2432 = vector.load %arg12[%swap3A_2429, %swap3A_2430, %swap3A_2431] : memref<30x226x96xf32, #tpu.memory_space<vmem>>, vector<30x1x96xf32>
    %swap3A_2433 = vector.shape_cast %swap3A_2432 : vector<30x1x96xf32> to vector<30x96xf32>
    %swap3A_2434 = vector.shape_cast %broadcast_in_dim3A_2428 : vector<30x96xf32> to vector<30x1x96xf32>
    tpu.vector_store %arg12[%swap3A_2429, %swap3A_2430, %swap3A_2431], %swap3A_2434 {strides = array<i32>} : memref<30x226x96xf32, #tpu.memory_space<vmem>>, vector<30x1x96xf32>,
    %swap3A_2435 = arith.constant 0 : index
    %swap3A_2436 = arith.constant 225 : index
    %swap3A_2437 = arith.constant 0 : index
    %swap3A_2438 = vector.load %arg12[%swap3A_2435, %swap3A_2436, %swap3A_2437] : memref<30x226x96xf32, #tpu.memory_space<vmem>>, vector<30x1x96xf32>
    %swap3A_2439 = vector.shape_cast %swap3A_2438 : vector<30x1x96xf32> to vector<30x96xf32>
    %swap3A_2440 = vector.shape_cast %broadcast_in_dim3A_2428 : vector<30x96xf32> to vector<30x1x96xf32>
    tpu.vector_store %arg12[%swap3A_2435, %swap3A_2436, %swap3A_2437], %swap3A_2440 {strides = array<i32>} : memref<30x226x96xf32, #tpu.memory_space<vmem>>, vector<30x1x96xf32>,
    %get3A_2441 = arith.index_cast %get3A_1 : i32 to index
    %get3A_2442 = arith.constant 0 : index
    %get3A_2443 = arith.constant 0 : index
    %get3A_2444 = vector.load %arg8[%get3A_2441, %get3A_2442, %get3A_2443] : memref<8x9x48xf32, #tpu.memory_space<vmem>>, vector<1x9x48xf32>
    %get3A_2445 = vector.shape_cast %get3A_2444 : vector<1x9x48xf32> to vector<9x48xf32>
    %get3A_2446 = arith.index_cast %get3A_4 : i32 to index
    %get3A_2447 = arith.constant 0 : index
    %get3A_2448 = arith.constant 0 : index
    %get3A_2449 = vector.load %arg8[%get3A_2446, %get3A_2447, %get3A_2448] : memref<8x9x48xf32, #tpu.memory_space<vmem>>, vector<1x9x48xf32>
    %get3A_2450 = vector.shape_cast %get3A_2449 : vector<1x9x48xf32> to vector<9x48xf32>
    %concatenate3A_2451 = tpu.concatenate %get3A_2445, %get3A_2450 in 1 : vector<9x48xf32>, vector<9x48xf32> -> vector<9x96xf32>
    %get3A_2452 = arith.index_cast %get3A_1 : i32 to index
    %get3A_2453 = arith.constant 0 : index
    %get3A_2454 = arith.constant 0 : index
    %get3A_2455 = vector.load %arg9[%get3A_2452, %get3A_2453, %get3A_2454] : memref<8x1x48xf32, #tpu.memory_space<vmem>>, vector<1x1x48xf32>
    %get3A_2456 = vector.shape_cast %get3A_2455 : vector<1x1x48xf32> to vector<1x48xf32>
    %get3A_2457 = arith.index_cast %get3A_4 : i32 to index
    %get3A_2458 = arith.constant 0 : index
    %get3A_2459 = arith.constant 0 : index
    %get3A_2460 = vector.load %arg9[%get3A_2457, %get3A_2458, %get3A_2459] : memref<8x1x48xf32, #tpu.memory_space<vmem>>, vector<1x1x48xf32>
    %get3A_2461 = vector.shape_cast %get3A_2460 : vector<1x1x48xf32> to vector<1x48xf32>
    %concatenate3A_2462 = tpu.concatenate %get3A_2456, %get3A_2461 in 1 : vector<1x48xf32>, vector<1x48xf32> -> vector<1x96xf32>
    %get3A_2463 = arith.constant 0 : index
    %get3A_2464 = arith.constant 0 : index
    %get3A_2465 = arith.constant 0 : index
    %get3A_2466 = vector.load %arg12[%get3A_2463, %get3A_2464, %get3A_2465] : memref<30x226x96xf32, #tpu.memory_space<vmem>>, vector<28x224x96xf32>
    %slice3A = vector.extract_strided_slice %concatenate3A_2451 {offsets = [0, 0], sizes = [1, 96], strides = [1, 1]} : vector<9x96xf32> to vector<1x96xf32>
    %squeeze3A = vector.shape_cast %slice3A : vector<1x96xf32> to vector<96xf32>
    %broadcast_in_dim3A_2467 = vector.shape_cast %squeeze3A : vector<96xf32> to vector<1x1x96xf32>
    %mul3A_2468 = vector.broadcast %broadcast_in_dim3A_2467 : vector<1x1x96xf32> to vector<28x224x96xf32>
    %mul3A_2469 = arith.mulf %get3A_2466, %mul3A_2468 : vector<28x224x96xf32>
    %get3A_2470 = arith.constant 0 : index
    %get3A_2471 = arith.constant 1 : index
    %get3A_2472 = arith.constant 0 : index
    %get3A_2473 = vector.load %arg12[%get3A_2470, %get3A_2471, %get3A_2472] : memref<30x226x96xf32, #tpu.memory_space<vmem>>, vector<28x224x96xf32>
    %slice3A_2474 = vector.extract_strided_slice %concatenate3A_2451 {offsets = [1, 0], sizes = [1, 96], strides = [1, 1]} : vector<9x96xf32> to vector<1x96xf32>
    %squeeze3A_2475 = vector.shape_cast %slice3A_2474 : vector<1x96xf32> to vector<96xf32>
    %broadcast_in_dim3A_2476 = vector.shape_cast %squeeze3A_2475 : vector<96xf32> to vector<1x1x96xf32>
    %mul3A_2477 = vector.broadcast %broadcast_in_dim3A_2476 : vector<1x1x96xf32> to vector<28x224x96xf32>
    %mul3A_2478 = arith.mulf %get3A_2473, %mul3A_2477 : vector<28x224x96xf32>
    %add3A_2479 = arith.addf %mul3A_2469, %mul3A_2478 : vector<28x224x96xf32>
    %get3A_2480 = arith.constant 0 : index
    %get3A_2481 = arith.constant 2 : index
    %get3A_2482 = arith.constant 0 : index
    %get3A_2483 = vector.load %arg12[%get3A_2480, %get3A_2481, %get3A_2482] : memref<30x226x96xf32, #tpu.memory_space<vmem>>, vector<28x224x96xf32>
    %slice3A_2484 = vector.extract_strided_slice %concatenate3A_2451 {offsets = [2, 0], sizes = [1, 96], strides = [1, 1]} : vector<9x96xf32> to vector<1x96xf32>
    %squeeze3A_2485 = vector.shape_cast %slice3A_2484 : vector<1x96xf32> to vector<96xf32>
    %broadcast_in_dim3A_2486 = vector.shape_cast %squeeze3A_2485 : vector<96xf32> to vector<1x1x96xf32>
    %mul3A_2487 = vector.broadcast %broadcast_in_dim3A_2486 : vector<1x1x96xf32> to vector<28x224x96xf32>
    %mul3A_2488 = arith.mulf %get3A_2483, %mul3A_2487 : vector<28x224x96xf32>
    %add3A_2489 = arith.addf %add3A_2479, %mul3A_2488 : vector<28x224x96xf32>
    %get3A_2490 = arith.constant 1 : index
    %get3A_2491 = arith.constant 0 : index
    %get3A_2492 = arith.constant 0 : index
    %get3A_2493 = vector.load %arg12[%get3A_2490, %get3A_2491, %get3A_2492] : memref<30x226x96xf32, #tpu.memory_space<vmem>>, vector<28x224x96xf32>
    %slice3A_2494 = vector.extract_strided_slice %concatenate3A_2451 {offsets = [3, 0], sizes = [1, 96], strides = [1, 1]} : vector<9x96xf32> to vector<1x96xf32>
    %squeeze3A_2495 = vector.shape_cast %slice3A_2494 : vector<1x96xf32> to vector<96xf32>
    %broadcast_in_dim3A_2496 = vector.shape_cast %squeeze3A_2495 : vector<96xf32> to vector<1x1x96xf32>
    %mul3A_2497 = vector.broadcast %broadcast_in_dim3A_2496 : vector<1x1x96xf32> to vector<28x224x96xf32>
    %mul3A_2498 = arith.mulf %get3A_2493, %mul3A_2497 : vector<28x224x96xf32>
    %add3A_2499 = arith.addf %add3A_2489, %mul3A_2498 : vector<28x224x96xf32>
    %get3A_2500 = arith.constant 1 : index
    %get3A_2501 = arith.constant 1 : index
    %get3A_2502 = arith.constant 0 : index
    %get3A_2503 = vector.load %arg12[%get3A_2500, %get3A_2501, %get3A_2502] : memref<30x226x96xf32, #tpu.memory_space<vmem>>, vector<28x224x96xf32>
    %slice3A_2504 = vector.extract_strided_slice %concatenate3A_2451 {offsets = [4, 0], sizes = [1, 96], strides = [1, 1]} : vector<9x96xf32> to vector<1x96xf32>
    %squeeze3A_2505 = vector.shape_cast %slice3A_2504 : vector<1x96xf32> to vector<96xf32>
    %broadcast_in_dim3A_2506 = vector.shape_cast %squeeze3A_2505 : vector<96xf32> to vector<1x1x96xf32>
    %mul3A_2507 = vector.broadcast %broadcast_in_dim3A_2506 : vector<1x1x96xf32> to vector<28x224x96xf32>
    %mul3A_2508 = arith.mulf %get3A_2503, %mul3A_2507 : vector<28x224x96xf32>
    %add3A_2509 = arith.addf %add3A_2499, %mul3A_2508 : vector<28x224x96xf32>
    %get3A_2510 = arith.constant 1 : index
    %get3A_2511 = arith.constant 2 : index
    %get3A_2512 = arith.constant 0 : index
    %get3A_2513 = vector.load %arg12[%get3A_2510, %get3A_2511, %get3A_2512] : memref<30x226x96xf32, #tpu.memory_space<vmem>>, vector<28x224x96xf32>
    %slice3A_2514 = vector.extract_strided_slice %concatenate3A_2451 {offsets = [5, 0], sizes = [1, 96], strides = [1, 1]} : vector<9x96xf32> to vector<1x96xf32>
    %squeeze3A_2515 = vector.shape_cast %slice3A_2514 : vector<1x96xf32> to vector<96xf32>
    %broadcast_in_dim3A_2516 = vector.shape_cast %squeeze3A_2515 : vector<96xf32> to vector<1x1x96xf32>
    %mul3A_2517 = vector.broadcast %broadcast_in_dim3A_2516 : vector<1x1x96xf32> to vector<28x224x96xf32>
    %mul3A_2518 = arith.mulf %get3A_2513, %mul3A_2517 : vector<28x224x96xf32>
    %add3A_2519 = arith.addf %add3A_2509, %mul3A_2518 : vector<28x224x96xf32>
    %get3A_2520 = arith.constant 2 : index
    %get3A_2521 = arith.constant 0 : index
    %get3A_2522 = arith.constant 0 : index
    %get3A_2523 = vector.load %arg12[%get3A_2520, %get3A_2521, %get3A_2522] : memref<30x226x96xf32, #tpu.memory_space<vmem>>, vector<28x224x96xf32>
    %slice3A_2524 = vector.extract_strided_slice %concatenate3A_2451 {offsets = [6, 0], sizes = [1, 96], strides = [1, 1]} : vector<9x96xf32> to vector<1x96xf32>
    %squeeze3A_2525 = vector.shape_cast %slice3A_2524 : vector<1x96xf32> to vector<96xf32>
    %broadcast_in_dim3A_2526 = vector.shape_cast %squeeze3A_2525 : vector<96xf32> to vector<1x1x96xf32>
    %mul3A_2527 = vector.broadcast %broadcast_in_dim3A_2526 : vector<1x1x96xf32> to vector<28x224x96xf32>
    %mul3A_2528 = arith.mulf %get3A_2523, %mul3A_2527 : vector<28x224x96xf32>
    %add3A_2529 = arith.addf %add3A_2519, %mul3A_2528 : vector<28x224x96xf32>
    %get3A_2530 = arith.constant 2 : index
    %get3A_2531 = arith.constant 1 : index
    %get3A_2532 = arith.constant 0 : index
    %get3A_2533 = vector.load %arg12[%get3A_2530, %get3A_2531, %get3A_2532] : memref<30x226x96xf32, #tpu.memory_space<vmem>>, vector<28x224x96xf32>
    %slice3A_2534 = vector.extract_strided_slice %concatenate3A_2451 {offsets = [7, 0], sizes = [1, 96], strides = [1, 1]} : vector<9x96xf32> to vector<1x96xf32>
    %squeeze3A_2535 = vector.shape_cast %slice3A_2534 : vector<1x96xf32> to vector<96xf32>
    %broadcast_in_dim3A_2536 = vector.shape_cast %squeeze3A_2535 : vector<96xf32> to vector<1x1x96xf32>
    %mul3A_2537 = vector.broadcast %broadcast_in_dim3A_2536 : vector<1x1x96xf32> to vector<28x224x96xf32>
    %mul3A_2538 = arith.mulf %get3A_2533, %mul3A_2537 : vector<28x224x96xf32>
    %add3A_2539 = arith.addf %add3A_2529, %mul3A_2538 : vector<28x224x96xf32>
    %get3A_2540 = arith.constant 2 : index
    %get3A_2541 = arith.constant 2 : index
    %get3A_2542 = arith.constant 0 : index
    %get3A_2543 = vector.load %arg12[%get3A_2540, %get3A_2541, %get3A_2542] : memref<30x226x96xf32, #tpu.memory_space<vmem>>, vector<28x224x96xf32>
    %slice3A_2544 = vector.extract_strided_slice %concatenate3A_2451 {offsets = [8, 0], sizes = [1, 96], strides = [1, 1]} : vector<9x96xf32> to vector<1x96xf32>
    %squeeze3A_2545 = vector.shape_cast %slice3A_2544 : vector<1x96xf32> to vector<96xf32>
    %broadcast_in_dim3A_2546 = vector.shape_cast %squeeze3A_2545 : vector<96xf32> to vector<1x1x96xf32>
    %mul3A_2547 = vector.broadcast %broadcast_in_dim3A_2546 : vector<1x1x96xf32> to vector<28x224x96xf32>
    %mul3A_2548 = arith.mulf %get3A_2543, %mul3A_2547 : vector<28x224x96xf32>
    %add3A_2549 = arith.addf %add3A_2539, %mul3A_2548 : vector<28x224x96xf32>
    %squeeze3A_2550 = vector.shape_cast %concatenate3A_2462 : vector<1x96xf32> to vector<96xf32>
    %broadcast_in_dim3A_2551 = vector.shape_cast %squeeze3A_2550 : vector<96xf32> to vector<1x1x96xf32>
    %add3A_2552 = vector.broadcast %broadcast_in_dim3A_2551 : vector<1x1x96xf32> to vector<28x224x96xf32>
    %add3A_2553 = arith.addf %add3A_2549, %add3A_2552 : vector<28x224x96xf32>
    %logistic3A_2554 = arith.negf %add3A_2553 : vector<28x224x96xf32>
    %logistic3A_2555 = math.exp %logistic3A_2554 : vector<28x224x96xf32>
    %logistic3A_2556 = arith.constant 1.000000e+00 : f32
    %logistic3A_2557 = vector.broadcast %logistic3A_2556 : f32 to vector<28x224x96xf32>
    %logistic3A_2558 = arith.addf %logistic3A_2557, %logistic3A_2555 : vector<28x224x96xf32>
    %logistic3A_2559 = arith.divf %logistic3A_2557, %logistic3A_2558 : vector<28x224x96xf32>
    %mul3A_2560 = arith.mulf %add3A_2553, %logistic3A_2559 : vector<28x224x96xf32>
    %get3A_2561 = arith.constant 1 : index
    %get3A_2562 = arith.constant 1 : index
    %get3A_2563 = arith.constant 0 : index
    %get3A_2564 = vector.load %arg12[%get3A_2561, %get3A_2562, %get3A_2563] : memref<30x226x96xf32, #tpu.memory_space<vmem>>, vector<28x224x96xf32>
    %slice3A_2565 = vector.extract_strided_slice %get3A_2564 {offsets = [0, 0, 0], sizes = [28, 224, 48], strides = [1, 1, 1]} : vector<28x224x96xf32> to vector<28x224x48xf32>
    %mul3A_2566 = vector.broadcast %get3A_7 : f32 to vector<28x224x48xf32>
    %mul3A_2567 = arith.mulf %mul3A_2566, %slice3A_2565 : vector<28x224x48xf32>
    %slice3A_2568 = vector.extract_strided_slice %get3A_2564 {offsets = [0, 0, 48], sizes = [28, 224, 48], strides = [1, 1, 1]} : vector<28x224x96xf32> to vector<28x224x48xf32>
    %mul3A_2569 = vector.broadcast %get3A_10 : f32 to vector<28x224x48xf32>
    %mul3A_2570 = arith.mulf %mul3A_2569, %slice3A_2568 : vector<28x224x48xf32>
    %add3A_2571 = arith.addf %mul3A_2567, %mul3A_2570 : vector<28x224x48xf32>
    %slice3A_2572 = vector.extract_strided_slice %mul3A_2560 {offsets = [0, 0, 0], sizes = [28, 224, 48], strides = [1, 1, 1]} : vector<28x224x96xf32> to vector<28x224x48xf32>
    %mul3A_2573 = vector.broadcast %get3A_7 : f32 to vector<28x224x48xf32>
    %mul3A_2574 = arith.mulf %mul3A_2573, %slice3A_2572 : vector<28x224x48xf32>
    %slice3A_2575 = vector.extract_strided_slice %mul3A_2560 {offsets = [0, 0, 48], sizes = [28, 224, 48], strides = [1, 1, 1]} : vector<28x224x96xf32> to vector<28x224x48xf32>
    %mul3A_2576 = vector.broadcast %get3A_10 : f32 to vector<28x224x48xf32>
    %mul3A_2577 = arith.mulf %mul3A_2576, %slice3A_2575 : vector<28x224x48xf32>
    %add3A_2578 = arith.addf %mul3A_2574, %mul3A_2577 : vector<28x224x48xf32>
    %concatenate3A_2579 = tpu.concatenate %add3A_2571, %add3A_2578 in 2 : vector<28x224x48xf32>, vector<28x224x48xf32> -> vector<28x224x96xf32>
    %swap3A_2580 = arith.constant 0 : index
    %swap3A_2581 = arith.constant 0 : index
    %swap3A_2582 = arith.constant 0 : index
    %swap3A_2583 = arith.constant 0 : index
    %swap3A_2584 = vector.load %arg10[%swap3A_2580, %swap3A_2581, %swap3A_2582, %swap3A_2583] : memref<1x28x224x96xf32, #tpu.memory_space<vmem>>, vector<1x28x224x96xf32>
    %swap3A_2585 = vector.shape_cast %swap3A_2584 : vector<1x28x224x96xf32> to vector<28x224x96xf32>
    %swap3A_2586 = vector.shape_cast %concatenate3A_2579 : vector<28x224x96xf32> to vector<1x28x224x96xf32>
    tpu.vector_store %arg10[%swap3A_2580, %swap3A_2581, %swap3A_2582, %swap3A_2583], %swap3A_2586 {strides = array<i32>} : memref<1x28x224x96xf32, #tpu.memory_space<vmem>>, vector<1x28x224x96xf32>,
    return
  }
  func.func @transform_0(%arg0: i32, %arg1: i32) -> (i32, i32) {
    %c0_i32 = arith.constant 0 : i32
    %c0_i32_0 = arith.constant 0 : i32
    %c0_i32_1 = arith.constant 0 : i32
    return %c0_i32, %c0_i32_0 : i32, i32
  }
  func.func @transform_1(%arg0: i32, %arg1: i32) -> (i32, i32) {
    %c0_i32 = arith.constant 0 : i32
    %c0_i32_0 = arith.constant 0 : i32
    %c0_i32_1 = arith.constant 0 : i32
    return %c0_i32, %c0_i32_0 : i32, i32
  }
  func.func @transform_2(%arg0: i32, %arg1: i32) -> (i32, i32, i32, i32) {
    %c0_i32 = arith.constant 0 : i32
    %c0_i32_0 = arith.constant 0 : i32
    %c0_i32_1 = arith.constant 0 : i32
    return %arg0, %arg1, %c0_i32, %c0_i32_0 : i32, i32, i32, i32
  }
  func.func @transform_3(%arg0: i32, %arg1: i32) -> (i32, i32, i32, i32) {
    %add3A = arith.constant 1 : i32
    %add3A_0 = arith.addi %arg1, %add3A : i32
    %mul3A = arith.constant 7 : i32
    %mul3A_1 = arith.muli %mul3A, %add3A_0 : i32
    %c0_i32 = arith.constant 0 : i32
    %c0_i32_2 = arith.constant 0 : i32
    %c0_i32_3 = arith.constant 0 : i32
    return %arg0, %mul3A_1, %c0_i32, %c0_i32_2 : i32, i32, i32, i32
  }
  func.func @transform_4(%arg0: i32, %arg1: i32) -> (i32, i32, i32) {
    %c0_i32 = arith.constant 0 : i32
    %c0_i32_0 = arith.constant 0 : i32
    %c0_i32_1 = arith.constant 0 : i32
    %c0_i32_2 = arith.constant 0 : i32
    return %c0_i32, %c0_i32_0, %c0_i32_1 : i32, i32, i32
  }
  func.func @transform_5(%arg0: i32, %arg1: i32) -> (i32, i32, i32) {
    %c0_i32 = arith.constant 0 : i32
    %c0_i32_0 = arith.constant 0 : i32
    %c0_i32_1 = arith.constant 0 : i32
    %c0_i32_2 = arith.constant 0 : i32
    return %c0_i32, %c0_i32_0, %c0_i32_1 : i32, i32, i32
  }
  func.func @transform_6(%arg0: i32, %arg1: i32) -> (i32, i32, i32) {
    %c0_i32 = arith.constant 0 : i32
    %c0_i32_0 = arith.constant 0 : i32
    %c0_i32_1 = arith.constant 0 : i32
    %c0_i32_2 = arith.constant 0 : i32
    return %c0_i32, %c0_i32_0, %c0_i32_1 : i32, i32, i32
  }
  func.func @transform_7(%arg0: i32, %arg1: i32) -> (i32, i32, i32) {
    %c0_i32 = arith.constant 0 : i32
    %c0_i32_0 = arith.constant 0 : i32
    %c0_i32_1 = arith.constant 0 : i32
    %c0_i32_2 = arith.constant 0 : i32
    return %c0_i32, %c0_i32_0, %c0_i32_1 : i32, i32, i32
  }
  func.func @transform_8(%arg0: i32, %arg1: i32) -> (i32, i32, i32, i32) {
    %c0_i32 = arith.constant 0 : i32
    %c0_i32_0 = arith.constant 0 : i32
    %c0_i32_1 = arith.constant 0 : i32
    return %arg0, %arg1, %c0_i32, %c0_i32_0 : i32, i32, i32, i32
  }
}

</mosaic_0001>

<sc_bundles>
// kernel: sparse-core-data-format-call.cloned.1.call-start
scs
called_computation_lowered:
.L_overlay_start_0:
0x0: {  	s2 =	sld [smem:$0x3FD9]  }
0x1: {  	s3 =	sld [smem:$0x3FFE];
	_ =	sdelay $0x1  }
0x2: {  	s1 =	srdreg.scid  }
0x3: {  	s0 =	sand.u32 $0x1, s1  }
0x4: {  	s18 =	sshll.u32 s0, $0xA;
	s2 =	sadd.s32 s3, s2  }
0x5: {  	s2 =	sadd.s32 s2, s18  }
0x6: {  	[smem:$0x3FBB] =	sst s2  }
0x7: {  	_ = 	snop  }
0x8: {  	s2 =	sld [smem:$0x3FD0];
	(tm) =	ssettm $0x1  }
0x9: {  	s19 =	sld [smem:$0x3FFB];
	_ =	sdelay $0x3  }
0xa: {  	_ =	strace s19  }
0xb: {  	s3 =	sld [smem:$0x3FFC];
	_ =	sdelay $0x3  }
0xc: {  	_ =	strace s3  }
0xd: {  	s3 =	sld [smem:$0x3FFD];
	_ =	sdelay $0x3  }
0xe: {  	_ =	strace s3  }
0xf: {  	_ =	strace $0x8FFFFFFF  }
0x10: {  	s20 =	sld [smem:$0x3FDB];
	_ =	sdelay $0x1  }
0x11: {  	s4 =	simm.s32 $_scs_section_size  }
0x12: {  	s5 =	simm.s32 $_size__tile_overlayer_lowered;
	s6 =	simm.s32 $_tile_overlayer_lowered  }
0x13: {  	s23 =	simm.s32 $0x1BFF;
	s22 =	sshll.u32 s6, $0x1;
	s3 =	sadd.s32 s4, s20  }
0x14: {  	s7 =	simm.s32 $0x0;
	s21 =	sshll.u32 s5, $0x1;
	s5 =	sadd.s32 s22, s3  }
0x15: {  	[timem:s7], [sflag:s23] =	dma.local [hbm:s5], s21  }
0x16: {  	_ =	swait.ge [sflag:s23], s21  }
0x17: {  	s4 =	ssub.s32 $0x0, s21;
	[sflag:s23] =	ssyncset.done $0x0  }
0x18: {  	[sflag:s23] =	ssyncadd.s32 s4;
	_ =	sdelay $0x1  }
0x19: {  	s24 =	simm.s32 $0x1B8B  }
0x1a: {  	_ =	swait.ge [sflag:s24], $0x1  }
0x1b: {  	[sflag:s24] =	ssyncset.done $0x0  }
0x1c: {  	s26 =	simm.s32 $0x1B8E;
	s25 =	sld [smem:$0x3FFE];
	[sflag:s24] =	ssyncadd.s32 $0xFFFFFFFF  }
0x1d: {  	s27 =	simm.s32 $execute0_lowered;
	[smem:$0x3FD2] =	sst s26  }
0x1e: {  	s5 =	sshll.u32 s27, $0x1;
	_ =	strace $0x80000046;
	[dreg:$0x1] =	wrdreg $0xFFFFFFFF  }
0x1f: {  	s28 =	simm.s32 $_size_execute0_lowered;
	s3 =	sadd.s32 s3, s5;
	[dreg:$0x0] =	wrdreg $0x0  }
0x20: {  	s5 =	sshll.u32 s28, $0x1;
	[dreg:$0x2] =	wrdreg s3  }
0x21: {  	[dreg:$0x3] =	wrdreg s5  }
0x22: {  	[dreg:$0x4] =	wrdreg $0xC0  }
0x23: {  	_ =	task [dreg:s7], $0x5FFFF  }
0x24: {  	[dreg:$0x1] =	wrdreg $0xFFFFFFFF  }
0x25: {  	[dreg:$0x0] =	wrdreg $0x60  }
0x26: {  	[dreg:$0x2] =	wrdreg s25  }
0x27: {  	[dreg:$0x3] =	wrdreg s2  }
0x28: {  	[dreg:$0x4] =	wrdreg $0x9  }
0x29: {  	_ =	task.clear_ibuf [dreg:s7], $0x5FFFF;
	_ =	strace $0x90000046  }
0x2a: {  	s29 =	simm.s32 $0x9;
	_ =	strace $0x80000048  }
0x2b: {  	_ =	swait.ge [sflag:s29], $0x1  }
0x2c: {  	[sflag:s29] =	ssyncadd.s32 $0xFFFFFFFF  }
0x2d: {  	_ =	strace $0x90000048  }
0x2e: {  	_ =	sfence  }
0x2f: {  	s30 =	sld [smem:$0x0];
	_ =	sdelay $0x2  }
0x30: {  	s31 =	sshll.u32 s1, $0xD;
	s1 =	sshrl.u32 s1, $0x2  }
0x31: {  	s3 =	sand.u32 $0x4000, s31;
	s1 =	sadd.s32 s1, s30  }
0x32: {  	s0 =	sor.u32 s3, s0;
	s1 =	sshll.u32 s1, $0x11  }
0x33: {  	s0 =	sor.u32 s1, s0  }
0x34: {  	s0 =	sadd.s32 $0x8F2B, s0  }
0x35: {  	[sflag:s0] =	ssyncadd.remote.s32 $0x1  }
0x36: {  	_ =	sfence.sel $0xFFFF  }
0x37: {  	[dreg:$0x0] =	wrdreg $0xFFFFFFFF;
	(pc) =	sbr.abs _section_cstart, $3  }
0x38: {  	[dreg:$0x1] =	wrdreg $0xFFFFFFFF  }
0x39: {  	_ =	task.clear_ibuf [dreg:s7], $0x2FFFF;
	_ =	strace $0x9FFFFFFF  }
0x3a: {  	(tm) =	ssettm $0x7FFFFFFF  }
0x3b: {  	_ =	shalt  }
tec
execute0_lowered:
.L_overlay_start_1:
0x0: {  	(tag) =	ssettag $0x1  }
0x1: {  	s0 =	rddreg [dreg:$0x0];
	s4 =	stileid.u32;
	_ =	strace $0x80000047  }
0x2: {  	s2 =	srdreg.scid;
	s30 =	simm.s32 $0x1;
	s31 =	simm.s32 $0x2  }
0x3: {  	s18 =	simm.s32 $0x0;
	s19 =	simm.s32 $0x0;
	s20 =	simm.s32 $0x0  }
0x4: {  	s10 =	simm.s32 $0x0;
	s11 =	simm.s32 $0x0;
	s17 =	simm.s32 $0x0  }
0x5: {  	s12 =	simm.s32 $0x0;
	s6 =	sand.u32 $0x1, s4;
	s29 =	sshll.u32 s2, $0x4  }
0x6: {  	s7 =	sadd.s32 $0xE00, s0;
	s1 =	ssub.s32 $0x2, s6;
	s0 =	sand.u32 $0x10, s29  }
0x7: {  	[dreg:$0x3] =	wrdreg s6;
	s3 =	sshrl.u32 s1, $0x1;
	s1 =	sand.u32 $0x1, s1  }
.Ltmp0:
0x8: {  	s0 =	sor.u32 s4, s0;
	s1 =	sadd.s32 s1, s3;
	(pc) =	sbr.rel .LBB1_1-.Ltmp0, $4  }
0x9: {  	[dreg:$0x4] =	wrdreg s7;
	s9 =	sshrl.u32 s0, $0x1;
	s8 =	smul.u32 $0x1C, s1  }
0xa: {  	s16 =	simm.s32 $0x0;
	[sflag:s30] =	ssyncpa.u1 $0x0;
	[dreg:$0x6] =	wrdreg s9  }
0xb: {  	[sflag:s31] =	ssyncpa.u1 $0x0;
	s13 =	sor.u32 $0x1, s8;
	[dreg:$0x5] =	wrdreg s8  }
0xc: {  	s15 =	smov.u32 s6;
	s14 =	smov.u32 s9;
	[dreg:$0x7] =	wrdreg s13  }
.LBB1_13:
0xd: {  	s4 =	rddreg [dreg:$0xd]  }
0xe: {  	s23 =	rddreg [dreg:$0xc]  }
0xf: {  	s17 =	rddreg [dreg:$0x8]  }
0x10: {  	s26 =	rddreg [dreg:$0x1]  }
0x11: {  	s29 =	rddreg [dreg:$0xe]  }
0x12: {  	s0 =	sshll.u32 s11, $0x8;
	s1 =	sshll.u32 s10, $0x3;
	s6 =	rddreg [dreg:$0x3]  }
0x13: {  	p0 =	sgt.s32 s10, $0x80;
	s2 =	smov.u32 s10;
	s7 =	rddreg [dreg:$0x4]  }
0x14: {  	s3 =	sshll.u32 s11, $0x7;
	s24 =	sand.u32 $0x78, s10;
	s8 =	rddreg [dreg:$0x5]  }
0x15: {  	s27 =	sand.u32 $0x7, s10;
	s31 =	simm.s32 $0xE000;
	s9 =	rddreg [dreg:$0x6]  }
0x16: {  	s0 =	sand.u32 $0xFFFFF800, s0;
	s1 =	sand.u32 $0xFFFFFC00, s1;
	s2 =	simm.s32 @!p0 $0x80  }
0x17: {  	s20 =	sand.u32 $0x300, s3;
	s0 =	sadd.s32 s0, s1;
	s2 =	sadd.s32 s4, s2  }
0x18: {  	s5 =	smul.u32 $0xA8000, s17;
	s0 =	sor.u32 s20, s0;
	s21 =	sadd.s32 $0xFFFFFF80, s2  }
0x19: {  	s1 =	ssub.s32 $0x100, s2;
	s0 =	sshrl.u32 s0, $0x8;
	p0 =	sgt.s32 s21, $0x7F  }
0x1a: {  	s13 =	rddreg [dreg:$0x7];
	s22 =	smulhi.u32 $0x124924A, s0;
	s1 =	simm.s32 @p0 $0x0  }
0x1b: {  	s18 =	rddreg [dreg:$0x9];
	s3 =	sand.u32 $0x80, s3;
	s1 =	smul.u32 s1, s23  }
0x1c: {  	s19 =	rddreg [dreg:$0xa];
	s3 =	sor.u32 s24, s3;
	s2 =	smul.u32 $0xE0, s22  }
0x1d: {  	s28 =	sshll.u32 s27, $0x12;
	s4 =	sor.u32 $0x8000, s29;
	s25 =	sshrl.u32 s3, $0x3  }
0x1e: {  	s3 =	sadd.s32 s26, s5;
	s1 =	smul.u32 $0x60, s1;
	s0 =	ssub.s32 s0, s2  }
0x1f: {  	s30 =	sor.u32 $0x80, s28;
	s2 =	sadd.s32 s25, s3;
	s0 =	sshll.u32 s0, $0x5  }
0x20: {  	s20 =	rddreg [dreg:$0xb];
	s1 =	sand.u32 $0x3FFFFFE0, s1;
	s0 =	sadd.s32 s0, s2  }
0x21: {  	[hbm4b:s0+s30] =	stream.strided.scatter [tilespmem:s4], [sflag:$0x2], s1, s31, s30, $0x20;
	[tilespmem:$0x10100] =	vst v63  }
.LBB1_14:
0x22: {  	p0 =	slt.u32 s16, $0x2  }
0x23: {  	s0 =	smov.u32 s20;
	s2 =	smov.u32 s19;
	p1 =	sgt.s32 @!p0 s20, $0x1  }
0x24: {  	s1 =	sshra.s32 @!p0 s20, $0x1F;
	s3 =	sshra.s32 @!p0 s19, $0x1F;
	p1 =	por !p1, p0  }
0x25: {  	s1 =	sand.u32 @!p0 s1, s20;
	s0 =	simm.s32 @p1 $0x1;
	p1 =	sgt.s32 @!p0 s19, $0xDF  }
0x26: {  	p2 =	sgt.s32 @!p0 s18, $0x80;
	s1 =	sxor.u32 @!p0 $0xFFFFFFFF, s1;
	p1 =	por !p1, p0  }
0x27: {  	s0 =	sadd.s32 @!p0 s1, s0;
	s1 =	sand.u32 @!p0 s3, s19;
	s2 =	simm.s32 @p1 $0xDF  }
0x28: {  	p2 =	por !p2, p0;
	s3 =	smov.u32 s18;
	s1 =	ssub.s32 @!p0 s2, s1  }
0x29: {  	p1 =	sgt.s32 @!p0 s0, $0x0;
	s0 =	ssub.s32 @!p0 $0x1, s0;
	s2 =	sadd.s32 @!p0 $0xFFFFFF21, s1  }
0x2a: {  	s3 =	simm.s32 @p2 $0x80;
	p2 =	sgt.s32 @!p0 s2, $0x0;
	s2 =	sshra.s32 @!p0 s18, $0x1F  }
0x2b: {  	s0 =	smul.u32 @!p0 $0x60, s0;
	p1 =	por !p1, p0;
	s2 =	sand.u32 @!p0 s2, s18  }
0x2c: {  	s1 =	ssub.s32 @!p0 $0xE0, s1;
	p2 =	por !p2, p0;
	s2 =	ssub.s32 @!p0 s3, s2  }
0x2d: {  	s0 =	simm.s32 @!p1 $0x0;
	s1 =	simm.s32 @!p2 $0x0;
	s3 =	sadd.s32 @!p0 $0xFFFFFF80, s2  }
0x2e: {  	s4 =	smov.u32 s14;
	s0 =	smul.u32 @!p0 s0, s1;
	p1 =	sgt.s32 @!p0 s3, $0x7F  }
0x2f: {  	s1 =	ssub.s32 @!p0 $0x100, s2;
	s2 =	sadd.s32 $0x80, s12;
	p1 =	por !p1, p0  }
0x30: {  	s3 =	sadd.s32 $0x10, s14;
	s1 =	simm.s32 @!p1 $0x0;
	p1 =	sgt.s32 s2, $0xDF  }
0x31: {  	s0 =	smul.u32 @!p0 s1, s0;
	s4 =	smov.u32 @p1 s3  }
0x32: {  	s1 =	sadd.s32 $0x2, s15;
	s3 =	smov.u32 s15;
	p2 =	sgt.s32 s4, $0xDF  }
0x33: {  	s20 =	smov.u32 s17;
	s3 =	smov.u32 @p2 s1  }
0x34: {  	s17 =	smov.u32 s15;
	s2 =	simm.s32 @p1 $0x0;
	p1 =	sgt.s32 s3, $0x1  }
0x35: {  	s19 =	smov.u32 s11;
	s3 =	smov.u32 @p1 s6;
	p1 =	sne.s32 s16, s13  }
.Ltmp1:
0x36: {  	s11 =	smov.u32 s14;
	s18 =	smov.u32 s10;
	(pc) =	sbr.rel @!p1 .LBB1_15-.Ltmp1, $4  }
0x37: {  	s10 =	smov.u32 s12;
	s0 =	sand.u32 @!p0 $0x3FFFFFE0, s0;
	s1 =	simm.s32 @!p0 $0x2  }
0x38: {  	s12 =	smov.u32 s2;
	s4 =	smov.u32 @p2 s9;
	_ =	swait.ge @!p0 [sflag:s1], s0  }
0x39: {  	s0 =	ssub.s32 @!p0 $0x0, s0;
	s14 =	smov.u32 s4;
	[sflag:s1] =	ssyncset.done @!p0 $0x0  }
0x3a: {  	s16 =	sadd.s32 $0x1, s16;
	[sflag:s1] =	ssyncadd.s32 @!p0 s0;
	s15 =	smov.u32 s3  }
.LBB1_1:
0x3b: {  	p0 =	sge.u32 s16, s8;
	s2 =	smov.u32 s15;
	s4 =	smov.u32 s14  }
0x3c: {  	s31 =	sadd.s32 $0xFFFFFFFF, s16;
	s0 =	sand.u32 @!p0 $0x1FFFFFF, s12;
	p1 =	sgt.s32 @!p0 s15, $0x1  }
0x3d: {  	s3 =	sshra.s32 @!p0 s15, $0x1F;
	s5 =	sshra.s32 @!p0 s14, $0x1F;
	s1 =	smulhi.u32 @!p0 $0x2492493, s0  }
0x3e: {  	p1 =	por !p1, p0;
	s3 =	sand.u32 @!p0 s3, s15;
	s5 =	sand.u32 @!p0 s5, s14  }
0x3f: {  	s2 =	simm.s32 @p1 $0x1;
	p1 =	sgt.s32 @!p0 s14, $0xDF;
	s3 =	sxor.u32 @!p0 $0xFFFFFFFF, s3  }
0x40: {  	s1 =	sshrl.u32 @!p0 s1, $0x1;
	p1 =	por !p1, p0;
	s2 =	sadd.s32 @!p0 s3, s2  }
0x41: {  	s1 =	smul.u32 @!p0 $0xE0, s1;
	s4 =	simm.s32 @p1 $0xDF;
	p1 =	sgt.s32 @!p0 s12, $0x60  }
0x42: {  	p2 =	sgt.s32 @!p0 s2, $0x0;
	s2 =	sshll.u32 @!p0 s2, $0x7;
	s3 =	ssub.s32 @!p0 s4, s5  }
0x43: {  	p1 =	por !p1, p0;
	s4 =	smov.u32 s12;
	s5 =	sadd.s32 @!p0 $0xFFFFFF21, s3  }
0x44: {  	s4 =	simm.s32 @p1 $0x60;
	p1 =	sgt.s32 @!p0 s5, $0x0;
	s5 =	sshra.s32 @!p0 s12, $0x1F  }
0x45: {  	s2 =	ssub.s32 @!p0 $0x80, s2;
	p2 =	por !p2, p0;
	s5 =	sand.u32 @!p0 s5, s12  }
0x46: {  	s3 =	ssub.s32 @!p0 $0xE0, s3;
	p1 =	por !p1, p0;
	s4 =	ssub.s32 @!p0 s4, s5  }
0x47: {  	s2 =	simm.s32 @!p2 $0x0;
	s3 =	simm.s32 @!p1 $0x0;
	s5 =	sadd.s32 @!p0 $0xFFFFFFA0, s4  }
0x48: {  	s0 =	ssub.s32 @!p0 s0, s1;
	s2 =	smul.u32 @!p0 s3, s2;
	p1 =	sgt.s32 @!p0 s5, $0x7F  }
0x49: {  	s3 =	ssub.s32 @!p0 $0xE0, s4;
	s4 =	smul.u32 @!p0 $0xC4000, s15;
	p1 =	por !p1, p0  }
0x4a: {  	s1 =	smul.u32 @!p0 $0xE00, s14;
	s5 =	sxor.u32 @!p0 $0xFFFFFFFF, s16;
	s3 =	simm.s32 @!p1 $0x0  }
0x4b: {  	s5 =	sshll.u32 @!p0 s5, $0xE;
	s2 =	smul.u32 @!p0 s3, s2;
	s3 =	sadd.s32 @!p0 s7, s4  }
0x4c: {  	s0 =	sshll.u32 @!p0 s0, $0x4;
	s4 =	sand.u32 @!p0 $0x4000, s5;
	s1 =	sadd.s32 @!p0 s1, s3  }
0x4d: {  	s2 =	sand.u32 @!p0 $0x3FFFFF80, s2;
	s0 =	sadd.s32 @!p0 s0, s1;
	s1 =	simm.s32 @!p0 $0x0  }
0x4e: {  	[tilespmem:s4], [sflag:$0x1] =	stream.linear.gather @!p0 [hbm4b:s0+s1], s2, $0x38;
	[tilespmem:$0x10100] =	vst v63  }
0x4f: {  	p0 =	sge.u32 s31, s8  }
.Ltmp2:
0x50: {  	_ = 	snop;
	(pc) =	sbr.rel @p0 .LBB1_14-.Ltmp2, $1  }
0x51: {  	_ =	sdelay $0x3  }
0x52: {  	p0 =	sgt.s32 s17, $0x1  }
0x53: {  	s0 =	sshra.s32 s17, $0x1F;
	p1 =	sgt.s32 s11, $0xDF;
	s1 =	smov.u32 s11  }
0x54: {  	s2 =	sshra.s32 s11, $0x1F;
	s3 =	smov.u32 s17;
	s24 =	ssub.s32 $0x0, s10  }
0x55: {  	s25 =	sshra.s32 s10, $0x1F;
	p2 =	sgt.s32 s10, $0x60;
	s4 =	smov.u32 s10  }
0x56: {  	s0 =	sand.u32 s0, s17;
	s1 =	simm.s32 @!p1 $0xDF;
	s2 =	sand.u32 s2, s11  }
0x57: {  	s3 =	simm.s32 @!p0 $0x1;
	s0 =	sxor.u32 $0xFFFFFFFF, s0;
	s1 =	ssub.s32 s1, s2  }
0x58: {  	s4 =	simm.s32 @!p2 $0x60;
	s0 =	sadd.s32 s0, s3;
	s2 =	sadd.s32 $0xFFFFFF21, s1  }
0x59: {  	s1 =	ssub.s32 $0xE0, s1;
	p0 =	sgt.s32 s0, $0x0;
	s0 =	ssub.s32 $0x1, s0  }
0x5a: {  	p1 =	sgt.s32 s2, $0x0;
	s2 =	sand.u32 s24, s25;
	s0 =	simm.s32 @p0 $0x0  }
0x5b: {  	s1 =	simm.s32 @p1 $0x0;
	[dreg:$0xd] =	wrdreg s2;
	s2 =	sadd.s32 s2, s4  }
0x5c: {  	s26 =	smul.u32 s0, s1;
	s27 =	sadd.s32 $0xFFFFFFA0, s2  }
0x5d: {  	s0 =	ssub.s32 $0xE0, s2;
	s1 =	sadd.s32 $0x1, s17;
	p0 =	sgt.s32 s27, $0x7F  }
0x5e: {  	s2 =	sadd.s32 $0x1, s11;
	s0 =	simm.s32 @p0 $0x0;
	p0 =	slt.s32 s1, $0x2  }
0x5f: {  	s1 =	simm.s32 @!p0 $0x2;
	p0 =	slt.s32 s2, $0xE0  }
0x60: {  	s23 =	ssub.s32 s1, s17;
	s2 =	simm.s32 @!p0 $0xE0;
	s1 =	sadd.s32 $0x80, s10  }
0x61: {  	s24 =	ssub.s32 s2, s11;
	p1 =	slt.s32 s1, $0xE0;
	p0 =	slt.s32 s23, $0x1  }
0x62: {  	[dreg:$0xb] =	wrdreg s20;
	s1 =	simm.s32 @!p1 $0xE0;
	p1 =	slt.s32 @!p0 s24, $0x1  }
0x63: {  	[dreg:$0xa] =	wrdreg s19;
	s25 =	ssub.s32 s1, s10;
	p1 =	por p0, p1  }
0x64: {  	[dreg:$0x9] =	wrdreg s18;
	s0 =	smul.u32 s0, s26;
	p2 =	slt.s32 @!p1 s25, $0x1  }
0x65: {  	[dreg:$0x8] =	wrdreg s17;
	p1 =	por p1, p2  }
.Ltmp3:
0x66: {  	s29 =	simm.s32 $0x1;
	s0 =	sshll.u32 s0, $0x7;
	(pc) =	sbr.rel @p1 .LBB1_13-.Ltmp3, $4  }
0x67: {  	[dreg:$0xc] =	wrdreg s26;
	s28 =	sand.u32 $0x3FFFFF80, s0;
	s0 =	sand.u32 $0x1, s16  }
0x68: {  	_ =	swait.ge [sflag:s29], s28;
	s31 =	smul.u32 $0x4080, s0  }
0x69: {  	s30 =	ssub.s32 $0x0, s28;
	[sflag:s29] =	ssyncset.done $0x0  }
0x6a: {  	[sflag:s29] =	ssyncadd.s32 s30;
	[dreg:$0xe] =	wrdreg s31  }
.Ltmp4:
0x6b: {  	(pc) =	sbr.rel .LBB1_4-.Ltmp4, $3  }
0x6c: {  	_ =	sdelay $0x1  }
0x6d: {  	s26 =	sshll.u32 @!p0 s0, $0xE;
	s0 =	rddreg [dreg:$0xe]  }
0x6e: {  	s28 =	simm.s32 $0x0;
	s27 =	sor.u32 @!p0 $0x8000, s0  }
.LBB1_12:
0x6f: {  	s28 =	sadd.s32 $0x1, s28  }
0x70: {  	p0 =	sne.s32 s28, s23  }
.Ltmp5:
0x71: {  	_ = 	snop;
	(pc) =	sbr.rel @!p0 .LBB1_13-.Ltmp5, $1  }
0x72: {  	_ =	sdelay $0x3  }
.LBB1_4:
0x73: {  	s0 =	smul.u32 $0x10200, s28;
	_ =	sdelay $0x1  }
0x74: {  	s0 =	sshra.s32 s0, $0x2  }
0x75: {  	s29 =	sadd.s32 s0, s27  }
0x76: {  	s9 =	simm.s32 $0x0;
	s30 =	sadd.s32 $0x810, s29;
	s31 =	sadd.s32 $0x1020, s29  }
0x77: {  	s0 =	sadd.s32 $0x1830, s29;
	s1 =	sadd.s32 $0x2040, s29;
	s2 =	sadd.s32 $0x2850, s29  }
.LBB1_5:
0x78: {  	s3 =	sadd.s32 s28, s9  }
0x79: {  	s3 =	sshll.u32 s3, $0x10  }
0x7a: {  	s3 =	sshra.s32 s3, $0x2  }
0x7b: {  	s3 =	sadd.s32 s3, s26  }
0x7c: {  	v0 =	vmov s3;
	_ =	sdelay $0x2  }
0x7d: {  	s17 =	simm.s32 $0x0  }
0x7e: {  	p1 =	sne.s32 s25, $0x1;
	s21 =	sand.u32 $0x3F80, s17  }
.Ltmp6:
0x7f: {  	s22 =	sand.u32 $0x7, s9;
	v8 =	vld.idx.msk [tilespmem:v0+s21+$0x0 ss:$0x1], $0xffff;
	(pc) =	sbr.rel @!p1 .LBB1_6-.Ltmp6, $4  }
0x80: {  	s13 =	simm.s32 $0x1;
	s5 =	smul.u32 $0x81, s22;
	v9 =	vld.idx.msk [tilespmem:v0+s21+$0x10 ss:$0x1], $0xffff  }
0x81: {  	s18 =	simm.s32 $0x80;
	p0 =	por $0x0, $0x0;
	s17 =	sand.u32 $0x7F, s17;
	v10 =	vld.idx.msk [tilespmem:v0+s21+$0x20 ss:$0x1], $0xffff  }
0x82: {  	s6 =	sadd.s32 s5, s29;
	s7 =	sadd.s32 s5, s31;
	s8 =	sadd.s32 s5, s0;
	v11 =	vld.idx.msk [tilespmem:v0+s21+$0x30 ss:$0x1], $0xffff  }
0x83: {  	s4 =	sadd.s32 s5, s1;
	s3 =	sadd.s32 s5, s30;
	s5 =	sadd.s32 s5, s2;
	v7 =	vld.idx.msk [tilespmem:v0+s21+$0x40 ss:$0x1], $0xffff  }
0x84: {  	_ =	sdelay $0x3  }
0x85: {  	s20 =	sand.u32 $0x3F80, s18;
	s19 =	sadd.s32 s17, s6;
	v1 =	vld.idx.msk [tilespmem:v0+s21+$0x50 ss:$0x1], $0xffff;
	p1 =	sne.s32 s25, $0x2  }
.Ltmp7:
0x86: {  	s22 =	sadd.s32 s17, s3;
	v2 =	vld.idx.msk [tilespmem:v0+s20+$0x0 ss:$0x1], $0xffff;
	[tilespmem:s19+$0x0 ss:$0x81] =	vst.msk $0xffff, v8;
	(pc) =	sbr.rel @!p1 .LBB1_8-.Ltmp7, $4  }
0x87: {  	v3 =	vld.idx.msk [tilespmem:v0+s20+$0x10 ss:$0x1], $0xffff;
	[tilespmem:s22+$0x0 ss:$0x81] =	vst.msk $0xffff, v9;
	s19 =	sadd.s32 s17, s7  }
0x88: {  	v4 =	vld.idx.msk [tilespmem:v0+s20+$0x20 ss:$0x1], $0xffff;
	s22 =	sadd.s32 s17, s8;
	[tilespmem:s19+$0x0 ss:$0x81] =	vst.msk $0xffff, v10  }
0x89: {  	s21 =	simm.s32 $0x2;
	s18 =	sadd.s32 s17, s5;
	v5 =	vld.idx.msk [tilespmem:v0+s20+$0x30 ss:$0x1], $0xffff;
	s19 =	sadd.s32 s17, s4;
	[tilespmem:s22+$0x0 ss:$0x81] =	vst.msk $0xffff, v11  }
0x8a: {  	p0 =	por $0x1, $0x1;
	v6 =	vld.idx.msk [tilespmem:v0+s20+$0x40 ss:$0x1], $0xffff;
	s22 =	sand.u32 $0x7F, s13;
	s13 =	simm.s32 $0x100;
	[tilespmem:s19+$0x0 ss:$0x81] =	vst.msk $0xffff, v7  }
.LBB1_9:
0x8b: {  	s19 =	smov.u32 s21;
	s21 =	sadd.s32 $0x1, s21  }
0x8c: {  	s17 =	sadd.s32 s22, s6;
	[tilespmem:s18+$0x0 ss:$0x81] =	vst.msk $0xffff, v1;
	v1 =	vld.idx.msk [tilespmem:v0+s20+$0x50 ss:$0x1], $0xffff;
	s20 =	sand.u32 $0x3F80, s13;
	p1 =	sne.s32 s25, s21  }
.Ltmp8:
0x8d: {  	[tilespmem:s17+$0x0 ss:$0x81] =	vst.msk $0xffff, v2;
	v2 =	vld.idx.msk [tilespmem:v0+s20+$0x0 ss:$0x1], $0xffff;
	s17 =	sadd.s32 s22, s3;
	(pc) =	sbr.rel @p1 .LBB1_9-.Ltmp8, $4  }
0x8e: {  	[tilespmem:s17+$0x0 ss:$0x81] =	vst.msk $0xffff, v3;
	v3 =	vld.idx.msk [tilespmem:v0+s20+$0x10 ss:$0x1], $0xffff;
	s17 =	sadd.s32 s22, s7  }
0x8f: {  	[tilespmem:s17+$0x0 ss:$0x81] =	vst.msk $0xffff, v4;
	v4 =	vld.idx.msk [tilespmem:v0+s20+$0x20 ss:$0x1], $0xffff;
	s17 =	sadd.s32 s22, s8  }
0x90: {  	[tilespmem:s17+$0x0 ss:$0x81] =	vst.msk $0xffff, v5;
	v5 =	vld.idx.msk [tilespmem:v0+s20+$0x30 ss:$0x1], $0xffff;
	s17 =	sadd.s32 s22, s4  }
0x91: {  	s13 =	sadd.s32 $0x80, s13;
	s18 =	sadd.s32 s22, s5;
	s22 =	sand.u32 $0x7F, s19;
	[tilespmem:s17+$0x0 ss:$0x81] =	vst.msk $0xffff, v6;
	v6 =	vld.idx.msk [tilespmem:v0+s20+$0x40 ss:$0x1], $0xffff  }
0x92: {  	_ =	sdelay $0x3  }
0x93: {  	s17 =	smov.u32 s22;
	s21 =	smov.u32 s20;
	v8 =	vmovc v2;
	v9 =	vmovc v3;
	v10 =	vmov v4;
	v11 =	vmov v5;
	v7 =	vmov v6  }
.LBB1_11:
0x94: {  	_ =	sdelay $0x2  }
0x95: {  	s6 =	sadd.s32 s17, s6;
	[tilespmem:s18+$0x0 ss:$0x81] =	vst.msk @p0 $0xffff, v1;
	s9 =	sadd.s32 $0x1, s9  }
0x96: {  	v0 =	vld.idx.msk [tilespmem:v0+s21+$0x50 ss:$0x1], $0xffff;
	s3 =	sadd.s32 s17, s3;
	[tilespmem:s6+$0x0 ss:$0x81] =	vst.msk $0xffff, v8;
	p0 =	sne.s32 s9, s24  }
.Ltmp9:
0x97: {  	s19 =	sadd.s32 s17, s7;
	[tilespmem:s3+$0x0 ss:$0x81] =	vst.msk $0xffff, v9;
	(pc) =	sbr.rel @p0 .LBB1_5-.Ltmp9, $4  }
.Ltmp10:
0x98: {  	s20 =	sadd.s32 s17, s8;
	[tilespmem:s19+$0x0 ss:$0x81] =	vst.msk $0xffff, v10;
	(pc) =	sbr.rel @!p0 .LBB1_12-.Ltmp10, $4  }
0x99: {  	s21 =	sadd.s32 s17, s4;
	[tilespmem:s20+$0x0 ss:$0x81] =	vst.msk $0xffff, v11  }
0x9a: {  	s22 =	sadd.s32 s17, s5;
	[tilespmem:s21+$0x0 ss:$0x81] =	vst.msk $0xffff, v7  }
0x9b: {  	[tilespmem:s22+$0x0 ss:$0x81] =	vst.msk $0xffff, v0  }
0x9c: {  	_ = 	snop  }
.LBB1_6:
.Ltmp11:
0x9d: {  	(pc) =	sbr.rel .LBB1_11-.Ltmp11, $2  }
0x9e: {  	_ =	sdelay $0x2  }
0x9f: {  	_ = 	snop  }
.LBB1_8:
.Ltmp12:
0xa0: {  	_ = 	snop;
	(pc) =	sbr.rel .LBB1_11-.Ltmp12, $2  }
0xa1: {  	_ =	sdelay $0x2  }
0xa2: {  	s17 =	smov.u32 s22;
	s21 =	smov.u32 s20;
	v8 =	vmovc v2;
	v9 =	vmovc v3;
	v10 =	vmov v4;
	v11 =	vmov v5;
	v7 =	vmov v6  }
.LBB1_15:
0xa3: {  	_ =	sfence.sel $0x180000  }
0xa4: {  	s0 =	simm.s32 $0x1;
	[bflag:$0x0] =	sbarrier.arrive $0xFFFF  }
0xa5: {  	s30 =	simm.s32 $0x2;
	[sflag:s0] =	ssyncpa.u1 $0x1  }
0xa6: {  	[sflag:s30] =	ssyncpa.u1 $0x1  }
0xa7: {  	_ =	strace $0x90000047  }
0xa8: {  	s31 =	stileid.u32;
	[bflag:$0x2] =	sbarrier.arrive $0xFFFF  }
0xa9: {  	p0 =	sne.s32 s31, $0x0;
	s0 =	rddreg [dreg:$0x2]  }
0xaa: {  	s0 =	sadd.s32 @!p0 $0x100000, s0  }
0xab: {  	[sflag:s0] =	ssyncadd.tile.s32 @!p0 $0x1;
	_ =	shalt  }
.Lfunc_end1:
_tile_overlayer_lowered:
.L_overlay_start_2:
0xac: {  	(tag) =	ssettag $0x2  }
0xad: {  	s0 =	rddreg [dreg:$0x0];
	s2 =	stileid.u32  }
0xae: {  	s1 =	rddreg [dreg:$0x1];
	p0 =	sne.s32 s2, $0x0  }
0xaf: {  	s3 =	rddreg [dreg:$0x2];
	[bflag:$0x3] =	sbarrier.arrive $0xFFFF;
	s2 =	simm.s32 @!p0 $0x1C01  }
0xb0: {  	[timem:s3], [sflag:s2] =	dma.local @!p0 [hbm:s0], s1  }
0xb1: {  	s0 =	simm.s32 @!p0 $0x1  }
0xb2: {  	_ =	swait.ge @!p0 [sflag:s0], s1  }
0xb3: {  	s1 =	ssub.s32 @!p0 $0x0, s1;
	[sflag:s0] =	ssyncset.done @!p0 $0x0  }
0xb4: {  	[sflag:s0] =	ssyncadd.s32 @!p0 s1  }
0xb5: {  	[bflag:$0x3] =	sbarrier.arrive $0xFFFF  }
0xb6: {  	_ =	shalt  }

</sc_bundles>
